<compile_context>
chip_gen: v7x
topology: tpu7x:2x2x1
jax: 0.10.2.dev20260603
libtpu: 0.0.44.dev20260713+nightly
codegen_flags: <defaults>
</compile_context>

<pallas_src>
import functools

import jax
import jax.numpy as jnp
from jax import lax
from jax.experimental import pallas as pl
from jax.experimental.pallas import tpu as pltpu
from jax.experimental.pallas import tpu_sc as plsc

BATCH = 4
HGT = 14
WID = 14
HW = HGT * WID
CH = 384
RAD = 2
NOFF = 25
KK = 3
NSEL = KK * KK
NWORK = 32
RPB = 1792
ROWS_PER_W = 224
ROWS_PAD = NWORK * ROWS_PER_W
IDX_CHUNK = 56
NCHUNK = 4
PCHW = CH // 2
CHW = 256
BIG = 1e30

_OFFSETS = [(di, dj) for di in range(-RAD, RAD + 1) for dj in range(-RAD, RAD + 1)]


def _select_body(xin_ref, sel_ref, xp_ref):
    b = pl.program_id(0)
    xin = xin_ref[0]
    g = lax.dot_general(xin, xin, (((0,), (0,)), ((), ())),
                        preferred_element_type=jnp.float32)
    packed = pltpu.bitcast(xin.astype(jnp.bfloat16), jnp.int32).T
    xp_ref[0] = jnp.concatenate(
        [packed, jnp.zeros((HW, CHW - PCHW), jnp.int32)], axis=1)
    jj = lax.broadcasted_iota(jnp.int32, (HW, HW), 0)
    ll = lax.broadcasted_iota(jnp.int32, (HW, HW), 1)
    n = jnp.sqrt(jnp.sum(xin * xin, axis=0, keepdims=True))
    gs = g / (n.T * n)

    lcol = ll % WID
    d_rows = []
    for (di, dj) in _OFFSETS:
        off = di * WID + dj
        cond = jnp.logical_and(jj == ll + off,
                               jnp.logical_and(lcol + dj >= 0, lcol + dj < WID))
        val = jnp.sum(jnp.where(cond, gs, 0.0), axis=0, keepdims=True)
        has = jnp.sum(jnp.where(cond, 1.0, 0.0), axis=0, keepdims=True) > 0.0
        d_rows.append(jnp.where(has, val, BIG))
    d = jnp.concatenate(d_rows, axis=0)

    slot = lax.broadcasted_iota(jnp.int32, (NOFF, HW), 0)
    selmask = slot < 0
    for _ in range(NSEL):
        m = jnp.min(d, axis=0, keepdims=True)
        cand = jnp.where(d == m, slot, NOFF)
        s = jnp.min(cand, axis=0, keepdims=True)
        hit = slot == s
        selmask = jnp.logical_or(selmask, hit)
        d = jnp.where(hit, BIG, d)

    lrow = lax.broadcasted_iota(jnp.int32, (1, HW), 1)
    run = jnp.zeros((1, HW), jnp.int32)
    sel_rows = [jnp.zeros((1, HW), jnp.int32) for _ in range(NSEL)]
    for n, (di, dj) in enumerate(_OFFSETS):
        mrow = selmask[n:n + 1, :]
        gidx = lrow + (di * WID + dj)
        for p in range(NSEL):
            sel_rows[p] = jnp.where(jnp.logical_and(mrow, run == p),
                                    gidx, sel_rows[p])
        run = run + jnp.where(mrow, 1, 0)
    base = b * HW
    sel_ref[0] = jnp.concatenate(
        [sel_rows[p] + base for p in range(NSEL)], axis=0)


def _conv_body(xg_ref, wt_ref, out_ref):
    acc = None
    for p in range(NSEL):
        xgp = pltpu.bitcast(xg_ref[0, pl.ds(p * HW, HW), :].T,
                            jnp.bfloat16)[0:CH]
        part = lax.dot_general(wt_ref[p], xgp, (((1,), (0,)), ((), ())),
                               preferred_element_type=jnp.float32)
        acc = part if acc is None else acc + part
    out_ref[0] = acc


def _sc_gather_types():
    return dict(
        out_type=jax.ShapeDtypeStruct((NWORK, ROWS_PER_W, CHW), jnp.int32),
        scratch_types=[
            pltpu.VMEM((NCHUNK, IDX_CHUNK), jnp.int32),
            pltpu.VMEM((ROWS_PER_W, CHW), jnp.int32),
            pltpu.SemaphoreType.DMA,
            pltpu.SemaphoreType.DMA,
        ],
    )


def _sc_gather(table, selw):
    mesh = plsc.VectorSubcoreMesh(core_axis_name="c", subcore_axis_name="s")

    @functools.partial(pl.kernel, mesh=mesh, **_sc_gather_types())
    def k(table_hbm, sel_hbm, out_hbm, idx_v, rows_v, sem, sem2):
        wid = lax.axis_index("s") * 2 + lax.axis_index("c")
        pltpu.sync_copy(sel_hbm.at[wid], idx_v)
        gathers = [
            pltpu.async_copy(table_hbm.at[idx_v.at[i]],
                             rows_v.at[pl.ds(i * IDX_CHUNK, IDX_CHUNK)], sem)
            for i in range(NCHUNK)
        ]
        stores = []
        for i in range(NCHUNK):
            gathers[i].wait()
            stores.append(
                pltpu.async_copy(
                    rows_v.at[pl.ds(i * IDX_CHUNK, IDX_CHUNK)],
                    out_hbm.at[wid].at[pl.ds(i * IDX_CHUNK, IDX_CHUNK)],
                    sem2))
        for cp in stores:
            cp.wait()

    return k(table, selw)


def kernel(x, Wc):
    xin = x.reshape(BATCH, CH, HW)
    wt = jnp.transpose(Wc.reshape(CH, CH, NSEL),
                       (2, 0, 1)).astype(jnp.bfloat16)
    sel, xp = pl.pallas_call(
        _select_body,
        grid=(BATCH,),
        in_specs=[pl.BlockSpec((1, CH, HW), lambda i: (i, 0, 0))],
        out_specs=[
            pl.BlockSpec((1, NSEL, HW), lambda i: (i, 0, 0)),
            pl.BlockSpec((1, HW, CHW), lambda i: (i, 0, 0)),
        ],
        out_shape=[
            jax.ShapeDtypeStruct((BATCH, NSEL, HW), jnp.int32),
            jax.ShapeDtypeStruct((BATCH, HW, CHW), jnp.int32),
        ],
    )(xin)
    selw = jnp.pad(sel.reshape(BATCH, NSEL * HW), ((0, 0), (0, RPB - NSEL * HW)))
    xg = _sc_gather(xp.reshape(BATCH * HW, CHW),
                    selw.reshape(NWORK, NCHUNK, IDX_CHUNK))
    out = pl.pallas_call(
        _conv_body,
        grid=(BATCH,),
        in_specs=[
            pl.BlockSpec((1, RPB, CHW), lambda i: (i, 0, 0)),
            pl.BlockSpec((NSEL, CH, CH), lambda i: (0, 0, 0)),
        ],
        out_specs=pl.BlockSpec((1, CH, HW), lambda i: (i, 0, 0)),
        out_shape=jax.ShapeDtypeStruct((BATCH, CH, HW), jnp.float32),
    )(xg.reshape(BATCH, RPB, CHW), wt)
    return out.reshape(BATCH, CH, HGT, WID)

# --- scband reference (transcript-rebuilt; emitter-appended) ---
"""Pipeline reference for scband-dconv-cos-71408126263594 (READ-ONLY COPY).

The authoritative reference and input builder live on the scoring server;
editing this copy changes nothing except your own understanding.
"""

import jax, jax.numpy as jnp
import numpy as np

H, W_DIM, C_IN, C_OUT, WIN, K = 14, 14, 384, 384, 5, 3
B = 4


def _neighbors(h, w, win):
    d = {}
    r = (win - 1) // 2
    for ki in range(h):
        for kj in range(w):
            lst = []
            for i in range(h):
                for j in range(w):
                    if abs(i - ki) <= r and abs(j - kj) <= r:
                        lst.append(i * w + j)
            d[(ki, kj)] = np.array(lst, dtype=np.int32)
    return d


def setup_inputs(seed: int = 0):
    key = jax.random.key(seed)
    k1, k2 = jax.random.split(key)
    x = jax.random.normal(k1, (B, C_IN, H, W_DIM), dtype=jnp.float32)
    Wc = jax.random.normal(k2, (C_OUT, C_IN, K, K), dtype=jnp.float32) * 0.02
    return {"x": x, "Wc": Wc}


def reference(x, Wc):
    b, c, h, w = x.shape
    xf = x.reshape(b, c, h * w)
    nbrs = _neighbors(h, w, WIN)
    sel_all = []
    for ki in range(h):
        for kj in range(w):
            idx = nbrs[(ki, kj)]
            v1 = xf[:, :, ki * w + kj]              # [B, C]
            v2 = xf[:, :, idx]                       # [B, C, L]
            dot = jnp.einsum('bcl,bc->bl', v2, v1)   # [B, L]
            n1 = jnp.linalg.norm(v1, axis=1)         # [B]
            n2 = jnp.linalg.norm(v2, axis=1)         # [B, L]
            dist = dot / (n1[:, None] * n2)
            # torch.sort(..., descending=False): ascending -> picks LEAST similar (faithful)
            orders = jnp.argsort(dist, axis=1)       # [B, L]
            sel = jnp.take(jnp.asarray(idx), orders)[:, :K * K]  # [B, 9]
            sel = jnp.sort(sel, axis=1)
            sel_all.append(sel)
    sel_all = jnp.stack(sel_all, axis=0)             # [h*w, B, 9]
    idx_map = sel_all.reshape(h, w, b, K, K)
    idx_map = jnp.transpose(idx_map, (2, 0, 3, 1, 4)).reshape(b, h * K, w * K).reshape(b, -1)
    x_off = jnp.take_along_axis(
        xf, jnp.broadcast_to(idx_map[:, None, :], (b, c, idx_map.shape[1])), axis=2)
    x_off = x_off.reshape(b, c, h * K, w * K)
    out = jax.lax.conv_general_dilated(
        x_off, Wc, window_strides=(K, K), padding='VALID',
        dimension_numbers=('NCHW', 'OIHW', 'NCHW'))
    return out

if __name__ == "__main__":
    import jax
    _d = setup_inputs()
    print(jax.jit(kernel)(*tuple(_d.values())))

</pallas_src>

<mosaic_0001>
#map = affine_map<(d0, d1) -> (0, 0)>
#map1 = affine_map<(d0, d1) -> (0, 0, 0)>
module attributes {stable_mosaic.version = 14 : i64} {
  func.func @k(%arg0: i32, %arg1: i32, %arg2: memref<784x256xi32, #tpu.memory_space<hbm>>, %arg3: memref<32x4x56xi32, #tpu.memory_space<hbm>>, %arg4: memref<32x224x256xi32, #tpu.memory_space<hbm>>, %arg5: memref<4x56xi32, #tpu.memory_space<vmem>>, %arg6: memref<224x256xi32, #tpu.memory_space<vmem>>, %arg7: memref<!tpu.dma_semaphore, #tpu.memory_space<semaphore_mem>>, %arg8: memref<!tpu.dma_semaphore, #tpu.memory_space<semaphore_mem>>) attributes {dimension_semantics = [#tpu.dimension_semantics<core_parallel>, #tpu.dimension_semantics<subcore_parallel>], iteration_bounds = array<i64: 2, 16>, scalar_prefetch = 0 : i64, scratch_operands = 4 : i64, tpu.core_type = #tpu.core_type<sc_vector_subcore>, window_params = [{transform_indices = #map}, {transform_indices = #map1}, {transform_indices = #map1}]} {
    %mul3A = arith.constant 2 : i32
    %mul3A_0 = arith.muli %arg1, %mul3A : i32
    %add3A = arith.addi %mul3A_0, %arg0 : i32
    "tpu.region"() ({
      %run_scoped3A = tpu.sem_alloc : memref<!tpu.dma_semaphore, #tpu.memory_space<semaphore_mem>>
      %dma_start3A_239 = arith.constant 0 : i32
      %dma_start3A_240 = arith.constant 0 : i32
      %dma_start3A_241 = tpu.memref_slice %arg3[%add3A, %dma_start3A_239, %dma_start3A_240] : memref<32x4x56xi32, #tpu.memory_space<hbm>> -> memref<1x4x56xi32, #tpu.memory_space<hbm>>
      %dma_start3A_242 = tpu.memref_squeeze %dma_start3A_241 : memref<1x4x56xi32, #tpu.memory_space<hbm>> -> memref<4x56xi32, #tpu.memory_space<hbm>>
      %dma_start3A_243 = arith.constant 0 : i32
      %dma_start3A_244 = arith.constant 0 : i32
      %dma_start3A_245 = tpu.memref_slice %arg3[%add3A, %dma_start3A_243, %dma_start3A_244] : memref<32x4x56xi32, #tpu.memory_space<hbm>> -> memref<1x4x56xi32, #tpu.memory_space<hbm>>
      %dma_start3A_246 = tpu.memref_squeeze %dma_start3A_245 : memref<1x4x56xi32, #tpu.memory_space<hbm>> -> memref<4x56xi32, #tpu.memory_space<hbm>>
      tpu.enqueue_dma source(%dma_start3A_246 : memref<4x56xi32, #tpu.memory_space<hbm>>) target(%arg5 : memref<4x56xi32, #tpu.memory_space<vmem>>) target_semaphore(%run_scoped3A : memref<!tpu.dma_semaphore, #tpu.memory_space<semaphore_mem>>)
      %dma_wait3A_247 = arith.constant 0 : i32
      %dma_wait3A_248 = arith.constant 0 : i32
      %dma_wait3A_249 = tpu.memref_slice %arg3[%add3A, %dma_wait3A_247, %dma_wait3A_248] : memref<32x4x56xi32, #tpu.memory_space<hbm>> -> memref<1x4x56xi32, #tpu.memory_space<hbm>>
      %dma_wait3A_250 = tpu.memref_squeeze %dma_wait3A_249 : memref<1x4x56xi32, #tpu.memory_space<hbm>> -> memref<4x56xi32, #tpu.memory_space<hbm>>
      %dma_wait3A_251 = arith.constant 0 : i32
      %dma_wait3A_252 = arith.constant 0 : i32
      %dma_wait3A_253 = tpu.memref_slice %arg3[%add3A, %dma_wait3A_251, %dma_wait3A_252] : memref<32x4x56xi32, #tpu.memory_space<hbm>> -> memref<1x4x56xi32, #tpu.memory_space<hbm>>
      %dma_wait3A_254 = tpu.memref_squeeze %dma_wait3A_253 : memref<1x4x56xi32, #tpu.memory_space<hbm>> -> memref<4x56xi32, #tpu.memory_space<hbm>>
      tpu.wait_dma2 semaphore(%run_scoped3A : memref<!tpu.dma_semaphore, #tpu.memory_space<semaphore_mem>>) src(%dma_wait3A_254 : memref<4x56xi32, #tpu.memory_space<hbm>>) dst(%arg5 : memref<4x56xi32, #tpu.memory_space<vmem>>)
      tpu.yield
    }) : () -> ()
    %dma_start3A = arith.constant 0 : i32
    %dma_start3A_1 = arith.constant 0 : i32
    %dma_start3A_2 = arith.constant 0 : i32
    %dma_start3A_3 = tpu.memref_slice %arg6[%dma_start3A_1, %dma_start3A_2] : memref<224x256xi32, #tpu.memory_space<vmem>> -> memref<56x256xi32, #tpu.memory_space<vmem>>
    %dma_start3A_4 = arith.constant 0 : i32
    %dma_start3A_5 = tpu.memref_slice %arg5[%dma_start3A, %dma_start3A_4] : memref<4x56xi32, #tpu.memory_space<vmem>> -> memref<1x56xi32, #tpu.memory_space<vmem>>
    %dma_start3A_6 = tpu.memref_squeeze %dma_start3A_5 : memref<1x56xi32, #tpu.memory_space<vmem>> -> memref<56xi32, #tpu.memory_space<vmem>>
    %dma_start3A_7 = arith.constant 0 : i32
    %dma_start3A_8 = arith.constant 0 : i32
    %dma_start3A_9 = tpu.memref_slice %arg2[%dma_start3A_7, %dma_start3A_8] : memref<784x256xi32, #tpu.memory_space<hbm>> -> memref<784x256xi32, #tpu.memory_space<hbm>>
    tpu.enqueue_indirect_dma source(%dma_start3A_9 : memref<784x256xi32, #tpu.memory_space<hbm>>) target(%dma_start3A_3 : memref<56x256xi32, #tpu.memory_space<vmem>>) offsets(%dma_start3A_6 : memref<56xi32, #tpu.memory_space<vmem>>) semaphore(%arg7 : memref<!tpu.dma_semaphore, #tpu.memory_space<semaphore_mem>>)
    %dma_start3A_10 = arith.constant 1 : i32
    %dma_start3A_11 = arith.constant 56 : i32
    %dma_start3A_12 = arith.constant 0 : i32
    %dma_start3A_13 = tpu.memref_slice %arg6[%dma_start3A_11, %dma_start3A_12] : memref<224x256xi32, #tpu.memory_space<vmem>> -> memref<56x256xi32, #tpu.memory_space<vmem>>
    %dma_start3A_14 = arith.constant 0 : i32
    %dma_start3A_15 = tpu.memref_slice %arg5[%dma_start3A_10, %dma_start3A_14] : memref<4x56xi32, #tpu.memory_space<vmem>> -> memref<1x56xi32, #tpu.memory_space<vmem>>
    %dma_start3A_16 = tpu.memref_squeeze %dma_start3A_15 : memref<1x56xi32, #tpu.memory_space<vmem>> -> memref<56xi32, #tpu.memory_space<vmem>>
    %dma_start3A_17 = arith.constant 0 : i32
    %dma_start3A_18 = arith.constant 0 : i32
    %dma_start3A_19 = tpu.memref_slice %arg2[%dma_start3A_17, %dma_start3A_18] : memref<784x256xi32, #tpu.memory_space<hbm>> -> memref<784x256xi32, #tpu.memory_space<hbm>>
    tpu.enqueue_indirect_dma source(%dma_start3A_19 : memref<784x256xi32, #tpu.memory_space<hbm>>) target(%dma_start3A_13 : memref<56x256xi32, #tpu.memory_space<vmem>>) offsets(%dma_start3A_16 : memref<56xi32, #tpu.memory_space<vmem>>) semaphore(%arg7 : memref<!tpu.dma_semaphore, #tpu.memory_space<semaphore_mem>>)
    %dma_start3A_20 = arith.constant 2 : i32
    %dma_start3A_21 = arith.constant 112 : i32
    %dma_start3A_22 = arith.constant 0 : i32
    %dma_start3A_23 = tpu.memref_slice %arg6[%dma_start3A_21, %dma_start3A_22] : memref<224x256xi32, #tpu.memory_space<vmem>> -> memref<56x256xi32, #tpu.memory_space<vmem>>
    %dma_start3A_24 = arith.constant 0 : i32
    %dma_start3A_25 = tpu.memref_slice %arg5[%dma_start3A_20, %dma_start3A_24] : memref<4x56xi32, #tpu.memory_space<vmem>> -> memref<1x56xi32, #tpu.memory_space<vmem>>
    %dma_start3A_26 = tpu.memref_squeeze %dma_start3A_25 : memref<1x56xi32, #tpu.memory_space<vmem>> -> memref<56xi32, #tpu.memory_space<vmem>>
    %dma_start3A_27 = arith.constant 0 : i32
    %dma_start3A_28 = arith.constant 0 : i32
    %dma_start3A_29 = tpu.memref_slice %arg2[%dma_start3A_27, %dma_start3A_28] : memref<784x256xi32, #tpu.memory_space<hbm>> -> memref<784x256xi32, #tpu.memory_space<hbm>>
    tpu.enqueue_indirect_dma source(%dma_start3A_29 : memref<784x256xi32, #tpu.memory_space<hbm>>) target(%dma_start3A_23 : memref<56x256xi32, #tpu.memory_space<vmem>>) offsets(%dma_start3A_26 : memref<56xi32, #tpu.memory_space<vmem>>) semaphore(%arg7 : memref<!tpu.dma_semaphore, #tpu.memory_space<semaphore_mem>>)
    %dma_start3A_30 = arith.constant 3 : i32
    %dma_start3A_31 = arith.constant 168 : i32
    %dma_start3A_32 = arith.constant 0 : i32
    %dma_start3A_33 = tpu.memref_slice %arg6[%dma_start3A_31, %dma_start3A_32] : memref<224x256xi32, #tpu.memory_space<vmem>> -> memref<56x256xi32, #tpu.memory_space<vmem>>
    %dma_start3A_34 = arith.constant 0 : i32
    %dma_start3A_35 = tpu.memref_slice %arg5[%dma_start3A_30, %dma_start3A_34] : memref<4x56xi32, #tpu.memory_space<vmem>> -> memref<1x56xi32, #tpu.memory_space<vmem>>
    %dma_start3A_36 = tpu.memref_squeeze %dma_start3A_35 : memref<1x56xi32, #tpu.memory_space<vmem>> -> memref<56xi32, #tpu.memory_space<vmem>>
    %dma_start3A_37 = arith.constant 0 : i32
    %dma_start3A_38 = arith.constant 0 : i32
    %dma_start3A_39 = tpu.memref_slice %arg2[%dma_start3A_37, %dma_start3A_38] : memref<784x256xi32, #tpu.memory_space<hbm>> -> memref<784x256xi32, #tpu.memory_space<hbm>>
    tpu.enqueue_indirect_dma source(%dma_start3A_39 : memref<784x256xi32, #tpu.memory_space<hbm>>) target(%dma_start3A_33 : memref<56x256xi32, #tpu.memory_space<vmem>>) offsets(%dma_start3A_36 : memref<56xi32, #tpu.memory_space<vmem>>) semaphore(%arg7 : memref<!tpu.dma_semaphore, #tpu.memory_space<semaphore_mem>>)
    %dma_wait3A = arith.constant 0 : i32
    %dma_wait3A_40 = arith.constant 0 : i32
    %dma_wait3A_41 = arith.constant 0 : i32
    %dma_wait3A_42 = tpu.memref_slice %arg6[%dma_wait3A_40, %dma_wait3A_41] : memref<224x256xi32, #tpu.memory_space<vmem>> -> memref<56x256xi32, #tpu.memory_space<vmem>>
    %dma_wait3A_43 = arith.constant 0 : i32
    %dma_wait3A_44 = tpu.memref_slice %arg5[%dma_wait3A, %dma_wait3A_43] : memref<4x56xi32, #tpu.memory_space<vmem>> -> memref<1x56xi32, #tpu.memory_space<vmem>>
    %dma_wait3A_45 = tpu.memref_squeeze %dma_wait3A_44 : memref<1x56xi32, #tpu.memory_space<vmem>> -> memref<56xi32, #tpu.memory_space<vmem>>
    %dma_wait3A_46 = arith.constant 0 : i32
    %dma_wait3A_47 = arith.constant 0 : i32
    %dma_wait3A_48 = tpu.memref_slice %arg2[%dma_wait3A_46, %dma_wait3A_47] : memref<784x256xi32, #tpu.memory_space<hbm>> -> memref<784x256xi32, #tpu.memory_space<hbm>>
    tpu.wait_indirect_dma semaphore(%arg7 : memref<!tpu.dma_semaphore, #tpu.memory_space<semaphore_mem>>) src(%dma_wait3A_48 : memref<784x256xi32, #tpu.memory_space<hbm>>) dst(%dma_wait3A_42 : memref<56x256xi32, #tpu.memory_space<vmem>>)
    %dma_start3A_49 = arith.constant 0 : i32
    %dma_start3A_50 = arith.constant 0 : i32
    %dma_start3A_51 = tpu.memref_slice %arg6[%dma_start3A_49, %dma_start3A_50] : memref<224x256xi32, #tpu.memory_space<vmem>> -> memref<56x256xi32, #tpu.memory_space<vmem>>
    %dma_start3A_52 = arith.constant 0 : i32
    %dma_start3A_53 = arith.constant 0 : i32
    %dma_start3A_54 = tpu.memref_slice %arg4[%add3A, %dma_start3A_52, %dma_start3A_53] : memref<32x224x256xi32, #tpu.memory_space<hbm>> -> memref<1x224x256xi32, #tpu.memory_space<hbm>>
    %dma_start3A_55 = tpu.memref_squeeze %dma_start3A_54 : memref<1x224x256xi32, #tpu.memory_space<hbm>> -> memref<224x256xi32, #tpu.memory_space<hbm>>
    %dma_start3A_56 = arith.constant 0 : i32
    %dma_start3A_57 = arith.constant 0 : i32
    %dma_start3A_58 = tpu.memref_slice %dma_start3A_55[%dma_start3A_56, %dma_start3A_57] : memref<224x256xi32, #tpu.memory_space<hbm>> -> memref<56x256xi32, #tpu.memory_space<hbm>>
    %dma_start3A_59 = arith.constant 0 : i32
    %dma_start3A_60 = arith.constant 0 : i32
    %dma_start3A_61 = tpu.memref_slice %arg4[%add3A, %dma_start3A_59, %dma_start3A_60] : memref<32x224x256xi32, #tpu.memory_space<hbm>> -> memref<1x224x256xi32, #tpu.memory_space<hbm>>
    %dma_start3A_62 = tpu.memref_squeeze %dma_start3A_61 : memref<1x224x256xi32, #tpu.memory_space<hbm>> -> memref<224x256xi32, #tpu.memory_space<hbm>>
    %dma_start3A_63 = arith.constant 0 : i32
    %dma_start3A_64 = arith.constant 0 : i32
    %dma_start3A_65 = tpu.memref_slice %dma_start3A_62[%dma_start3A_63, %dma_start3A_64] : memref<224x256xi32, #tpu.memory_space<hbm>> -> memref<56x256xi32, #tpu.memory_space<hbm>>
    %dma_start3A_66 = arith.constant 0 : i32
    %dma_start3A_67 = arith.constant 0 : i32
    %dma_start3A_68 = tpu.memref_slice %arg6[%dma_start3A_66, %dma_start3A_67] : memref<224x256xi32, #tpu.memory_space<vmem>> -> memref<56x256xi32, #tpu.memory_space<vmem>>
    tpu.enqueue_dma source(%dma_start3A_68 : memref<56x256xi32, #tpu.memory_space<vmem>>) target(%dma_start3A_65 : memref<56x256xi32, #tpu.memory_space<hbm>>) target_semaphore(%arg8 : memref<!tpu.dma_semaphore, #tpu.memory_space<semaphore_mem>>)
    %dma_wait3A_69 = arith.constant 1 : i32
    %dma_wait3A_70 = arith.constant 56 : i32
    %dma_wait3A_71 = arith.constant 0 : i32
    %dma_wait3A_72 = tpu.memref_slice %arg6[%dma_wait3A_70, %dma_wait3A_71] : memref<224x256xi32, #tpu.memory_space<vmem>> -> memref<56x256xi32, #tpu.memory_space<vmem>>
    %dma_wait3A_73 = arith.constant 0 : i32
    %dma_wait3A_74 = tpu.memref_slice %arg5[%dma_wait3A_69, %dma_wait3A_73] : memref<4x56xi32, #tpu.memory_space<vmem>> -> memref<1x56xi32, #tpu.memory_space<vmem>>
    %dma_wait3A_75 = tpu.memref_squeeze %dma_wait3A_74 : memref<1x56xi32, #tpu.memory_space<vmem>> -> memref<56xi32, #tpu.memory_space<vmem>>
    %dma_wait3A_76 = arith.constant 0 : i32
    %dma_wait3A_77 = arith.constant 0 : i32
    %dma_wait3A_78 = tpu.memref_slice %arg2[%dma_wait3A_76, %dma_wait3A_77] : memref<784x256xi32, #tpu.memory_space<hbm>> -> memref<784x256xi32, #tpu.memory_space<hbm>>
    tpu.wait_indirect_dma semaphore(%arg7 : memref<!tpu.dma_semaphore, #tpu.memory_space<semaphore_mem>>) src(%dma_wait3A_78 : memref<784x256xi32, #tpu.memory_space<hbm>>) dst(%dma_wait3A_72 : memref<56x256xi32, #tpu.memory_space<vmem>>)
    %dma_start3A_79 = arith.constant 56 : i32
    %dma_start3A_80 = arith.constant 0 : i32
    %dma_start3A_81 = tpu.memref_slice %arg6[%dma_start3A_79, %dma_start3A_80] : memref<224x256xi32, #tpu.memory_space<vmem>> -> memref<56x256xi32, #tpu.memory_space<vmem>>
    %dma_start3A_82 = arith.constant 0 : i32
    %dma_start3A_83 = arith.constant 0 : i32
    %dma_start3A_84 = tpu.memref_slice %arg4[%add3A, %dma_start3A_82, %dma_start3A_83] : memref<32x224x256xi32, #tpu.memory_space<hbm>> -> memref<1x224x256xi32, #tpu.memory_space<hbm>>
    %dma_start3A_85 = tpu.memref_squeeze %dma_start3A_84 : memref<1x224x256xi32, #tpu.memory_space<hbm>> -> memref<224x256xi32, #tpu.memory_space<hbm>>
    %dma_start3A_86 = arith.constant 56 : i32
    %dma_start3A_87 = arith.constant 0 : i32
    %dma_start3A_88 = tpu.memref_slice %dma_start3A_85[%dma_start3A_86, %dma_start3A_87] : memref<224x256xi32, #tpu.memory_space<hbm>> -> memref<56x256xi32, #tpu.memory_space<hbm>>
    %dma_start3A_89 = arith.constant 0 : i32
    %dma_start3A_90 = arith.constant 0 : i32
    %dma_start3A_91 = tpu.memref_slice %arg4[%add3A, %dma_start3A_89, %dma_start3A_90] : memref<32x224x256xi32, #tpu.memory_space<hbm>> -> memref<1x224x256xi32, #tpu.memory_space<hbm>>
    %dma_start3A_92 = tpu.memref_squeeze %dma_start3A_91 : memref<1x224x256xi32, #tpu.memory_space<hbm>> -> memref<224x256xi32, #tpu.memory_space<hbm>>
    %dma_start3A_93 = arith.constant 56 : i32
    %dma_start3A_94 = arith.constant 0 : i32
    %dma_start3A_95 = tpu.memref_slice %dma_start3A_92[%dma_start3A_93, %dma_start3A_94] : memref<224x256xi32, #tpu.memory_space<hbm>> -> memref<56x256xi32, #tpu.memory_space<hbm>>
    %dma_start3A_96 = arith.constant 56 : i32
    %dma_start3A_97 = arith.constant 0 : i32
    %dma_start3A_98 = tpu.memref_slice %arg6[%dma_start3A_96, %dma_start3A_97] : memref<224x256xi32, #tpu.memory_space<vmem>> -> memref<56x256xi32, #tpu.memory_space<vmem>>
    tpu.enqueue_dma source(%dma_start3A_98 : memref<56x256xi32, #tpu.memory_space<vmem>>) target(%dma_start3A_95 : memref<56x256xi32, #tpu.memory_space<hbm>>) target_semaphore(%arg8 : memref<!tpu.dma_semaphore, #tpu.memory_space<semaphore_mem>>)
    %dma_wait3A_99 = arith.constant 2 : i32
    %dma_wait3A_100 = arith.constant 112 : i32
    %dma_wait3A_101 = arith.constant 0 : i32
    %dma_wait3A_102 = tpu.memref_slice %arg6[%dma_wait3A_100, %dma_wait3A_101] : memref<224x256xi32, #tpu.memory_space<vmem>> -> memref<56x256xi32, #tpu.memory_space<vmem>>
    %dma_wait3A_103 = arith.constant 0 : i32
    %dma_wait3A_104 = tpu.memref_slice %arg5[%dma_wait3A_99, %dma_wait3A_103] : memref<4x56xi32, #tpu.memory_space<vmem>> -> memref<1x56xi32, #tpu.memory_space<vmem>>
    %dma_wait3A_105 = tpu.memref_squeeze %dma_wait3A_104 : memref<1x56xi32, #tpu.memory_space<vmem>> -> memref<56xi32, #tpu.memory_space<vmem>>
    %dma_wait3A_106 = arith.constant 0 : i32
    %dma_wait3A_107 = arith.constant 0 : i32
    %dma_wait3A_108 = tpu.memref_slice %arg2[%dma_wait3A_106, %dma_wait3A_107] : memref<784x256xi32, #tpu.memory_space<hbm>> -> memref<784x256xi32, #tpu.memory_space<hbm>>
    tpu.wait_indirect_dma semaphore(%arg7 : memref<!tpu.dma_semaphore, #tpu.memory_space<semaphore_mem>>) src(%dma_wait3A_108 : memref<784x256xi32, #tpu.memory_space<hbm>>) dst(%dma_wait3A_102 : memref<56x256xi32, #tpu.memory_space<vmem>>)
    %dma_start3A_109 = arith.constant 112 : i32
    %dma_start3A_110 = arith.constant 0 : i32
    %dma_start3A_111 = tpu.memref_slice %arg6[%dma_start3A_109, %dma_start3A_110] : memref<224x256xi32, #tpu.memory_space<vmem>> -> memref<56x256xi32, #tpu.memory_space<vmem>>
    %dma_start3A_112 = arith.constant 0 : i32
    %dma_start3A_113 = arith.constant 0 : i32
    %dma_start3A_114 = tpu.memref_slice %arg4[%add3A, %dma_start3A_112, %dma_start3A_113] : memref<32x224x256xi32, #tpu.memory_space<hbm>> -> memref<1x224x256xi32, #tpu.memory_space<hbm>>
    %dma_start3A_115 = tpu.memref_squeeze %dma_start3A_114 : memref<1x224x256xi32, #tpu.memory_space<hbm>> -> memref<224x256xi32, #tpu.memory_space<hbm>>
    %dma_start3A_116 = arith.constant 112 : i32
    %dma_start3A_117 = arith.constant 0 : i32
    %dma_start3A_118 = tpu.memref_slice %dma_start3A_115[%dma_start3A_116, %dma_start3A_117] : memref<224x256xi32, #tpu.memory_space<hbm>> -> memref<56x256xi32, #tpu.memory_space<hbm>>
    %dma_start3A_119 = arith.constant 0 : i32
    %dma_start3A_120 = arith.constant 0 : i32
    %dma_start3A_121 = tpu.memref_slice %arg4[%add3A, %dma_start3A_119, %dma_start3A_120] : memref<32x224x256xi32, #tpu.memory_space<hbm>> -> memref<1x224x256xi32, #tpu.memory_space<hbm>>
    %dma_start3A_122 = tpu.memref_squeeze %dma_start3A_121 : memref<1x224x256xi32, #tpu.memory_space<hbm>> -> memref<224x256xi32, #tpu.memory_space<hbm>>
    %dma_start3A_123 = arith.constant 112 : i32
    %dma_start3A_124 = arith.constant 0 : i32
    %dma_start3A_125 = tpu.memref_slice %dma_start3A_122[%dma_start3A_123, %dma_start3A_124] : memref<224x256xi32, #tpu.memory_space<hbm>> -> memref<56x256xi32, #tpu.memory_space<hbm>>
    %dma_start3A_126 = arith.constant 112 : i32
    %dma_start3A_127 = arith.constant 0 : i32
    %dma_start3A_128 = tpu.memref_slice %arg6[%dma_start3A_126, %dma_start3A_127] : memref<224x256xi32, #tpu.memory_space<vmem>> -> memref<56x256xi32, #tpu.memory_space<vmem>>
    tpu.enqueue_dma source(%dma_start3A_128 : memref<56x256xi32, #tpu.memory_space<vmem>>) target(%dma_start3A_125 : memref<56x256xi32, #tpu.memory_space<hbm>>) target_semaphore(%arg8 : memref<!tpu.dma_semaphore, #tpu.memory_space<semaphore_mem>>)
    %dma_wait3A_129 = arith.constant 3 : i32
    %dma_wait3A_130 = arith.constant 168 : i32
    %dma_wait3A_131 = arith.constant 0 : i32
    %dma_wait3A_132 = tpu.memref_slice %arg6[%dma_wait3A_130, %dma_wait3A_131] : memref<224x256xi32, #tpu.memory_space<vmem>> -> memref<56x256xi32, #tpu.memory_space<vmem>>
    %dma_wait3A_133 = arith.constant 0 : i32
    %dma_wait3A_134 = tpu.memref_slice %arg5[%dma_wait3A_129, %dma_wait3A_133] : memref<4x56xi32, #tpu.memory_space<vmem>> -> memref<1x56xi32, #tpu.memory_space<vmem>>
    %dma_wait3A_135 = tpu.memref_squeeze %dma_wait3A_134 : memref<1x56xi32, #tpu.memory_space<vmem>> -> memref<56xi32, #tpu.memory_space<vmem>>
    %dma_wait3A_136 = arith.constant 0 : i32
    %dma_wait3A_137 = arith.constant 0 : i32
    %dma_wait3A_138 = tpu.memref_slice %arg2[%dma_wait3A_136, %dma_wait3A_137] : memref<784x256xi32, #tpu.memory_space<hbm>> -> memref<784x256xi32, #tpu.memory_space<hbm>>
    tpu.wait_indirect_dma semaphore(%arg7 : memref<!tpu.dma_semaphore, #tpu.memory_space<semaphore_mem>>) src(%dma_wait3A_138 : memref<784x256xi32, #tpu.memory_space<hbm>>) dst(%dma_wait3A_132 : memref<56x256xi32, #tpu.memory_space<vmem>>)
    %dma_start3A_139 = arith.constant 168 : i32
    %dma_start3A_140 = arith.constant 0 : i32
    %dma_start3A_141 = tpu.memref_slice %arg6[%dma_start3A_139, %dma_start3A_140] : memref<224x256xi32, #tpu.memory_space<vmem>> -> memref<56x256xi32, #tpu.memory_space<vmem>>
    %dma_start3A_142 = arith.constant 0 : i32
    %dma_start3A_143 = arith.constant 0 : i32
    %dma_start3A_144 = tpu.memref_slice %arg4[%add3A, %dma_start3A_142, %dma_start3A_143] : memref<32x224x256xi32, #tpu.memory_space<hbm>> -> memref<1x224x256xi32, #tpu.memory_space<hbm>>
    %dma_start3A_145 = tpu.memref_squeeze %dma_start3A_144 : memref<1x224x256xi32, #tpu.memory_space<hbm>> -> memref<224x256xi32, #tpu.memory_space<hbm>>
    %dma_start3A_146 = arith.constant 168 : i32
    %dma_start3A_147 = arith.constant 0 : i32
    %dma_start3A_148 = tpu.memref_slice %dma_start3A_145[%dma_start3A_146, %dma_start3A_147] : memref<224x256xi32, #tpu.memory_space<hbm>> -> memref<56x256xi32, #tpu.memory_space<hbm>>
    %dma_start3A_149 = arith.constant 0 : i32
    %dma_start3A_150 = arith.constant 0 : i32
    %dma_start3A_151 = tpu.memref_slice %arg4[%add3A, %dma_start3A_149, %dma_start3A_150] : memref<32x224x256xi32, #tpu.memory_space<hbm>> -> memref<1x224x256xi32, #tpu.memory_space<hbm>>
    %dma_start3A_152 = tpu.memref_squeeze %dma_start3A_151 : memref<1x224x256xi32, #tpu.memory_space<hbm>> -> memref<224x256xi32, #tpu.memory_space<hbm>>
    %dma_start3A_153 = arith.constant 168 : i32
    %dma_start3A_154 = arith.constant 0 : i32
    %dma_start3A_155 = tpu.memref_slice %dma_start3A_152[%dma_start3A_153, %dma_start3A_154] : memref<224x256xi32, #tpu.memory_space<hbm>> -> memref<56x256xi32, #tpu.memory_space<hbm>>
    %dma_start3A_156 = arith.constant 168 : i32
    %dma_start3A_157 = arith.constant 0 : i32
    %dma_start3A_158 = tpu.memref_slice %arg6[%dma_start3A_156, %dma_start3A_157] : memref<224x256xi32, #tpu.memory_space<vmem>> -> memref<56x256xi32, #tpu.memory_space<vmem>>
    tpu.enqueue_dma source(%dma_start3A_158 : memref<56x256xi32, #tpu.memory_space<vmem>>) target(%dma_start3A_155 : memref<56x256xi32, #tpu.memory_space<hbm>>) target_semaphore(%arg8 : memref<!tpu.dma_semaphore, #tpu.memory_space<semaphore_mem>>)
    %dma_wait3A_159 = arith.constant 0 : i32
    %dma_wait3A_160 = arith.constant 0 : i32
    %dma_wait3A_161 = tpu.memref_slice %arg6[%dma_wait3A_159, %dma_wait3A_160] : memref<224x256xi32, #tpu.memory_space<vmem>> -> memref<56x256xi32, #tpu.memory_space<vmem>>
    %dma_wait3A_162 = arith.constant 0 : i32
    %dma_wait3A_163 = arith.constant 0 : i32
    %dma_wait3A_164 = tpu.memref_slice %arg4[%add3A, %dma_wait3A_162, %dma_wait3A_163] : memref<32x224x256xi32, #tpu.memory_space<hbm>> -> memref<1x224x256xi32, #tpu.memory_space<hbm>>
    %dma_wait3A_165 = tpu.memref_squeeze %dma_wait3A_164 : memref<1x224x256xi32, #tpu.memory_space<hbm>> -> memref<224x256xi32, #tpu.memory_space<hbm>>
    %dma_wait3A_166 = arith.constant 0 : i32
    %dma_wait3A_167 = arith.constant 0 : i32
    %dma_wait3A_168 = tpu.memref_slice %dma_wait3A_165[%dma_wait3A_166, %dma_wait3A_167] : memref<224x256xi32, #tpu.memory_space<hbm>> -> memref<56x256xi32, #tpu.memory_space<hbm>>
    %dma_wait3A_169 = arith.constant 0 : i32
    %dma_wait3A_170 = arith.constant 0 : i32
    %dma_wait3A_171 = tpu.memref_slice %arg4[%add3A, %dma_wait3A_169, %dma_wait3A_170] : memref<32x224x256xi32, #tpu.memory_space<hbm>> -> memref<1x224x256xi32, #tpu.memory_space<hbm>>
    %dma_wait3A_172 = tpu.memref_squeeze %dma_wait3A_171 : memref<1x224x256xi32, #tpu.memory_space<hbm>> -> memref<224x256xi32, #tpu.memory_space<hbm>>
    %dma_wait3A_173 = arith.constant 0 : i32
    %dma_wait3A_174 = arith.constant 0 : i32
    %dma_wait3A_175 = tpu.memref_slice %dma_wait3A_172[%dma_wait3A_173, %dma_wait3A_174] : memref<224x256xi32, #tpu.memory_space<hbm>> -> memref<56x256xi32, #tpu.memory_space<hbm>>
    %dma_wait3A_176 = arith.constant 0 : i32
    %dma_wait3A_177 = arith.constant 0 : i32
    %dma_wait3A_178 = tpu.memref_slice %arg6[%dma_wait3A_176, %dma_wait3A_177] : memref<224x256xi32, #tpu.memory_space<vmem>> -> memref<56x256xi32, #tpu.memory_space<vmem>>
    tpu.wait_dma2 semaphore(%arg8 : memref<!tpu.dma_semaphore, #tpu.memory_space<semaphore_mem>>) src(%dma_wait3A_178 : memref<56x256xi32, #tpu.memory_space<vmem>>) dst(%dma_wait3A_175 : memref<56x256xi32, #tpu.memory_space<hbm>>)
    %dma_wait3A_179 = arith.constant 56 : i32
    %dma_wait3A_180 = arith.constant 0 : i32
    %dma_wait3A_181 = tpu.memref_slice %arg6[%dma_wait3A_179, %dma_wait3A_180] : memref<224x256xi32, #tpu.memory_space<vmem>> -> memref<56x256xi32, #tpu.memory_space<vmem>>
    %dma_wait3A_182 = arith.constant 0 : i32
    %dma_wait3A_183 = arith.constant 0 : i32
    %dma_wait3A_184 = tpu.memref_slice %arg4[%add3A, %dma_wait3A_182, %dma_wait3A_183] : memref<32x224x256xi32, #tpu.memory_space<hbm>> -> memref<1x224x256xi32, #tpu.memory_space<hbm>>
    %dma_wait3A_185 = tpu.memref_squeeze %dma_wait3A_184 : memref<1x224x256xi32, #tpu.memory_space<hbm>> -> memref<224x256xi32, #tpu.memory_space<hbm>>
    %dma_wait3A_186 = arith.constant 56 : i32
    %dma_wait3A_187 = arith.constant 0 : i32
    %dma_wait3A_188 = tpu.memref_slice %dma_wait3A_185[%dma_wait3A_186, %dma_wait3A_187] : memref<224x256xi32, #tpu.memory_space<hbm>> -> memref<56x256xi32, #tpu.memory_space<hbm>>
    %dma_wait3A_189 = arith.constant 0 : i32
    %dma_wait3A_190 = arith.constant 0 : i32
    %dma_wait3A_191 = tpu.memref_slice %arg4[%add3A, %dma_wait3A_189, %dma_wait3A_190] : memref<32x224x256xi32, #tpu.memory_space<hbm>> -> memref<1x224x256xi32, #tpu.memory_space<hbm>>
    %dma_wait3A_192 = tpu.memref_squeeze %dma_wait3A_191 : memref<1x224x256xi32, #tpu.memory_space<hbm>> -> memref<224x256xi32, #tpu.memory_space<hbm>>
    %dma_wait3A_193 = arith.constant 56 : i32
    %dma_wait3A_194 = arith.constant 0 : i32
    %dma_wait3A_195 = tpu.memref_slice %dma_wait3A_192[%dma_wait3A_193, %dma_wait3A_194] : memref<224x256xi32, #tpu.memory_space<hbm>> -> memref<56x256xi32, #tpu.memory_space<hbm>>
    %dma_wait3A_196 = arith.constant 56 : i32
    %dma_wait3A_197 = arith.constant 0 : i32
    %dma_wait3A_198 = tpu.memref_slice %arg6[%dma_wait3A_196, %dma_wait3A_197] : memref<224x256xi32, #tpu.memory_space<vmem>> -> memref<56x256xi32, #tpu.memory_space<vmem>>
    tpu.wait_dma2 semaphore(%arg8 : memref<!tpu.dma_semaphore, #tpu.memory_space<semaphore_mem>>) src(%dma_wait3A_198 : memref<56x256xi32, #tpu.memory_space<vmem>>) dst(%dma_wait3A_195 : memref<56x256xi32, #tpu.memory_space<hbm>>)
    %dma_wait3A_199 = arith.constant 112 : i32
    %dma_wait3A_200 = arith.constant 0 : i32
    %dma_wait3A_201 = tpu.memref_slice %arg6[%dma_wait3A_199, %dma_wait3A_200] : memref<224x256xi32, #tpu.memory_space<vmem>> -> memref<56x256xi32, #tpu.memory_space<vmem>>
    %dma_wait3A_202 = arith.constant 0 : i32
    %dma_wait3A_203 = arith.constant 0 : i32
    %dma_wait3A_204 = tpu.memref_slice %arg4[%add3A, %dma_wait3A_202, %dma_wait3A_203] : memref<32x224x256xi32, #tpu.memory_space<hbm>> -> memref<1x224x256xi32, #tpu.memory_space<hbm>>
    %dma_wait3A_205 = tpu.memref_squeeze %dma_wait3A_204 : memref<1x224x256xi32, #tpu.memory_space<hbm>> -> memref<224x256xi32, #tpu.memory_space<hbm>>
    %dma_wait3A_206 = arith.constant 112 : i32
    %dma_wait3A_207 = arith.constant 0 : i32
    %dma_wait3A_208 = tpu.memref_slice %dma_wait3A_205[%dma_wait3A_206, %dma_wait3A_207] : memref<224x256xi32, #tpu.memory_space<hbm>> -> memref<56x256xi32, #tpu.memory_space<hbm>>
    %dma_wait3A_209 = arith.constant 0 : i32
    %dma_wait3A_210 = arith.constant 0 : i32
    %dma_wait3A_211 = tpu.memref_slice %arg4[%add3A, %dma_wait3A_209, %dma_wait3A_210] : memref<32x224x256xi32, #tpu.memory_space<hbm>> -> memref<1x224x256xi32, #tpu.memory_space<hbm>>
    %dma_wait3A_212 = tpu.memref_squeeze %dma_wait3A_211 : memref<1x224x256xi32, #tpu.memory_space<hbm>> -> memref<224x256xi32, #tpu.memory_space<hbm>>
    %dma_wait3A_213 = arith.constant 112 : i32
    %dma_wait3A_214 = arith.constant 0 : i32
    %dma_wait3A_215 = tpu.memref_slice %dma_wait3A_212[%dma_wait3A_213, %dma_wait3A_214] : memref<224x256xi32, #tpu.memory_space<hbm>> -> memref<56x256xi32, #tpu.memory_space<hbm>>
    %dma_wait3A_216 = arith.constant 112 : i32
    %dma_wait3A_217 = arith.constant 0 : i32
    %dma_wait3A_218 = tpu.memref_slice %arg6[%dma_wait3A_216, %dma_wait3A_217] : memref<224x256xi32, #tpu.memory_space<vmem>> -> memref<56x256xi32, #tpu.memory_space<vmem>>
    tpu.wait_dma2 semaphore(%arg8 : memref<!tpu.dma_semaphore, #tpu.memory_space<semaphore_mem>>) src(%dma_wait3A_218 : memref<56x256xi32, #tpu.memory_space<vmem>>) dst(%dma_wait3A_215 : memref<56x256xi32, #tpu.memory_space<hbm>>)
    %dma_wait3A_219 = arith.constant 168 : i32
    %dma_wait3A_220 = arith.constant 0 : i32
    %dma_wait3A_221 = tpu.memref_slice %arg6[%dma_wait3A_219, %dma_wait3A_220] : memref<224x256xi32, #tpu.memory_space<vmem>> -> memref<56x256xi32, #tpu.memory_space<vmem>>
    %dma_wait3A_222 = arith.constant 0 : i32
    %dma_wait3A_223 = arith.constant 0 : i32
    %dma_wait3A_224 = tpu.memref_slice %arg4[%add3A, %dma_wait3A_222, %dma_wait3A_223] : memref<32x224x256xi32, #tpu.memory_space<hbm>> -> memref<1x224x256xi32, #tpu.memory_space<hbm>>
    %dma_wait3A_225 = tpu.memref_squeeze %dma_wait3A_224 : memref<1x224x256xi32, #tpu.memory_space<hbm>> -> memref<224x256xi32, #tpu.memory_space<hbm>>
    %dma_wait3A_226 = arith.constant 168 : i32
    %dma_wait3A_227 = arith.constant 0 : i32
    %dma_wait3A_228 = tpu.memref_slice %dma_wait3A_225[%dma_wait3A_226, %dma_wait3A_227] : memref<224x256xi32, #tpu.memory_space<hbm>> -> memref<56x256xi32, #tpu.memory_space<hbm>>
    %dma_wait3A_229 = arith.constant 0 : i32
    %dma_wait3A_230 = arith.constant 0 : i32
    %dma_wait3A_231 = tpu.memref_slice %arg4[%add3A, %dma_wait3A_229, %dma_wait3A_230] : memref<32x224x256xi32, #tpu.memory_space<hbm>> -> memref<1x224x256xi32, #tpu.memory_space<hbm>>
    %dma_wait3A_232 = tpu.memref_squeeze %dma_wait3A_231 : memref<1x224x256xi32, #tpu.memory_space<hbm>> -> memref<224x256xi32, #tpu.memory_space<hbm>>
    %dma_wait3A_233 = arith.constant 168 : i32
    %dma_wait3A_234 = arith.constant 0 : i32
    %dma_wait3A_235 = tpu.memref_slice %dma_wait3A_232[%dma_wait3A_233, %dma_wait3A_234] : memref<224x256xi32, #tpu.memory_space<hbm>> -> memref<56x256xi32, #tpu.memory_space<hbm>>
    %dma_wait3A_236 = arith.constant 168 : i32
    %dma_wait3A_237 = arith.constant 0 : i32
    %dma_wait3A_238 = tpu.memref_slice %arg6[%dma_wait3A_236, %dma_wait3A_237] : memref<224x256xi32, #tpu.memory_space<vmem>> -> memref<56x256xi32, #tpu.memory_space<vmem>>
    tpu.wait_dma2 semaphore(%arg8 : memref<!tpu.dma_semaphore, #tpu.memory_space<semaphore_mem>>) src(%dma_wait3A_238 : memref<56x256xi32, #tpu.memory_space<vmem>>) dst(%dma_wait3A_235 : memref<56x256xi32, #tpu.memory_space<hbm>>)
    return
  }
}

module attributes {stable_mosaic.version = 14 : i64} {
  func.func @_select_body(%arg0: i32, %arg1: memref<1x384x196xf32, #tpu.memory_space<vmem>>, %arg2: memref<1x9x196xi32, #tpu.memory_space<vmem>>, %arg3: memref<1x196x256xi32, #tpu.memory_space<vmem>>) attributes {dimension_semantics = [#tpu.dimension_semantics<arbitrary>], iteration_bounds = array<i64: 4>, scalar_prefetch = 0 : i64, scratch_operands = 0 : i64, tpu.core_type = #tpu.core_type<tc>, window_params = [{transform_indices = @transform_0, window_bounds = array<i64: 1, 384, 196>}, {transform_indices = @transform_1, window_bounds = array<i64: 1, 9, 196>}, {transform_indices = @transform_2, window_bounds = array<i64: 1, 196, 256>}]} {
    %get3A = arith.constant 0 : index
    %get3A_0 = arith.constant 0 : index
    %get3A_1 = arith.constant 0 : index
    %get3A_2 = vector.load %arg1[%get3A, %get3A_0, %get3A_1] : memref<1x384x196xf32, #tpu.memory_space<vmem>>, vector<1x384x196xf32>
    %get3A_3 = vector.shape_cast %get3A_2 : vector<1x384x196xf32> to vector<384x196xf32>
    %dot_general3A = arith.constant dense<0.000000e+00> : vector<196x196xf32>
    %dot_general3A_4 = tpu.matmul %get3A_3, %get3A_3, %dot_general3A {dimension_numbers = #tpu.dot_dimension_numbers<[0], [0], [1], [1], [0, 1, 1, 1], [], []>, transpose_lhs_hint = false} : vector<384x196xf32>, vector<384x196xf32>, vector<196x196xf32> -> vector<196x196xf32>
    %convert_element_type3A = arith.truncf %get3A_3 : vector<384x196xf32> to vector<384x196xbf16>
    %bitcast3A = tpu.bitcast %convert_element_type3A : vector<384x196xbf16> -> vector<192x196xi32>
    %transpose3A = tpu.transpose %bitcast3A, [1, 0] : vector<192x196xi32> -> vector<196x192xi32>
    %broadcast_in_dim3A = arith.constant 0 : i32
    %broadcast_in_dim3A_5 = vector.broadcast %broadcast_in_dim3A : i32 to vector<196x64xi32>
    %concatenate3A = tpu.concatenate %transpose3A, %broadcast_in_dim3A_5 in 1 : vector<196x192xi32>, vector<196x64xi32> -> vector<196x256xi32>
    %swap3A = arith.constant 0 : index
    %swap3A_6 = arith.constant 0 : index
    %swap3A_7 = arith.constant 0 : index
    %swap3A_8 = vector.load %arg3[%swap3A, %swap3A_6, %swap3A_7] : memref<1x196x256xi32, #tpu.memory_space<vmem>>, vector<1x196x256xi32>
    %swap3A_9 = vector.shape_cast %swap3A_8 : vector<1x196x256xi32> to vector<196x256xi32>
    %swap3A_10 = vector.shape_cast %concatenate3A : vector<196x256xi32> to vector<1x196x256xi32>
    tpu.vector_store %arg3[%swap3A, %swap3A_6, %swap3A_7], %swap3A_10 {strides = array<i32>} : memref<1x196x256xi32, #tpu.memory_space<vmem>>, vector<1x196x256xi32>,
    %iota3A = tpu.iota {dimensions = array<i32: 0>} : vector<196x196xi32>
    %iota3A_11 = tpu.iota {dimensions = array<i32: 1>} : vector<196x196xi32>
    %mul3A = arith.mulf %get3A_3, %get3A_3 : vector<384x196xf32>
    %reduce_sum3A = arith.constant dense<0.000000e+00> : vector<196xf32>
    %reduce_sum3A_12 = vector.multi_reduction <add>, %mul3A, %reduce_sum3A [0] : vector<384x196xf32> to vector<196xf32>
    %broadcast_in_dim3A_13 = vector.shape_cast %reduce_sum3A_12 : vector<196xf32> to vector<1x196xf32>
    %sqrt3A = math.sqrt %broadcast_in_dim3A_13 : vector<1x196xf32>
    %transpose3A_14 = tpu.transpose %sqrt3A, [1, 0] : vector<1x196xf32> -> vector<196x1xf32>
    %mul3A_15 = vector.broadcast %transpose3A_14 : vector<196x1xf32> to vector<196x196xf32>
    %mul3A_16 = vector.broadcast %sqrt3A : vector<1x196xf32> to vector<196x196xf32>
    %mul3A_17 = arith.mulf %mul3A_15, %mul3A_16 : vector<196x196xf32>
    %div3A = arith.divf %dot_general3A_4, %mul3A_17 : vector<196x196xf32>
    %jit3A = arith.constant 14 : i32
    %eq3A = arith.constant 0 : i32
    %eq3A_18 = arith.cmpi eq, %jit3A, %eq3A : i32
    %jit3A_19 = arith.constant 1 : i32
    %select_n3A = arith.select %eq3A_18, %jit3A_19, %jit3A : i32
    %rem3A = vector.broadcast %select_n3A : i32 to vector<196x196xi32>
    %rem3A_20 = arith.remsi %iota3A_11, %rem3A : vector<196x196xi32>
    %ne3A = arith.constant 0 : i32
    %ne3A_21 = vector.broadcast %ne3A : i32 to vector<196x196xi32>
    %ne3A_22 = arith.cmpi ne, %rem3A_20, %ne3A_21 : vector<196x196xi32>
    %lt3A = arith.constant 0 : i32
    %lt3A_23 = vector.broadcast %lt3A : i32 to vector<196x196xi32>
    %lt3A_24 = arith.cmpi slt, %rem3A_20, %lt3A_23 : vector<196x196xi32>
    %lt3A_25 = arith.constant 0 : i32
    %lt3A_26 = arith.cmpi slt, %select_n3A, %lt3A_25 : i32
    %ne3A_27 = vector.broadcast %lt3A_26 : i1 to vector<196x196xi1>
    %ne3A_28 = vector.broadcast %ne3A_27 : vector<196x196xi1> to vector<196x196xi1>
    %ne3A_29 = arith.xori %lt3A_24, %ne3A_28 : vector<196x196xi1>
    %and3A = arith.andi %ne3A_29, %ne3A_22 : vector<196x196xi1>
    %add3A = vector.broadcast %select_n3A : i32 to vector<196x196xi32>
    %add3A_30 = arith.addi %rem3A_20, %add3A : vector<196x196xi32>
    %select_n3A_31 = arith.select %and3A, %add3A_30, %rem3A_20 : vector<196x196xi1>, vector<196x196xi32>
    %add3A_32 = arith.constant -30 : i32
    %add3A_33 = vector.broadcast %add3A_32 : i32 to vector<196x196xi32>
    %add3A_34 = arith.addi %iota3A_11, %add3A_33 : vector<196x196xi32>
    %eq3A_35 = arith.cmpi eq, %iota3A, %add3A_34 : vector<196x196xi32>
    %add3A_36 = arith.constant -2 : i32
    %add3A_37 = vector.broadcast %add3A_36 : i32 to vector<196x196xi32>
    %add3A_38 = arith.addi %select_n3A_31, %add3A_37 : vector<196x196xi32>
    %ge3A = arith.constant 0 : i32
    %ge3A_39 = vector.broadcast %ge3A : i32 to vector<196x196xi32>
    %ge3A_40 = arith.cmpi sge, %add3A_38, %ge3A_39 : vector<196x196xi32>
    %add3A_41 = arith.constant -2 : i32
    %add3A_42 = vector.broadcast %add3A_41 : i32 to vector<196x196xi32>
    %add3A_43 = arith.addi %select_n3A_31, %add3A_42 : vector<196x196xi32>
    %lt3A_44 = arith.constant 14 : i32
    %lt3A_45 = vector.broadcast %lt3A_44 : i32 to vector<196x196xi32>
    %lt3A_46 = arith.cmpi slt, %add3A_43, %lt3A_45 : vector<196x196xi32>
    %and3A_47 = arith.andi %ge3A_40, %lt3A_46 : vector<196x196xi1>
    %and3A_48 = arith.andi %eq3A_35, %and3A_47 : vector<196x196xi1>
    %jit3A_49 = arith.constant 0.000000e+00 : f32
    %broadcast_in_dim3A_50 = vector.broadcast %jit3A_49 : f32 to vector<196x196xf32>
    %select_n3A_51 = arith.select %and3A_48, %div3A, %broadcast_in_dim3A_50 : vector<196x196xi1>, vector<196x196xf32>
    %reduce_sum3A_52 = arith.constant dense<0.000000e+00> : vector<196xf32>
    %reduce_sum3A_53 = vector.multi_reduction <add>, %select_n3A_51, %reduce_sum3A_52 [0] : vector<196x196xf32> to vector<196xf32>
    %broadcast_in_dim3A_54 = vector.shape_cast %reduce_sum3A_53 : vector<196xf32> to vector<1x196xf32>
    %jit3A_55 = arith.constant 1.000000e+00 : f32
    %jit3A_56 = arith.constant 0.000000e+00 : f32
    %broadcast_in_dim3A_57 = vector.broadcast %jit3A_55 : f32 to vector<196x196xf32>
    %broadcast_in_dim3A_58 = vector.broadcast %jit3A_56 : f32 to vector<196x196xf32>
    %select_n3A_59 = arith.select %and3A_48, %broadcast_in_dim3A_57, %broadcast_in_dim3A_58 : vector<196x196xi1>, vector<196x196xf32>
    %reduce_sum3A_60 = arith.constant dense<0.000000e+00> : vector<196xf32>
    %reduce_sum3A_61 = vector.multi_reduction <add>, %select_n3A_59, %reduce_sum3A_60 [0] : vector<196x196xf32> to vector<196xf32>
    %broadcast_in_dim3A_62 = vector.shape_cast %reduce_sum3A_61 : vector<196xf32> to vector<1x196xf32>
    %gt3A = arith.constant 0.000000e+00 : f32
    %gt3A_63 = vector.broadcast %gt3A : f32 to vector<1x196xf32>
    %gt3A_64 = arith.cmpf ogt, %broadcast_in_dim3A_62, %gt3A_63 : vector<1x196xf32>
    %jit3A_65 = arith.constant 1.000000e+30 : f32
    %broadcast_in_dim3A_66 = vector.broadcast %jit3A_65 : f32 to vector<1x196xf32>
    %select_n3A_67 = arith.select %gt3A_64, %broadcast_in_dim3A_54, %broadcast_in_dim3A_66 : vector<1x196xi1>, vector<1x196xf32>
    %add3A_68 = arith.constant -29 : i32
    %add3A_69 = vector.broadcast %add3A_68 : i32 to vector<196x196xi32>
    %add3A_70 = arith.addi %iota3A_11, %add3A_69 : vector<196x196xi32>
    %eq3A_71 = arith.cmpi eq, %iota3A, %add3A_70 : vector<196x196xi32>
    %add3A_72 = arith.constant -1 : i32
    %add3A_73 = vector.broadcast %add3A_72 : i32 to vector<196x196xi32>
    %add3A_74 = arith.addi %select_n3A_31, %add3A_73 : vector<196x196xi32>
    %ge3A_75 = arith.constant 0 : i32
    %ge3A_76 = vector.broadcast %ge3A_75 : i32 to vector<196x196xi32>
    %ge3A_77 = arith.cmpi sge, %add3A_74, %ge3A_76 : vector<196x196xi32>
    %add3A_78 = arith.constant -1 : i32
    %add3A_79 = vector.broadcast %add3A_78 : i32 to vector<196x196xi32>
    %add3A_80 = arith.addi %select_n3A_31, %add3A_79 : vector<196x196xi32>
    %lt3A_81 = arith.constant 14 : i32
    %lt3A_82 = vector.broadcast %lt3A_81 : i32 to vector<196x196xi32>
    %lt3A_83 = arith.cmpi slt, %add3A_80, %lt3A_82 : vector<196x196xi32>
    %and3A_84 = arith.andi %ge3A_77, %lt3A_83 : vector<196x196xi1>
    %and3A_85 = arith.andi %eq3A_71, %and3A_84 : vector<196x196xi1>
    %jit3A_86 = arith.constant 0.000000e+00 : f32
    %broadcast_in_dim3A_87 = vector.broadcast %jit3A_86 : f32 to vector<196x196xf32>
    %select_n3A_88 = arith.select %and3A_85, %div3A, %broadcast_in_dim3A_87 : vector<196x196xi1>, vector<196x196xf32>
    %reduce_sum3A_89 = arith.constant dense<0.000000e+00> : vector<196xf32>
    %reduce_sum3A_90 = vector.multi_reduction <add>, %select_n3A_88, %reduce_sum3A_89 [0] : vector<196x196xf32> to vector<196xf32>
    %broadcast_in_dim3A_91 = vector.shape_cast %reduce_sum3A_90 : vector<196xf32> to vector<1x196xf32>
    %jit3A_92 = arith.constant 1.000000e+00 : f32
    %jit3A_93 = arith.constant 0.000000e+00 : f32
    %broadcast_in_dim3A_94 = vector.broadcast %jit3A_92 : f32 to vector<196x196xf32>
    %broadcast_in_dim3A_95 = vector.broadcast %jit3A_93 : f32 to vector<196x196xf32>
    %select_n3A_96 = arith.select %and3A_85, %broadcast_in_dim3A_94, %broadcast_in_dim3A_95 : vector<196x196xi1>, vector<196x196xf32>
    %reduce_sum3A_97 = arith.constant dense<0.000000e+00> : vector<196xf32>
    %reduce_sum3A_98 = vector.multi_reduction <add>, %select_n3A_96, %reduce_sum3A_97 [0] : vector<196x196xf32> to vector<196xf32>
    %broadcast_in_dim3A_99 = vector.shape_cast %reduce_sum3A_98 : vector<196xf32> to vector<1x196xf32>
    %gt3A_100 = arith.constant 0.000000e+00 : f32
    %gt3A_101 = vector.broadcast %gt3A_100 : f32 to vector<1x196xf32>
    %gt3A_102 = arith.cmpf ogt, %broadcast_in_dim3A_99, %gt3A_101 : vector<1x196xf32>
    %jit3A_103 = arith.constant 1.000000e+30 : f32
    %broadcast_in_dim3A_104 = vector.broadcast %jit3A_103 : f32 to vector<1x196xf32>
    %select_n3A_105 = arith.select %gt3A_102, %broadcast_in_dim3A_91, %broadcast_in_dim3A_104 : vector<1x196xi1>, vector<1x196xf32>
    %add3A_106 = arith.constant -28 : i32
    %add3A_107 = vector.broadcast %add3A_106 : i32 to vector<196x196xi32>
    %add3A_108 = arith.addi %iota3A_11, %add3A_107 : vector<196x196xi32>
    %eq3A_109 = arith.cmpi eq, %iota3A, %add3A_108 : vector<196x196xi32>
    %add3A_110 = arith.constant 0 : i32
    %add3A_111 = vector.broadcast %add3A_110 : i32 to vector<196x196xi32>
    %add3A_112 = arith.addi %select_n3A_31, %add3A_111 : vector<196x196xi32>
    %ge3A_113 = arith.constant 0 : i32
    %ge3A_114 = vector.broadcast %ge3A_113 : i32 to vector<196x196xi32>
    %ge3A_115 = arith.cmpi sge, %add3A_112, %ge3A_114 : vector<196x196xi32>
    %add3A_116 = arith.constant 0 : i32
    %add3A_117 = vector.broadcast %add3A_116 : i32 to vector<196x196xi32>
    %add3A_118 = arith.addi %select_n3A_31, %add3A_117 : vector<196x196xi32>
    %lt3A_119 = arith.constant 14 : i32
    %lt3A_120 = vector.broadcast %lt3A_119 : i32 to vector<196x196xi32>
    %lt3A_121 = arith.cmpi slt, %add3A_118, %lt3A_120 : vector<196x196xi32>
    %and3A_122 = arith.andi %ge3A_115, %lt3A_121 : vector<196x196xi1>
    %and3A_123 = arith.andi %eq3A_109, %and3A_122 : vector<196x196xi1>
    %jit3A_124 = arith.constant 0.000000e+00 : f32
    %broadcast_in_dim3A_125 = vector.broadcast %jit3A_124 : f32 to vector<196x196xf32>
    %select_n3A_126 = arith.select %and3A_123, %div3A, %broadcast_in_dim3A_125 : vector<196x196xi1>, vector<196x196xf32>
    %reduce_sum3A_127 = arith.constant dense<0.000000e+00> : vector<196xf32>
    %reduce_sum3A_128 = vector.multi_reduction <add>, %select_n3A_126, %reduce_sum3A_127 [0] : vector<196x196xf32> to vector<196xf32>
    %broadcast_in_dim3A_129 = vector.shape_cast %reduce_sum3A_128 : vector<196xf32> to vector<1x196xf32>
    %jit3A_130 = arith.constant 1.000000e+00 : f32
    %jit3A_131 = arith.constant 0.000000e+00 : f32
    %broadcast_in_dim3A_132 = vector.broadcast %jit3A_130 : f32 to vector<196x196xf32>
    %broadcast_in_dim3A_133 = vector.broadcast %jit3A_131 : f32 to vector<196x196xf32>
    %select_n3A_134 = arith.select %and3A_123, %broadcast_in_dim3A_132, %broadcast_in_dim3A_133 : vector<196x196xi1>, vector<196x196xf32>
    %reduce_sum3A_135 = arith.constant dense<0.000000e+00> : vector<196xf32>
    %reduce_sum3A_136 = vector.multi_reduction <add>, %select_n3A_134, %reduce_sum3A_135 [0] : vector<196x196xf32> to vector<196xf32>
    %broadcast_in_dim3A_137 = vector.shape_cast %reduce_sum3A_136 : vector<196xf32> to vector<1x196xf32>
    %gt3A_138 = arith.constant 0.000000e+00 : f32
    %gt3A_139 = vector.broadcast %gt3A_138 : f32 to vector<1x196xf32>
    %gt3A_140 = arith.cmpf ogt, %broadcast_in_dim3A_137, %gt3A_139 : vector<1x196xf32>
    %jit3A_141 = arith.constant 1.000000e+30 : f32
    %broadcast_in_dim3A_142 = vector.broadcast %jit3A_141 : f32 to vector<1x196xf32>
    %select_n3A_143 = arith.select %gt3A_140, %broadcast_in_dim3A_129, %broadcast_in_dim3A_142 : vector<1x196xi1>, vector<1x196xf32>
    %add3A_144 = arith.constant -27 : i32
    %add3A_145 = vector.broadcast %add3A_144 : i32 to vector<196x196xi32>
    %add3A_146 = arith.addi %iota3A_11, %add3A_145 : vector<196x196xi32>
    %eq3A_147 = arith.cmpi eq, %iota3A, %add3A_146 : vector<196x196xi32>
    %add3A_148 = arith.constant 1 : i32
    %add3A_149 = vector.broadcast %add3A_148 : i32 to vector<196x196xi32>
    %add3A_150 = arith.addi %select_n3A_31, %add3A_149 : vector<196x196xi32>
    %ge3A_151 = arith.constant 0 : i32
    %ge3A_152 = vector.broadcast %ge3A_151 : i32 to vector<196x196xi32>
    %ge3A_153 = arith.cmpi sge, %add3A_150, %ge3A_152 : vector<196x196xi32>
    %add3A_154 = arith.constant 1 : i32
    %add3A_155 = vector.broadcast %add3A_154 : i32 to vector<196x196xi32>
    %add3A_156 = arith.addi %select_n3A_31, %add3A_155 : vector<196x196xi32>
    %lt3A_157 = arith.constant 14 : i32
    %lt3A_158 = vector.broadcast %lt3A_157 : i32 to vector<196x196xi32>
    %lt3A_159 = arith.cmpi slt, %add3A_156, %lt3A_158 : vector<196x196xi32>
    %and3A_160 = arith.andi %ge3A_153, %lt3A_159 : vector<196x196xi1>
    %and3A_161 = arith.andi %eq3A_147, %and3A_160 : vector<196x196xi1>
    %jit3A_162 = arith.constant 0.000000e+00 : f32
    %broadcast_in_dim3A_163 = vector.broadcast %jit3A_162 : f32 to vector<196x196xf32>
    %select_n3A_164 = arith.select %and3A_161, %div3A, %broadcast_in_dim3A_163 : vector<196x196xi1>, vector<196x196xf32>
    %reduce_sum3A_165 = arith.constant dense<0.000000e+00> : vector<196xf32>
    %reduce_sum3A_166 = vector.multi_reduction <add>, %select_n3A_164, %reduce_sum3A_165 [0] : vector<196x196xf32> to vector<196xf32>
    %broadcast_in_dim3A_167 = vector.shape_cast %reduce_sum3A_166 : vector<196xf32> to vector<1x196xf32>
    %jit3A_168 = arith.constant 1.000000e+00 : f32
    %jit3A_169 = arith.constant 0.000000e+00 : f32
    %broadcast_in_dim3A_170 = vector.broadcast %jit3A_168 : f32 to vector<196x196xf32>
    %broadcast_in_dim3A_171 = vector.broadcast %jit3A_169 : f32 to vector<196x196xf32>
    %select_n3A_172 = arith.select %and3A_161, %broadcast_in_dim3A_170, %broadcast_in_dim3A_171 : vector<196x196xi1>, vector<196x196xf32>
    %reduce_sum3A_173 = arith.constant dense<0.000000e+00> : vector<196xf32>
    %reduce_sum3A_174 = vector.multi_reduction <add>, %select_n3A_172, %reduce_sum3A_173 [0] : vector<196x196xf32> to vector<196xf32>
    %broadcast_in_dim3A_175 = vector.shape_cast %reduce_sum3A_174 : vector<196xf32> to vector<1x196xf32>
    %gt3A_176 = arith.constant 0.000000e+00 : f32
    %gt3A_177 = vector.broadcast %gt3A_176 : f32 to vector<1x196xf32>
    %gt3A_178 = arith.cmpf ogt, %broadcast_in_dim3A_175, %gt3A_177 : vector<1x196xf32>
    %jit3A_179 = arith.constant 1.000000e+30 : f32
    %broadcast_in_dim3A_180 = vector.broadcast %jit3A_179 : f32 to vector<1x196xf32>
    %select_n3A_181 = arith.select %gt3A_178, %broadcast_in_dim3A_167, %broadcast_in_dim3A_180 : vector<1x196xi1>, vector<1x196xf32>
    %add3A_182 = arith.constant -26 : i32
    %add3A_183 = vector.broadcast %add3A_182 : i32 to vector<196x196xi32>
    %add3A_184 = arith.addi %iota3A_11, %add3A_183 : vector<196x196xi32>
    %eq3A_185 = arith.cmpi eq, %iota3A, %add3A_184 : vector<196x196xi32>
    %add3A_186 = arith.constant 2 : i32
    %add3A_187 = vector.broadcast %add3A_186 : i32 to vector<196x196xi32>
    %add3A_188 = arith.addi %select_n3A_31, %add3A_187 : vector<196x196xi32>
    %ge3A_189 = arith.constant 0 : i32
    %ge3A_190 = vector.broadcast %ge3A_189 : i32 to vector<196x196xi32>
    %ge3A_191 = arith.cmpi sge, %add3A_188, %ge3A_190 : vector<196x196xi32>
    %add3A_192 = arith.constant 2 : i32
    %add3A_193 = vector.broadcast %add3A_192 : i32 to vector<196x196xi32>
    %add3A_194 = arith.addi %select_n3A_31, %add3A_193 : vector<196x196xi32>
    %lt3A_195 = arith.constant 14 : i32
    %lt3A_196 = vector.broadcast %lt3A_195 : i32 to vector<196x196xi32>
    %lt3A_197 = arith.cmpi slt, %add3A_194, %lt3A_196 : vector<196x196xi32>
    %and3A_198 = arith.andi %ge3A_191, %lt3A_197 : vector<196x196xi1>
    %and3A_199 = arith.andi %eq3A_185, %and3A_198 : vector<196x196xi1>
    %jit3A_200 = arith.constant 0.000000e+00 : f32
    %broadcast_in_dim3A_201 = vector.broadcast %jit3A_200 : f32 to vector<196x196xf32>
    %select_n3A_202 = arith.select %and3A_199, %div3A, %broadcast_in_dim3A_201 : vector<196x196xi1>, vector<196x196xf32>
    %reduce_sum3A_203 = arith.constant dense<0.000000e+00> : vector<196xf32>
    %reduce_sum3A_204 = vector.multi_reduction <add>, %select_n3A_202, %reduce_sum3A_203 [0] : vector<196x196xf32> to vector<196xf32>
    %broadcast_in_dim3A_205 = vector.shape_cast %reduce_sum3A_204 : vector<196xf32> to vector<1x196xf32>
    %jit3A_206 = arith.constant 1.000000e+00 : f32
    %jit3A_207 = arith.constant 0.000000e+00 : f32
    %broadcast_in_dim3A_208 = vector.broadcast %jit3A_206 : f32 to vector<196x196xf32>
    %broadcast_in_dim3A_209 = vector.broadcast %jit3A_207 : f32 to vector<196x196xf32>
    %select_n3A_210 = arith.select %and3A_199, %broadcast_in_dim3A_208, %broadcast_in_dim3A_209 : vector<196x196xi1>, vector<196x196xf32>
    %reduce_sum3A_211 = arith.constant dense<0.000000e+00> : vector<196xf32>
    %reduce_sum3A_212 = vector.multi_reduction <add>, %select_n3A_210, %reduce_sum3A_211 [0] : vector<196x196xf32> to vector<196xf32>
    %broadcast_in_dim3A_213 = vector.shape_cast %reduce_sum3A_212 : vector<196xf32> to vector<1x196xf32>
    %gt3A_214 = arith.constant 0.000000e+00 : f32
    %gt3A_215 = vector.broadcast %gt3A_214 : f32 to vector<1x196xf32>
    %gt3A_216 = arith.cmpf ogt, %broadcast_in_dim3A_213, %gt3A_215 : vector<1x196xf32>
    %jit3A_217 = arith.constant 1.000000e+30 : f32
    %broadcast_in_dim3A_218 = vector.broadcast %jit3A_217 : f32 to vector<1x196xf32>
    %select_n3A_219 = arith.select %gt3A_216, %broadcast_in_dim3A_205, %broadcast_in_dim3A_218 : vector<1x196xi1>, vector<1x196xf32>
    %add3A_220 = arith.constant -16 : i32
    %add3A_221 = vector.broadcast %add3A_220 : i32 to vector<196x196xi32>
    %add3A_222 = arith.addi %iota3A_11, %add3A_221 : vector<196x196xi32>
    %eq3A_223 = arith.cmpi eq, %iota3A, %add3A_222 : vector<196x196xi32>
    %add3A_224 = arith.constant -2 : i32
    %add3A_225 = vector.broadcast %add3A_224 : i32 to vector<196x196xi32>
    %add3A_226 = arith.addi %select_n3A_31, %add3A_225 : vector<196x196xi32>
    %ge3A_227 = arith.constant 0 : i32
    %ge3A_228 = vector.broadcast %ge3A_227 : i32 to vector<196x196xi32>
    %ge3A_229 = arith.cmpi sge, %add3A_226, %ge3A_228 : vector<196x196xi32>
    %add3A_230 = arith.constant -2 : i32
    %add3A_231 = vector.broadcast %add3A_230 : i32 to vector<196x196xi32>
    %add3A_232 = arith.addi %select_n3A_31, %add3A_231 : vector<196x196xi32>
    %lt3A_233 = arith.constant 14 : i32
    %lt3A_234 = vector.broadcast %lt3A_233 : i32 to vector<196x196xi32>
    %lt3A_235 = arith.cmpi slt, %add3A_232, %lt3A_234 : vector<196x196xi32>
    %and3A_236 = arith.andi %ge3A_229, %lt3A_235 : vector<196x196xi1>
    %and3A_237 = arith.andi %eq3A_223, %and3A_236 : vector<196x196xi1>
    %jit3A_238 = arith.constant 0.000000e+00 : f32
    %broadcast_in_dim3A_239 = vector.broadcast %jit3A_238 : f32 to vector<196x196xf32>
    %select_n3A_240 = arith.select %and3A_237, %div3A, %broadcast_in_dim3A_239 : vector<196x196xi1>, vector<196x196xf32>
    %reduce_sum3A_241 = arith.constant dense<0.000000e+00> : vector<196xf32>
    %reduce_sum3A_242 = vector.multi_reduction <add>, %select_n3A_240, %reduce_sum3A_241 [0] : vector<196x196xf32> to vector<196xf32>
    %broadcast_in_dim3A_243 = vector.shape_cast %reduce_sum3A_242 : vector<196xf32> to vector<1x196xf32>
    %jit3A_244 = arith.constant 1.000000e+00 : f32
    %jit3A_245 = arith.constant 0.000000e+00 : f32
    %broadcast_in_dim3A_246 = vector.broadcast %jit3A_244 : f32 to vector<196x196xf32>
    %broadcast_in_dim3A_247 = vector.broadcast %jit3A_245 : f32 to vector<196x196xf32>
    %select_n3A_248 = arith.select %and3A_237, %broadcast_in_dim3A_246, %broadcast_in_dim3A_247 : vector<196x196xi1>, vector<196x196xf32>
    %reduce_sum3A_249 = arith.constant dense<0.000000e+00> : vector<196xf32>
    %reduce_sum3A_250 = vector.multi_reduction <add>, %select_n3A_248, %reduce_sum3A_249 [0] : vector<196x196xf32> to vector<196xf32>
    %broadcast_in_dim3A_251 = vector.shape_cast %reduce_sum3A_250 : vector<196xf32> to vector<1x196xf32>
    %gt3A_252 = arith.constant 0.000000e+00 : f32
    %gt3A_253 = vector.broadcast %gt3A_252 : f32 to vector<1x196xf32>
    %gt3A_254 = arith.cmpf ogt, %broadcast_in_dim3A_251, %gt3A_253 : vector<1x196xf32>
    %jit3A_255 = arith.constant 1.000000e+30 : f32
    %broadcast_in_dim3A_256 = vector.broadcast %jit3A_255 : f32 to vector<1x196xf32>
    %select_n3A_257 = arith.select %gt3A_254, %broadcast_in_dim3A_243, %broadcast_in_dim3A_256 : vector<1x196xi1>, vector<1x196xf32>
    %add3A_258 = arith.constant -15 : i32
    %add3A_259 = vector.broadcast %add3A_258 : i32 to vector<196x196xi32>
    %add3A_260 = arith.addi %iota3A_11, %add3A_259 : vector<196x196xi32>
    %eq3A_261 = arith.cmpi eq, %iota3A, %add3A_260 : vector<196x196xi32>
    %add3A_262 = arith.constant -1 : i32
    %add3A_263 = vector.broadcast %add3A_262 : i32 to vector<196x196xi32>
    %add3A_264 = arith.addi %select_n3A_31, %add3A_263 : vector<196x196xi32>
    %ge3A_265 = arith.constant 0 : i32
    %ge3A_266 = vector.broadcast %ge3A_265 : i32 to vector<196x196xi32>
    %ge3A_267 = arith.cmpi sge, %add3A_264, %ge3A_266 : vector<196x196xi32>
    %add3A_268 = arith.constant -1 : i32
    %add3A_269 = vector.broadcast %add3A_268 : i32 to vector<196x196xi32>
    %add3A_270 = arith.addi %select_n3A_31, %add3A_269 : vector<196x196xi32>
    %lt3A_271 = arith.constant 14 : i32
    %lt3A_272 = vector.broadcast %lt3A_271 : i32 to vector<196x196xi32>
    %lt3A_273 = arith.cmpi slt, %add3A_270, %lt3A_272 : vector<196x196xi32>
    %and3A_274 = arith.andi %ge3A_267, %lt3A_273 : vector<196x196xi1>
    %and3A_275 = arith.andi %eq3A_261, %and3A_274 : vector<196x196xi1>
    %jit3A_276 = arith.constant 0.000000e+00 : f32
    %broadcast_in_dim3A_277 = vector.broadcast %jit3A_276 : f32 to vector<196x196xf32>
    %select_n3A_278 = arith.select %and3A_275, %div3A, %broadcast_in_dim3A_277 : vector<196x196xi1>, vector<196x196xf32>
    %reduce_sum3A_279 = arith.constant dense<0.000000e+00> : vector<196xf32>
    %reduce_sum3A_280 = vector.multi_reduction <add>, %select_n3A_278, %reduce_sum3A_279 [0] : vector<196x196xf32> to vector<196xf32>
    %broadcast_in_dim3A_281 = vector.shape_cast %reduce_sum3A_280 : vector<196xf32> to vector<1x196xf32>
    %jit3A_282 = arith.constant 1.000000e+00 : f32
    %jit3A_283 = arith.constant 0.000000e+00 : f32
    %broadcast_in_dim3A_284 = vector.broadcast %jit3A_282 : f32 to vector<196x196xf32>
    %broadcast_in_dim3A_285 = vector.broadcast %jit3A_283 : f32 to vector<196x196xf32>
    %select_n3A_286 = arith.select %and3A_275, %broadcast_in_dim3A_284, %broadcast_in_dim3A_285 : vector<196x196xi1>, vector<196x196xf32>
    %reduce_sum3A_287 = arith.constant dense<0.000000e+00> : vector<196xf32>
    %reduce_sum3A_288 = vector.multi_reduction <add>, %select_n3A_286, %reduce_sum3A_287 [0] : vector<196x196xf32> to vector<196xf32>
    %broadcast_in_dim3A_289 = vector.shape_cast %reduce_sum3A_288 : vector<196xf32> to vector<1x196xf32>
    %gt3A_290 = arith.constant 0.000000e+00 : f32
    %gt3A_291 = vector.broadcast %gt3A_290 : f32 to vector<1x196xf32>
    %gt3A_292 = arith.cmpf ogt, %broadcast_in_dim3A_289, %gt3A_291 : vector<1x196xf32>
    %jit3A_293 = arith.constant 1.000000e+30 : f32
    %broadcast_in_dim3A_294 = vector.broadcast %jit3A_293 : f32 to vector<1x196xf32>
    %select_n3A_295 = arith.select %gt3A_292, %broadcast_in_dim3A_281, %broadcast_in_dim3A_294 : vector<1x196xi1>, vector<1x196xf32>
    %add3A_296 = arith.constant -14 : i32
    %add3A_297 = vector.broadcast %add3A_296 : i32 to vector<196x196xi32>
    %add3A_298 = arith.addi %iota3A_11, %add3A_297 : vector<196x196xi32>
    %eq3A_299 = arith.cmpi eq, %iota3A, %add3A_298 : vector<196x196xi32>
    %add3A_300 = arith.constant 0 : i32
    %add3A_301 = vector.broadcast %add3A_300 : i32 to vector<196x196xi32>
    %add3A_302 = arith.addi %select_n3A_31, %add3A_301 : vector<196x196xi32>
    %ge3A_303 = arith.constant 0 : i32
    %ge3A_304 = vector.broadcast %ge3A_303 : i32 to vector<196x196xi32>
    %ge3A_305 = arith.cmpi sge, %add3A_302, %ge3A_304 : vector<196x196xi32>
    %add3A_306 = arith.constant 0 : i32
    %add3A_307 = vector.broadcast %add3A_306 : i32 to vector<196x196xi32>
    %add3A_308 = arith.addi %select_n3A_31, %add3A_307 : vector<196x196xi32>
    %lt3A_309 = arith.constant 14 : i32
    %lt3A_310 = vector.broadcast %lt3A_309 : i32 to vector<196x196xi32>
    %lt3A_311 = arith.cmpi slt, %add3A_308, %lt3A_310 : vector<196x196xi32>
    %and3A_312 = arith.andi %ge3A_305, %lt3A_311 : vector<196x196xi1>
    %and3A_313 = arith.andi %eq3A_299, %and3A_312 : vector<196x196xi1>
    %jit3A_314 = arith.constant 0.000000e+00 : f32
    %broadcast_in_dim3A_315 = vector.broadcast %jit3A_314 : f32 to vector<196x196xf32>
    %select_n3A_316 = arith.select %and3A_313, %div3A, %broadcast_in_dim3A_315 : vector<196x196xi1>, vector<196x196xf32>
    %reduce_sum3A_317 = arith.constant dense<0.000000e+00> : vector<196xf32>
    %reduce_sum3A_318 = vector.multi_reduction <add>, %select_n3A_316, %reduce_sum3A_317 [0] : vector<196x196xf32> to vector<196xf32>
    %broadcast_in_dim3A_319 = vector.shape_cast %reduce_sum3A_318 : vector<196xf32> to vector<1x196xf32>
    %jit3A_320 = arith.constant 1.000000e+00 : f32
    %jit3A_321 = arith.constant 0.000000e+00 : f32
    %broadcast_in_dim3A_322 = vector.broadcast %jit3A_320 : f32 to vector<196x196xf32>
    %broadcast_in_dim3A_323 = vector.broadcast %jit3A_321 : f32 to vector<196x196xf32>
    %select_n3A_324 = arith.select %and3A_313, %broadcast_in_dim3A_322, %broadcast_in_dim3A_323 : vector<196x196xi1>, vector<196x196xf32>
    %reduce_sum3A_325 = arith.constant dense<0.000000e+00> : vector<196xf32>
    %reduce_sum3A_326 = vector.multi_reduction <add>, %select_n3A_324, %reduce_sum3A_325 [0] : vector<196x196xf32> to vector<196xf32>
    %broadcast_in_dim3A_327 = vector.shape_cast %reduce_sum3A_326 : vector<196xf32> to vector<1x196xf32>
    %gt3A_328 = arith.constant 0.000000e+00 : f32
    %gt3A_329 = vector.broadcast %gt3A_328 : f32 to vector<1x196xf32>
    %gt3A_330 = arith.cmpf ogt, %broadcast_in_dim3A_327, %gt3A_329 : vector<1x196xf32>
    %jit3A_331 = arith.constant 1.000000e+30 : f32
    %broadcast_in_dim3A_332 = vector.broadcast %jit3A_331 : f32 to vector<1x196xf32>
    %select_n3A_333 = arith.select %gt3A_330, %broadcast_in_dim3A_319, %broadcast_in_dim3A_332 : vector<1x196xi1>, vector<1x196xf32>
    %add3A_334 = arith.constant -13 : i32
    %add3A_335 = vector.broadcast %add3A_334 : i32 to vector<196x196xi32>
    %add3A_336 = arith.addi %iota3A_11, %add3A_335 : vector<196x196xi32>
    %eq3A_337 = arith.cmpi eq, %iota3A, %add3A_336 : vector<196x196xi32>
    %add3A_338 = arith.constant 1 : i32
    %add3A_339 = vector.broadcast %add3A_338 : i32 to vector<196x196xi32>
    %add3A_340 = arith.addi %select_n3A_31, %add3A_339 : vector<196x196xi32>
    %ge3A_341 = arith.constant 0 : i32
    %ge3A_342 = vector.broadcast %ge3A_341 : i32 to vector<196x196xi32>
    %ge3A_343 = arith.cmpi sge, %add3A_340, %ge3A_342 : vector<196x196xi32>
    %add3A_344 = arith.constant 1 : i32
    %add3A_345 = vector.broadcast %add3A_344 : i32 to vector<196x196xi32>
    %add3A_346 = arith.addi %select_n3A_31, %add3A_345 : vector<196x196xi32>
    %lt3A_347 = arith.constant 14 : i32
    %lt3A_348 = vector.broadcast %lt3A_347 : i32 to vector<196x196xi32>
    %lt3A_349 = arith.cmpi slt, %add3A_346, %lt3A_348 : vector<196x196xi32>
    %and3A_350 = arith.andi %ge3A_343, %lt3A_349 : vector<196x196xi1>
    %and3A_351 = arith.andi %eq3A_337, %and3A_350 : vector<196x196xi1>
    %jit3A_352 = arith.constant 0.000000e+00 : f32
    %broadcast_in_dim3A_353 = vector.broadcast %jit3A_352 : f32 to vector<196x196xf32>
    %select_n3A_354 = arith.select %and3A_351, %div3A, %broadcast_in_dim3A_353 : vector<196x196xi1>, vector<196x196xf32>
    %reduce_sum3A_355 = arith.constant dense<0.000000e+00> : vector<196xf32>
    %reduce_sum3A_356 = vector.multi_reduction <add>, %select_n3A_354, %reduce_sum3A_355 [0] : vector<196x196xf32> to vector<196xf32>
    %broadcast_in_dim3A_357 = vector.shape_cast %reduce_sum3A_356 : vector<196xf32> to vector<1x196xf32>
    %jit3A_358 = arith.constant 1.000000e+00 : f32
    %jit3A_359 = arith.constant 0.000000e+00 : f32
    %broadcast_in_dim3A_360 = vector.broadcast %jit3A_358 : f32 to vector<196x196xf32>
    %broadcast_in_dim3A_361 = vector.broadcast %jit3A_359 : f32 to vector<196x196xf32>
    %select_n3A_362 = arith.select %and3A_351, %broadcast_in_dim3A_360, %broadcast_in_dim3A_361 : vector<196x196xi1>, vector<196x196xf32>
    %reduce_sum3A_363 = arith.constant dense<0.000000e+00> : vector<196xf32>
    %reduce_sum3A_364 = vector.multi_reduction <add>, %select_n3A_362, %reduce_sum3A_363 [0] : vector<196x196xf32> to vector<196xf32>
    %broadcast_in_dim3A_365 = vector.shape_cast %reduce_sum3A_364 : vector<196xf32> to vector<1x196xf32>
    %gt3A_366 = arith.constant 0.000000e+00 : f32
    %gt3A_367 = vector.broadcast %gt3A_366 : f32 to vector<1x196xf32>
    %gt3A_368 = arith.cmpf ogt, %broadcast_in_dim3A_365, %gt3A_367 : vector<1x196xf32>
    %jit3A_369 = arith.constant 1.000000e+30 : f32
    %broadcast_in_dim3A_370 = vector.broadcast %jit3A_369 : f32 to vector<1x196xf32>
    %select_n3A_371 = arith.select %gt3A_368, %broadcast_in_dim3A_357, %broadcast_in_dim3A_370 : vector<1x196xi1>, vector<1x196xf32>
    %add3A_372 = arith.constant -12 : i32
    %add3A_373 = vector.broadcast %add3A_372 : i32 to vector<196x196xi32>
    %add3A_374 = arith.addi %iota3A_11, %add3A_373 : vector<196x196xi32>
    %eq3A_375 = arith.cmpi eq, %iota3A, %add3A_374 : vector<196x196xi32>
    %add3A_376 = arith.constant 2 : i32
    %add3A_377 = vector.broadcast %add3A_376 : i32 to vector<196x196xi32>
    %add3A_378 = arith.addi %select_n3A_31, %add3A_377 : vector<196x196xi32>
    %ge3A_379 = arith.constant 0 : i32
    %ge3A_380 = vector.broadcast %ge3A_379 : i32 to vector<196x196xi32>
    %ge3A_381 = arith.cmpi sge, %add3A_378, %ge3A_380 : vector<196x196xi32>
    %add3A_382 = arith.constant 2 : i32
    %add3A_383 = vector.broadcast %add3A_382 : i32 to vector<196x196xi32>
    %add3A_384 = arith.addi %select_n3A_31, %add3A_383 : vector<196x196xi32>
    %lt3A_385 = arith.constant 14 : i32
    %lt3A_386 = vector.broadcast %lt3A_385 : i32 to vector<196x196xi32>
    %lt3A_387 = arith.cmpi slt, %add3A_384, %lt3A_386 : vector<196x196xi32>
    %and3A_388 = arith.andi %ge3A_381, %lt3A_387 : vector<196x196xi1>
    %and3A_389 = arith.andi %eq3A_375, %and3A_388 : vector<196x196xi1>
    %jit3A_390 = arith.constant 0.000000e+00 : f32
    %broadcast_in_dim3A_391 = vector.broadcast %jit3A_390 : f32 to vector<196x196xf32>
    %select_n3A_392 = arith.select %and3A_389, %div3A, %broadcast_in_dim3A_391 : vector<196x196xi1>, vector<196x196xf32>
    %reduce_sum3A_393 = arith.constant dense<0.000000e+00> : vector<196xf32>
    %reduce_sum3A_394 = vector.multi_reduction <add>, %select_n3A_392, %reduce_sum3A_393 [0] : vector<196x196xf32> to vector<196xf32>
    %broadcast_in_dim3A_395 = vector.shape_cast %reduce_sum3A_394 : vector<196xf32> to vector<1x196xf32>
    %jit3A_396 = arith.constant 1.000000e+00 : f32
    %jit3A_397 = arith.constant 0.000000e+00 : f32
    %broadcast_in_dim3A_398 = vector.broadcast %jit3A_396 : f32 to vector<196x196xf32>
    %broadcast_in_dim3A_399 = vector.broadcast %jit3A_397 : f32 to vector<196x196xf32>
    %select_n3A_400 = arith.select %and3A_389, %broadcast_in_dim3A_398, %broadcast_in_dim3A_399 : vector<196x196xi1>, vector<196x196xf32>
    %reduce_sum3A_401 = arith.constant dense<0.000000e+00> : vector<196xf32>
    %reduce_sum3A_402 = vector.multi_reduction <add>, %select_n3A_400, %reduce_sum3A_401 [0] : vector<196x196xf32> to vector<196xf32>
    %broadcast_in_dim3A_403 = vector.shape_cast %reduce_sum3A_402 : vector<196xf32> to vector<1x196xf32>
    %gt3A_404 = arith.constant 0.000000e+00 : f32
    %gt3A_405 = vector.broadcast %gt3A_404 : f32 to vector<1x196xf32>
    %gt3A_406 = arith.cmpf ogt, %broadcast_in_dim3A_403, %gt3A_405 : vector<1x196xf32>
    %jit3A_407 = arith.constant 1.000000e+30 : f32
    %broadcast_in_dim3A_408 = vector.broadcast %jit3A_407 : f32 to vector<1x196xf32>
    %select_n3A_409 = arith.select %gt3A_406, %broadcast_in_dim3A_395, %broadcast_in_dim3A_408 : vector<1x196xi1>, vector<1x196xf32>
    %add3A_410 = arith.constant -2 : i32
    %add3A_411 = vector.broadcast %add3A_410 : i32 to vector<196x196xi32>
    %add3A_412 = arith.addi %iota3A_11, %add3A_411 : vector<196x196xi32>
    %eq3A_413 = arith.cmpi eq, %iota3A, %add3A_412 : vector<196x196xi32>
    %add3A_414 = arith.constant -2 : i32
    %add3A_415 = vector.broadcast %add3A_414 : i32 to vector<196x196xi32>
    %add3A_416 = arith.addi %select_n3A_31, %add3A_415 : vector<196x196xi32>
    %ge3A_417 = arith.constant 0 : i32
    %ge3A_418 = vector.broadcast %ge3A_417 : i32 to vector<196x196xi32>
    %ge3A_419 = arith.cmpi sge, %add3A_416, %ge3A_418 : vector<196x196xi32>
    %add3A_420 = arith.constant -2 : i32
    %add3A_421 = vector.broadcast %add3A_420 : i32 to vector<196x196xi32>
    %add3A_422 = arith.addi %select_n3A_31, %add3A_421 : vector<196x196xi32>
    %lt3A_423 = arith.constant 14 : i32
    %lt3A_424 = vector.broadcast %lt3A_423 : i32 to vector<196x196xi32>
    %lt3A_425 = arith.cmpi slt, %add3A_422, %lt3A_424 : vector<196x196xi32>
    %and3A_426 = arith.andi %ge3A_419, %lt3A_425 : vector<196x196xi1>
    %and3A_427 = arith.andi %eq3A_413, %and3A_426 : vector<196x196xi1>
    %jit3A_428 = arith.constant 0.000000e+00 : f32
    %broadcast_in_dim3A_429 = vector.broadcast %jit3A_428 : f32 to vector<196x196xf32>
    %select_n3A_430 = arith.select %and3A_427, %div3A, %broadcast_in_dim3A_429 : vector<196x196xi1>, vector<196x196xf32>
    %reduce_sum3A_431 = arith.constant dense<0.000000e+00> : vector<196xf32>
    %reduce_sum3A_432 = vector.multi_reduction <add>, %select_n3A_430, %reduce_sum3A_431 [0] : vector<196x196xf32> to vector<196xf32>
    %broadcast_in_dim3A_433 = vector.shape_cast %reduce_sum3A_432 : vector<196xf32> to vector<1x196xf32>
    %jit3A_434 = arith.constant 1.000000e+00 : f32
    %jit3A_435 = arith.constant 0.000000e+00 : f32
    %broadcast_in_dim3A_436 = vector.broadcast %jit3A_434 : f32 to vector<196x196xf32>
    %broadcast_in_dim3A_437 = vector.broadcast %jit3A_435 : f32 to vector<196x196xf32>
    %select_n3A_438 = arith.select %and3A_427, %broadcast_in_dim3A_436, %broadcast_in_dim3A_437 : vector<196x196xi1>, vector<196x196xf32>
    %reduce_sum3A_439 = arith.constant dense<0.000000e+00> : vector<196xf32>
    %reduce_sum3A_440 = vector.multi_reduction <add>, %select_n3A_438, %reduce_sum3A_439 [0] : vector<196x196xf32> to vector<196xf32>
    %broadcast_in_dim3A_441 = vector.shape_cast %reduce_sum3A_440 : vector<196xf32> to vector<1x196xf32>
    %gt3A_442 = arith.constant 0.000000e+00 : f32
    %gt3A_443 = vector.broadcast %gt3A_442 : f32 to vector<1x196xf32>
    %gt3A_444 = arith.cmpf ogt, %broadcast_in_dim3A_441, %gt3A_443 : vector<1x196xf32>
    %jit3A_445 = arith.constant 1.000000e+30 : f32
    %broadcast_in_dim3A_446 = vector.broadcast %jit3A_445 : f32 to vector<1x196xf32>
    %select_n3A_447 = arith.select %gt3A_444, %broadcast_in_dim3A_433, %broadcast_in_dim3A_446 : vector<1x196xi1>, vector<1x196xf32>
    %add3A_448 = arith.constant -1 : i32
    %add3A_449 = vector.broadcast %add3A_448 : i32 to vector<196x196xi32>
    %add3A_450 = arith.addi %iota3A_11, %add3A_449 : vector<196x196xi32>
    %eq3A_451 = arith.cmpi eq, %iota3A, %add3A_450 : vector<196x196xi32>
    %add3A_452 = arith.constant -1 : i32
    %add3A_453 = vector.broadcast %add3A_452 : i32 to vector<196x196xi32>
    %add3A_454 = arith.addi %select_n3A_31, %add3A_453 : vector<196x196xi32>
    %ge3A_455 = arith.constant 0 : i32
    %ge3A_456 = vector.broadcast %ge3A_455 : i32 to vector<196x196xi32>
    %ge3A_457 = arith.cmpi sge, %add3A_454, %ge3A_456 : vector<196x196xi32>
    %add3A_458 = arith.constant -1 : i32
    %add3A_459 = vector.broadcast %add3A_458 : i32 to vector<196x196xi32>
    %add3A_460 = arith.addi %select_n3A_31, %add3A_459 : vector<196x196xi32>
    %lt3A_461 = arith.constant 14 : i32
    %lt3A_462 = vector.broadcast %lt3A_461 : i32 to vector<196x196xi32>
    %lt3A_463 = arith.cmpi slt, %add3A_460, %lt3A_462 : vector<196x196xi32>
    %and3A_464 = arith.andi %ge3A_457, %lt3A_463 : vector<196x196xi1>
    %and3A_465 = arith.andi %eq3A_451, %and3A_464 : vector<196x196xi1>
    %jit3A_466 = arith.constant 0.000000e+00 : f32
    %broadcast_in_dim3A_467 = vector.broadcast %jit3A_466 : f32 to vector<196x196xf32>
    %select_n3A_468 = arith.select %and3A_465, %div3A, %broadcast_in_dim3A_467 : vector<196x196xi1>, vector<196x196xf32>
    %reduce_sum3A_469 = arith.constant dense<0.000000e+00> : vector<196xf32>
    %reduce_sum3A_470 = vector.multi_reduction <add>, %select_n3A_468, %reduce_sum3A_469 [0] : vector<196x196xf32> to vector<196xf32>
    %broadcast_in_dim3A_471 = vector.shape_cast %reduce_sum3A_470 : vector<196xf32> to vector<1x196xf32>
    %jit3A_472 = arith.constant 1.000000e+00 : f32
    %jit3A_473 = arith.constant 0.000000e+00 : f32
    %broadcast_in_dim3A_474 = vector.broadcast %jit3A_472 : f32 to vector<196x196xf32>
    %broadcast_in_dim3A_475 = vector.broadcast %jit3A_473 : f32 to vector<196x196xf32>
    %select_n3A_476 = arith.select %and3A_465, %broadcast_in_dim3A_474, %broadcast_in_dim3A_475 : vector<196x196xi1>, vector<196x196xf32>
    %reduce_sum3A_477 = arith.constant dense<0.000000e+00> : vector<196xf32>
    %reduce_sum3A_478 = vector.multi_reduction <add>, %select_n3A_476, %reduce_sum3A_477 [0] : vector<196x196xf32> to vector<196xf32>
    %broadcast_in_dim3A_479 = vector.shape_cast %reduce_sum3A_478 : vector<196xf32> to vector<1x196xf32>
    %gt3A_480 = arith.constant 0.000000e+00 : f32
    %gt3A_481 = vector.broadcast %gt3A_480 : f32 to vector<1x196xf32>
    %gt3A_482 = arith.cmpf ogt, %broadcast_in_dim3A_479, %gt3A_481 : vector<1x196xf32>
    %jit3A_483 = arith.constant 1.000000e+30 : f32
    %broadcast_in_dim3A_484 = vector.broadcast %jit3A_483 : f32 to vector<1x196xf32>
    %select_n3A_485 = arith.select %gt3A_482, %broadcast_in_dim3A_471, %broadcast_in_dim3A_484 : vector<1x196xi1>, vector<1x196xf32>
    %add3A_486 = arith.constant 0 : i32
    %add3A_487 = vector.broadcast %add3A_486 : i32 to vector<196x196xi32>
    %add3A_488 = arith.addi %iota3A_11, %add3A_487 : vector<196x196xi32>
    %eq3A_489 = arith.cmpi eq, %iota3A, %add3A_488 : vector<196x196xi32>
    %add3A_490 = arith.constant 0 : i32
    %add3A_491 = vector.broadcast %add3A_490 : i32 to vector<196x196xi32>
    %add3A_492 = arith.addi %select_n3A_31, %add3A_491 : vector<196x196xi32>
    %ge3A_493 = arith.constant 0 : i32
    %ge3A_494 = vector.broadcast %ge3A_493 : i32 to vector<196x196xi32>
    %ge3A_495 = arith.cmpi sge, %add3A_492, %ge3A_494 : vector<196x196xi32>
    %add3A_496 = arith.constant 0 : i32
    %add3A_497 = vector.broadcast %add3A_496 : i32 to vector<196x196xi32>
    %add3A_498 = arith.addi %select_n3A_31, %add3A_497 : vector<196x196xi32>
    %lt3A_499 = arith.constant 14 : i32
    %lt3A_500 = vector.broadcast %lt3A_499 : i32 to vector<196x196xi32>
    %lt3A_501 = arith.cmpi slt, %add3A_498, %lt3A_500 : vector<196x196xi32>
    %and3A_502 = arith.andi %ge3A_495, %lt3A_501 : vector<196x196xi1>
    %and3A_503 = arith.andi %eq3A_489, %and3A_502 : vector<196x196xi1>
    %jit3A_504 = arith.constant 0.000000e+00 : f32
    %broadcast_in_dim3A_505 = vector.broadcast %jit3A_504 : f32 to vector<196x196xf32>
    %select_n3A_506 = arith.select %and3A_503, %div3A, %broadcast_in_dim3A_505 : vector<196x196xi1>, vector<196x196xf32>
    %reduce_sum3A_507 = arith.constant dense<0.000000e+00> : vector<196xf32>
    %reduce_sum3A_508 = vector.multi_reduction <add>, %select_n3A_506, %reduce_sum3A_507 [0] : vector<196x196xf32> to vector<196xf32>
    %broadcast_in_dim3A_509 = vector.shape_cast %reduce_sum3A_508 : vector<196xf32> to vector<1x196xf32>
    %jit3A_510 = arith.constant 1.000000e+00 : f32
    %jit3A_511 = arith.constant 0.000000e+00 : f32
    %broadcast_in_dim3A_512 = vector.broadcast %jit3A_510 : f32 to vector<196x196xf32>
    %broadcast_in_dim3A_513 = vector.broadcast %jit3A_511 : f32 to vector<196x196xf32>
    %select_n3A_514 = arith.select %and3A_503, %broadcast_in_dim3A_512, %broadcast_in_dim3A_513 : vector<196x196xi1>, vector<196x196xf32>
    %reduce_sum3A_515 = arith.constant dense<0.000000e+00> : vector<196xf32>
    %reduce_sum3A_516 = vector.multi_reduction <add>, %select_n3A_514, %reduce_sum3A_515 [0] : vector<196x196xf32> to vector<196xf32>
    %broadcast_in_dim3A_517 = vector.shape_cast %reduce_sum3A_516 : vector<196xf32> to vector<1x196xf32>
    %gt3A_518 = arith.constant 0.000000e+00 : f32
    %gt3A_519 = vector.broadcast %gt3A_518 : f32 to vector<1x196xf32>
    %gt3A_520 = arith.cmpf ogt, %broadcast_in_dim3A_517, %gt3A_519 : vector<1x196xf32>
    %jit3A_521 = arith.constant 1.000000e+30 : f32
    %broadcast_in_dim3A_522 = vector.broadcast %jit3A_521 : f32 to vector<1x196xf32>
    %select_n3A_523 = arith.select %gt3A_520, %broadcast_in_dim3A_509, %broadcast_in_dim3A_522 : vector<1x196xi1>, vector<1x196xf32>
    %add3A_524 = arith.constant 1 : i32
    %add3A_525 = vector.broadcast %add3A_524 : i32 to vector<196x196xi32>
    %add3A_526 = arith.addi %iota3A_11, %add3A_525 : vector<196x196xi32>
    %eq3A_527 = arith.cmpi eq, %iota3A, %add3A_526 : vector<196x196xi32>
    %add3A_528 = arith.constant 1 : i32
    %add3A_529 = vector.broadcast %add3A_528 : i32 to vector<196x196xi32>
    %add3A_530 = arith.addi %select_n3A_31, %add3A_529 : vector<196x196xi32>
    %ge3A_531 = arith.constant 0 : i32
    %ge3A_532 = vector.broadcast %ge3A_531 : i32 to vector<196x196xi32>
    %ge3A_533 = arith.cmpi sge, %add3A_530, %ge3A_532 : vector<196x196xi32>
    %add3A_534 = arith.constant 1 : i32
    %add3A_535 = vector.broadcast %add3A_534 : i32 to vector<196x196xi32>
    %add3A_536 = arith.addi %select_n3A_31, %add3A_535 : vector<196x196xi32>
    %lt3A_537 = arith.constant 14 : i32
    %lt3A_538 = vector.broadcast %lt3A_537 : i32 to vector<196x196xi32>
    %lt3A_539 = arith.cmpi slt, %add3A_536, %lt3A_538 : vector<196x196xi32>
    %and3A_540 = arith.andi %ge3A_533, %lt3A_539 : vector<196x196xi1>
    %and3A_541 = arith.andi %eq3A_527, %and3A_540 : vector<196x196xi1>
    %jit3A_542 = arith.constant 0.000000e+00 : f32
    %broadcast_in_dim3A_543 = vector.broadcast %jit3A_542 : f32 to vector<196x196xf32>
    %select_n3A_544 = arith.select %and3A_541, %div3A, %broadcast_in_dim3A_543 : vector<196x196xi1>, vector<196x196xf32>
    %reduce_sum3A_545 = arith.constant dense<0.000000e+00> : vector<196xf32>
    %reduce_sum3A_546 = vector.multi_reduction <add>, %select_n3A_544, %reduce_sum3A_545 [0] : vector<196x196xf32> to vector<196xf32>
    %broadcast_in_dim3A_547 = vector.shape_cast %reduce_sum3A_546 : vector<196xf32> to vector<1x196xf32>
    %jit3A_548 = arith.constant 1.000000e+00 : f32
    %jit3A_549 = arith.constant 0.000000e+00 : f32
    %broadcast_in_dim3A_550 = vector.broadcast %jit3A_548 : f32 to vector<196x196xf32>
    %broadcast_in_dim3A_551 = vector.broadcast %jit3A_549 : f32 to vector<196x196xf32>
    %select_n3A_552 = arith.select %and3A_541, %broadcast_in_dim3A_550, %broadcast_in_dim3A_551 : vector<196x196xi1>, vector<196x196xf32>
    %reduce_sum3A_553 = arith.constant dense<0.000000e+00> : vector<196xf32>
    %reduce_sum3A_554 = vector.multi_reduction <add>, %select_n3A_552, %reduce_sum3A_553 [0] : vector<196x196xf32> to vector<196xf32>
    %broadcast_in_dim3A_555 = vector.shape_cast %reduce_sum3A_554 : vector<196xf32> to vector<1x196xf32>
    %gt3A_556 = arith.constant 0.000000e+00 : f32
    %gt3A_557 = vector.broadcast %gt3A_556 : f32 to vector<1x196xf32>
    %gt3A_558 = arith.cmpf ogt, %broadcast_in_dim3A_555, %gt3A_557 : vector<1x196xf32>
    %jit3A_559 = arith.constant 1.000000e+30 : f32
    %broadcast_in_dim3A_560 = vector.broadcast %jit3A_559 : f32 to vector<1x196xf32>
    %select_n3A_561 = arith.select %gt3A_558, %broadcast_in_dim3A_547, %broadcast_in_dim3A_560 : vector<1x196xi1>, vector<1x196xf32>
    %add3A_562 = arith.constant 2 : i32
    %add3A_563 = vector.broadcast %add3A_562 : i32 to vector<196x196xi32>
    %add3A_564 = arith.addi %iota3A_11, %add3A_563 : vector<196x196xi32>
    %eq3A_565 = arith.cmpi eq, %iota3A, %add3A_564 : vector<196x196xi32>
    %add3A_566 = arith.constant 2 : i32
    %add3A_567 = vector.broadcast %add3A_566 : i32 to vector<196x196xi32>
    %add3A_568 = arith.addi %select_n3A_31, %add3A_567 : vector<196x196xi32>
    %ge3A_569 = arith.constant 0 : i32
    %ge3A_570 = vector.broadcast %ge3A_569 : i32 to vector<196x196xi32>
    %ge3A_571 = arith.cmpi sge, %add3A_568, %ge3A_570 : vector<196x196xi32>
    %add3A_572 = arith.constant 2 : i32
    %add3A_573 = vector.broadcast %add3A_572 : i32 to vector<196x196xi32>
    %add3A_574 = arith.addi %select_n3A_31, %add3A_573 : vector<196x196xi32>
    %lt3A_575 = arith.constant 14 : i32
    %lt3A_576 = vector.broadcast %lt3A_575 : i32 to vector<196x196xi32>
    %lt3A_577 = arith.cmpi slt, %add3A_574, %lt3A_576 : vector<196x196xi32>
    %and3A_578 = arith.andi %ge3A_571, %lt3A_577 : vector<196x196xi1>
    %and3A_579 = arith.andi %eq3A_565, %and3A_578 : vector<196x196xi1>
    %jit3A_580 = arith.constant 0.000000e+00 : f32
    %broadcast_in_dim3A_581 = vector.broadcast %jit3A_580 : f32 to vector<196x196xf32>
    %select_n3A_582 = arith.select %and3A_579, %div3A, %broadcast_in_dim3A_581 : vector<196x196xi1>, vector<196x196xf32>
    %reduce_sum3A_583 = arith.constant dense<0.000000e+00> : vector<196xf32>
    %reduce_sum3A_584 = vector.multi_reduction <add>, %select_n3A_582, %reduce_sum3A_583 [0] : vector<196x196xf32> to vector<196xf32>
    %broadcast_in_dim3A_585 = vector.shape_cast %reduce_sum3A_584 : vector<196xf32> to vector<1x196xf32>
    %jit3A_586 = arith.constant 1.000000e+00 : f32
    %jit3A_587 = arith.constant 0.000000e+00 : f32
    %broadcast_in_dim3A_588 = vector.broadcast %jit3A_586 : f32 to vector<196x196xf32>
    %broadcast_in_dim3A_589 = vector.broadcast %jit3A_587 : f32 to vector<196x196xf32>
    %select_n3A_590 = arith.select %and3A_579, %broadcast_in_dim3A_588, %broadcast_in_dim3A_589 : vector<196x196xi1>, vector<196x196xf32>
    %reduce_sum3A_591 = arith.constant dense<0.000000e+00> : vector<196xf32>
    %reduce_sum3A_592 = vector.multi_reduction <add>, %select_n3A_590, %reduce_sum3A_591 [0] : vector<196x196xf32> to vector<196xf32>
    %broadcast_in_dim3A_593 = vector.shape_cast %reduce_sum3A_592 : vector<196xf32> to vector<1x196xf32>
    %gt3A_594 = arith.constant 0.000000e+00 : f32
    %gt3A_595 = vector.broadcast %gt3A_594 : f32 to vector<1x196xf32>
    %gt3A_596 = arith.cmpf ogt, %broadcast_in_dim3A_593, %gt3A_595 : vector<1x196xf32>
    %jit3A_597 = arith.constant 1.000000e+30 : f32
    %broadcast_in_dim3A_598 = vector.broadcast %jit3A_597 : f32 to vector<1x196xf32>
    %select_n3A_599 = arith.select %gt3A_596, %broadcast_in_dim3A_585, %broadcast_in_dim3A_598 : vector<1x196xi1>, vector<1x196xf32>
    %add3A_600 = arith.constant 12 : i32
    %add3A_601 = vector.broadcast %add3A_600 : i32 to vector<196x196xi32>
    %add3A_602 = arith.addi %iota3A_11, %add3A_601 : vector<196x196xi32>
    %eq3A_603 = arith.cmpi eq, %iota3A, %add3A_602 : vector<196x196xi32>
    %add3A_604 = arith.constant -2 : i32
    %add3A_605 = vector.broadcast %add3A_604 : i32 to vector<196x196xi32>
    %add3A_606 = arith.addi %select_n3A_31, %add3A_605 : vector<196x196xi32>
    %ge3A_607 = arith.constant 0 : i32
    %ge3A_608 = vector.broadcast %ge3A_607 : i32 to vector<196x196xi32>
    %ge3A_609 = arith.cmpi sge, %add3A_606, %ge3A_608 : vector<196x196xi32>
    %add3A_610 = arith.constant -2 : i32
    %add3A_611 = vector.broadcast %add3A_610 : i32 to vector<196x196xi32>
    %add3A_612 = arith.addi %select_n3A_31, %add3A_611 : vector<196x196xi32>
    %lt3A_613 = arith.constant 14 : i32
    %lt3A_614 = vector.broadcast %lt3A_613 : i32 to vector<196x196xi32>
    %lt3A_615 = arith.cmpi slt, %add3A_612, %lt3A_614 : vector<196x196xi32>
    %and3A_616 = arith.andi %ge3A_609, %lt3A_615 : vector<196x196xi1>
    %and3A_617 = arith.andi %eq3A_603, %and3A_616 : vector<196x196xi1>
    %jit3A_618 = arith.constant 0.000000e+00 : f32
    %broadcast_in_dim3A_619 = vector.broadcast %jit3A_618 : f32 to vector<196x196xf32>
    %select_n3A_620 = arith.select %and3A_617, %div3A, %broadcast_in_dim3A_619 : vector<196x196xi1>, vector<196x196xf32>
    %reduce_sum3A_621 = arith.constant dense<0.000000e+00> : vector<196xf32>
    %reduce_sum3A_622 = vector.multi_reduction <add>, %select_n3A_620, %reduce_sum3A_621 [0] : vector<196x196xf32> to vector<196xf32>
    %broadcast_in_dim3A_623 = vector.shape_cast %reduce_sum3A_622 : vector<196xf32> to vector<1x196xf32>
    %jit3A_624 = arith.constant 1.000000e+00 : f32
    %jit3A_625 = arith.constant 0.000000e+00 : f32
    %broadcast_in_dim3A_626 = vector.broadcast %jit3A_624 : f32 to vector<196x196xf32>
    %broadcast_in_dim3A_627 = vector.broadcast %jit3A_625 : f32 to vector<196x196xf32>
    %select_n3A_628 = arith.select %and3A_617, %broadcast_in_dim3A_626, %broadcast_in_dim3A_627 : vector<196x196xi1>, vector<196x196xf32>
    %reduce_sum3A_629 = arith.constant dense<0.000000e+00> : vector<196xf32>
    %reduce_sum3A_630 = vector.multi_reduction <add>, %select_n3A_628, %reduce_sum3A_629 [0] : vector<196x196xf32> to vector<196xf32>
    %broadcast_in_dim3A_631 = vector.shape_cast %reduce_sum3A_630 : vector<196xf32> to vector<1x196xf32>
    %gt3A_632 = arith.constant 0.000000e+00 : f32
    %gt3A_633 = vector.broadcast %gt3A_632 : f32 to vector<1x196xf32>
    %gt3A_634 = arith.cmpf ogt, %broadcast_in_dim3A_631, %gt3A_633 : vector<1x196xf32>
    %jit3A_635 = arith.constant 1.000000e+30 : f32
    %broadcast_in_dim3A_636 = vector.broadcast %jit3A_635 : f32 to vector<1x196xf32>
    %select_n3A_637 = arith.select %gt3A_634, %broadcast_in_dim3A_623, %broadcast_in_dim3A_636 : vector<1x196xi1>, vector<1x196xf32>
    %add3A_638 = arith.constant 13 : i32
    %add3A_639 = vector.broadcast %add3A_638 : i32 to vector<196x196xi32>
    %add3A_640 = arith.addi %iota3A_11, %add3A_639 : vector<196x196xi32>
    %eq3A_641 = arith.cmpi eq, %iota3A, %add3A_640 : vector<196x196xi32>
    %add3A_642 = arith.constant -1 : i32
    %add3A_643 = vector.broadcast %add3A_642 : i32 to vector<196x196xi32>
    %add3A_644 = arith.addi %select_n3A_31, %add3A_643 : vector<196x196xi32>
    %ge3A_645 = arith.constant 0 : i32
    %ge3A_646 = vector.broadcast %ge3A_645 : i32 to vector<196x196xi32>
    %ge3A_647 = arith.cmpi sge, %add3A_644, %ge3A_646 : vector<196x196xi32>
    %add3A_648 = arith.constant -1 : i32
    %add3A_649 = vector.broadcast %add3A_648 : i32 to vector<196x196xi32>
    %add3A_650 = arith.addi %select_n3A_31, %add3A_649 : vector<196x196xi32>
    %lt3A_651 = arith.constant 14 : i32
    %lt3A_652 = vector.broadcast %lt3A_651 : i32 to vector<196x196xi32>
    %lt3A_653 = arith.cmpi slt, %add3A_650, %lt3A_652 : vector<196x196xi32>
    %and3A_654 = arith.andi %ge3A_647, %lt3A_653 : vector<196x196xi1>
    %and3A_655 = arith.andi %eq3A_641, %and3A_654 : vector<196x196xi1>
    %jit3A_656 = arith.constant 0.000000e+00 : f32
    %broadcast_in_dim3A_657 = vector.broadcast %jit3A_656 : f32 to vector<196x196xf32>
    %select_n3A_658 = arith.select %and3A_655, %div3A, %broadcast_in_dim3A_657 : vector<196x196xi1>, vector<196x196xf32>
    %reduce_sum3A_659 = arith.constant dense<0.000000e+00> : vector<196xf32>
    %reduce_sum3A_660 = vector.multi_reduction <add>, %select_n3A_658, %reduce_sum3A_659 [0] : vector<196x196xf32> to vector<196xf32>
    %broadcast_in_dim3A_661 = vector.shape_cast %reduce_sum3A_660 : vector<196xf32> to vector<1x196xf32>
    %jit3A_662 = arith.constant 1.000000e+00 : f32
    %jit3A_663 = arith.constant 0.000000e+00 : f32
    %broadcast_in_dim3A_664 = vector.broadcast %jit3A_662 : f32 to vector<196x196xf32>
    %broadcast_in_dim3A_665 = vector.broadcast %jit3A_663 : f32 to vector<196x196xf32>
    %select_n3A_666 = arith.select %and3A_655, %broadcast_in_dim3A_664, %broadcast_in_dim3A_665 : vector<196x196xi1>, vector<196x196xf32>
    %reduce_sum3A_667 = arith.constant dense<0.000000e+00> : vector<196xf32>
    %reduce_sum3A_668 = vector.multi_reduction <add>, %select_n3A_666, %reduce_sum3A_667 [0] : vector<196x196xf32> to vector<196xf32>
    %broadcast_in_dim3A_669 = vector.shape_cast %reduce_sum3A_668 : vector<196xf32> to vector<1x196xf32>
    %gt3A_670 = arith.constant 0.000000e+00 : f32
    %gt3A_671 = vector.broadcast %gt3A_670 : f32 to vector<1x196xf32>
    %gt3A_672 = arith.cmpf ogt, %broadcast_in_dim3A_669, %gt3A_671 : vector<1x196xf32>
    %jit3A_673 = arith.constant 1.000000e+30 : f32
    %broadcast_in_dim3A_674 = vector.broadcast %jit3A_673 : f32 to vector<1x196xf32>
    %select_n3A_675 = arith.select %gt3A_672, %broadcast_in_dim3A_661, %broadcast_in_dim3A_674 : vector<1x196xi1>, vector<1x196xf32>
    %add3A_676 = arith.constant 14 : i32
    %add3A_677 = vector.broadcast %add3A_676 : i32 to vector<196x196xi32>
    %add3A_678 = arith.addi %iota3A_11, %add3A_677 : vector<196x196xi32>
    %eq3A_679 = arith.cmpi eq, %iota3A, %add3A_678 : vector<196x196xi32>
    %add3A_680 = arith.constant 0 : i32
    %add3A_681 = vector.broadcast %add3A_680 : i32 to vector<196x196xi32>
    %add3A_682 = arith.addi %select_n3A_31, %add3A_681 : vector<196x196xi32>
    %ge3A_683 = arith.constant 0 : i32
    %ge3A_684 = vector.broadcast %ge3A_683 : i32 to vector<196x196xi32>
    %ge3A_685 = arith.cmpi sge, %add3A_682, %ge3A_684 : vector<196x196xi32>
    %add3A_686 = arith.constant 0 : i32
    %add3A_687 = vector.broadcast %add3A_686 : i32 to vector<196x196xi32>
    %add3A_688 = arith.addi %select_n3A_31, %add3A_687 : vector<196x196xi32>
    %lt3A_689 = arith.constant 14 : i32
    %lt3A_690 = vector.broadcast %lt3A_689 : i32 to vector<196x196xi32>
    %lt3A_691 = arith.cmpi slt, %add3A_688, %lt3A_690 : vector<196x196xi32>
    %and3A_692 = arith.andi %ge3A_685, %lt3A_691 : vector<196x196xi1>
    %and3A_693 = arith.andi %eq3A_679, %and3A_692 : vector<196x196xi1>
    %jit3A_694 = arith.constant 0.000000e+00 : f32
    %broadcast_in_dim3A_695 = vector.broadcast %jit3A_694 : f32 to vector<196x196xf32>
    %select_n3A_696 = arith.select %and3A_693, %div3A, %broadcast_in_dim3A_695 : vector<196x196xi1>, vector<196x196xf32>
    %reduce_sum3A_697 = arith.constant dense<0.000000e+00> : vector<196xf32>
    %reduce_sum3A_698 = vector.multi_reduction <add>, %select_n3A_696, %reduce_sum3A_697 [0] : vector<196x196xf32> to vector<196xf32>
    %broadcast_in_dim3A_699 = vector.shape_cast %reduce_sum3A_698 : vector<196xf32> to vector<1x196xf32>
    %jit3A_700 = arith.constant 1.000000e+00 : f32
    %jit3A_701 = arith.constant 0.000000e+00 : f32
    %broadcast_in_dim3A_702 = vector.broadcast %jit3A_700 : f32 to vector<196x196xf32>
    %broadcast_in_dim3A_703 = vector.broadcast %jit3A_701 : f32 to vector<196x196xf32>
    %select_n3A_704 = arith.select %and3A_693, %broadcast_in_dim3A_702, %broadcast_in_dim3A_703 : vector<196x196xi1>, vector<196x196xf32>
    %reduce_sum3A_705 = arith.constant dense<0.000000e+00> : vector<196xf32>
    %reduce_sum3A_706 = vector.multi_reduction <add>, %select_n3A_704, %reduce_sum3A_705 [0] : vector<196x196xf32> to vector<196xf32>
    %broadcast_in_dim3A_707 = vector.shape_cast %reduce_sum3A_706 : vector<196xf32> to vector<1x196xf32>
    %gt3A_708 = arith.constant 0.000000e+00 : f32
    %gt3A_709 = vector.broadcast %gt3A_708 : f32 to vector<1x196xf32>
    %gt3A_710 = arith.cmpf ogt, %broadcast_in_dim3A_707, %gt3A_709 : vector<1x196xf32>
    %jit3A_711 = arith.constant 1.000000e+30 : f32
    %broadcast_in_dim3A_712 = vector.broadcast %jit3A_711 : f32 to vector<1x196xf32>
    %select_n3A_713 = arith.select %gt3A_710, %broadcast_in_dim3A_699, %broadcast_in_dim3A_712 : vector<1x196xi1>, vector<1x196xf32>
    %add3A_714 = arith.constant 15 : i32
    %add3A_715 = vector.broadcast %add3A_714 : i32 to vector<196x196xi32>
    %add3A_716 = arith.addi %iota3A_11, %add3A_715 : vector<196x196xi32>
    %eq3A_717 = arith.cmpi eq, %iota3A, %add3A_716 : vector<196x196xi32>
    %add3A_718 = arith.constant 1 : i32
    %add3A_719 = vector.broadcast %add3A_718 : i32 to vector<196x196xi32>
    %add3A_720 = arith.addi %select_n3A_31, %add3A_719 : vector<196x196xi32>
    %ge3A_721 = arith.constant 0 : i32
    %ge3A_722 = vector.broadcast %ge3A_721 : i32 to vector<196x196xi32>
    %ge3A_723 = arith.cmpi sge, %add3A_720, %ge3A_722 : vector<196x196xi32>
    %add3A_724 = arith.constant 1 : i32
    %add3A_725 = vector.broadcast %add3A_724 : i32 to vector<196x196xi32>
    %add3A_726 = arith.addi %select_n3A_31, %add3A_725 : vector<196x196xi32>
    %lt3A_727 = arith.constant 14 : i32
    %lt3A_728 = vector.broadcast %lt3A_727 : i32 to vector<196x196xi32>
    %lt3A_729 = arith.cmpi slt, %add3A_726, %lt3A_728 : vector<196x196xi32>
    %and3A_730 = arith.andi %ge3A_723, %lt3A_729 : vector<196x196xi1>
    %and3A_731 = arith.andi %eq3A_717, %and3A_730 : vector<196x196xi1>
    %jit3A_732 = arith.constant 0.000000e+00 : f32
    %broadcast_in_dim3A_733 = vector.broadcast %jit3A_732 : f32 to vector<196x196xf32>
    %select_n3A_734 = arith.select %and3A_731, %div3A, %broadcast_in_dim3A_733 : vector<196x196xi1>, vector<196x196xf32>
    %reduce_sum3A_735 = arith.constant dense<0.000000e+00> : vector<196xf32>
    %reduce_sum3A_736 = vector.multi_reduction <add>, %select_n3A_734, %reduce_sum3A_735 [0] : vector<196x196xf32> to vector<196xf32>
    %broadcast_in_dim3A_737 = vector.shape_cast %reduce_sum3A_736 : vector<196xf32> to vector<1x196xf32>
    %jit3A_738 = arith.constant 1.000000e+00 : f32
    %jit3A_739 = arith.constant 0.000000e+00 : f32
    %broadcast_in_dim3A_740 = vector.broadcast %jit3A_738 : f32 to vector<196x196xf32>
    %broadcast_in_dim3A_741 = vector.broadcast %jit3A_739 : f32 to vector<196x196xf32>
    %select_n3A_742 = arith.select %and3A_731, %broadcast_in_dim3A_740, %broadcast_in_dim3A_741 : vector<196x196xi1>, vector<196x196xf32>
    %reduce_sum3A_743 = arith.constant dense<0.000000e+00> : vector<196xf32>
    %reduce_sum3A_744 = vector.multi_reduction <add>, %select_n3A_742, %reduce_sum3A_743 [0] : vector<196x196xf32> to vector<196xf32>
    %broadcast_in_dim3A_745 = vector.shape_cast %reduce_sum3A_744 : vector<196xf32> to vector<1x196xf32>
    %gt3A_746 = arith.constant 0.000000e+00 : f32
    %gt3A_747 = vector.broadcast %gt3A_746 : f32 to vector<1x196xf32>
    %gt3A_748 = arith.cmpf ogt, %broadcast_in_dim3A_745, %gt3A_747 : vector<1x196xf32>
    %jit3A_749 = arith.constant 1.000000e+30 : f32
    %broadcast_in_dim3A_750 = vector.broadcast %jit3A_749 : f32 to vector<1x196xf32>
    %select_n3A_751 = arith.select %gt3A_748, %broadcast_in_dim3A_737, %broadcast_in_dim3A_750 : vector<1x196xi1>, vector<1x196xf32>
    %add3A_752 = arith.constant 16 : i32
    %add3A_753 = vector.broadcast %add3A_752 : i32 to vector<196x196xi32>
    %add3A_754 = arith.addi %iota3A_11, %add3A_753 : vector<196x196xi32>
    %eq3A_755 = arith.cmpi eq, %iota3A, %add3A_754 : vector<196x196xi32>
    %add3A_756 = arith.constant 2 : i32
    %add3A_757 = vector.broadcast %add3A_756 : i32 to vector<196x196xi32>
    %add3A_758 = arith.addi %select_n3A_31, %add3A_757 : vector<196x196xi32>
    %ge3A_759 = arith.constant 0 : i32
    %ge3A_760 = vector.broadcast %ge3A_759 : i32 to vector<196x196xi32>
    %ge3A_761 = arith.cmpi sge, %add3A_758, %ge3A_760 : vector<196x196xi32>
    %add3A_762 = arith.constant 2 : i32
    %add3A_763 = vector.broadcast %add3A_762 : i32 to vector<196x196xi32>
    %add3A_764 = arith.addi %select_n3A_31, %add3A_763 : vector<196x196xi32>
    %lt3A_765 = arith.constant 14 : i32
    %lt3A_766 = vector.broadcast %lt3A_765 : i32 to vector<196x196xi32>
    %lt3A_767 = arith.cmpi slt, %add3A_764, %lt3A_766 : vector<196x196xi32>
    %and3A_768 = arith.andi %ge3A_761, %lt3A_767 : vector<196x196xi1>
    %and3A_769 = arith.andi %eq3A_755, %and3A_768 : vector<196x196xi1>
    %jit3A_770 = arith.constant 0.000000e+00 : f32
    %broadcast_in_dim3A_771 = vector.broadcast %jit3A_770 : f32 to vector<196x196xf32>
    %select_n3A_772 = arith.select %and3A_769, %div3A, %broadcast_in_dim3A_771 : vector<196x196xi1>, vector<196x196xf32>
    %reduce_sum3A_773 = arith.constant dense<0.000000e+00> : vector<196xf32>
    %reduce_sum3A_774 = vector.multi_reduction <add>, %select_n3A_772, %reduce_sum3A_773 [0] : vector<196x196xf32> to vector<196xf32>
    %broadcast_in_dim3A_775 = vector.shape_cast %reduce_sum3A_774 : vector<196xf32> to vector<1x196xf32>
    %jit3A_776 = arith.constant 1.000000e+00 : f32
    %jit3A_777 = arith.constant 0.000000e+00 : f32
    %broadcast_in_dim3A_778 = vector.broadcast %jit3A_776 : f32 to vector<196x196xf32>
    %broadcast_in_dim3A_779 = vector.broadcast %jit3A_777 : f32 to vector<196x196xf32>
    %select_n3A_780 = arith.select %and3A_769, %broadcast_in_dim3A_778, %broadcast_in_dim3A_779 : vector<196x196xi1>, vector<196x196xf32>
    %reduce_sum3A_781 = arith.constant dense<0.000000e+00> : vector<196xf32>
    %reduce_sum3A_782 = vector.multi_reduction <add>, %select_n3A_780, %reduce_sum3A_781 [0] : vector<196x196xf32> to vector<196xf32>
    %broadcast_in_dim3A_783 = vector.shape_cast %reduce_sum3A_782 : vector<196xf32> to vector<1x196xf32>
    %gt3A_784 = arith.constant 0.000000e+00 : f32
    %gt3A_785 = vector.broadcast %gt3A_784 : f32 to vector<1x196xf32>
    %gt3A_786 = arith.cmpf ogt, %broadcast_in_dim3A_783, %gt3A_785 : vector<1x196xf32>
    %jit3A_787 = arith.constant 1.000000e+30 : f32
    %broadcast_in_dim3A_788 = vector.broadcast %jit3A_787 : f32 to vector<1x196xf32>
    %select_n3A_789 = arith.select %gt3A_786, %broadcast_in_dim3A_775, %broadcast_in_dim3A_788 : vector<1x196xi1>, vector<1x196xf32>
    %add3A_790 = arith.constant 26 : i32
    %add3A_791 = vector.broadcast %add3A_790 : i32 to vector<196x196xi32>
    %add3A_792 = arith.addi %iota3A_11, %add3A_791 : vector<196x196xi32>
    %eq3A_793 = arith.cmpi eq, %iota3A, %add3A_792 : vector<196x196xi32>
    %add3A_794 = arith.constant -2 : i32
    %add3A_795 = vector.broadcast %add3A_794 : i32 to vector<196x196xi32>
    %add3A_796 = arith.addi %select_n3A_31, %add3A_795 : vector<196x196xi32>
    %ge3A_797 = arith.constant 0 : i32
    %ge3A_798 = vector.broadcast %ge3A_797 : i32 to vector<196x196xi32>
    %ge3A_799 = arith.cmpi sge, %add3A_796, %ge3A_798 : vector<196x196xi32>
    %add3A_800 = arith.constant -2 : i32
    %add3A_801 = vector.broadcast %add3A_800 : i32 to vector<196x196xi32>
    %add3A_802 = arith.addi %select_n3A_31, %add3A_801 : vector<196x196xi32>
    %lt3A_803 = arith.constant 14 : i32
    %lt3A_804 = vector.broadcast %lt3A_803 : i32 to vector<196x196xi32>
    %lt3A_805 = arith.cmpi slt, %add3A_802, %lt3A_804 : vector<196x196xi32>
    %and3A_806 = arith.andi %ge3A_799, %lt3A_805 : vector<196x196xi1>
    %and3A_807 = arith.andi %eq3A_793, %and3A_806 : vector<196x196xi1>
    %jit3A_808 = arith.constant 0.000000e+00 : f32
    %broadcast_in_dim3A_809 = vector.broadcast %jit3A_808 : f32 to vector<196x196xf32>
    %select_n3A_810 = arith.select %and3A_807, %div3A, %broadcast_in_dim3A_809 : vector<196x196xi1>, vector<196x196xf32>
    %reduce_sum3A_811 = arith.constant dense<0.000000e+00> : vector<196xf32>
    %reduce_sum3A_812 = vector.multi_reduction <add>, %select_n3A_810, %reduce_sum3A_811 [0] : vector<196x196xf32> to vector<196xf32>
    %broadcast_in_dim3A_813 = vector.shape_cast %reduce_sum3A_812 : vector<196xf32> to vector<1x196xf32>
    %jit3A_814 = arith.constant 1.000000e+00 : f32
    %jit3A_815 = arith.constant 0.000000e+00 : f32
    %broadcast_in_dim3A_816 = vector.broadcast %jit3A_814 : f32 to vector<196x196xf32>
    %broadcast_in_dim3A_817 = vector.broadcast %jit3A_815 : f32 to vector<196x196xf32>
    %select_n3A_818 = arith.select %and3A_807, %broadcast_in_dim3A_816, %broadcast_in_dim3A_817 : vector<196x196xi1>, vector<196x196xf32>
    %reduce_sum3A_819 = arith.constant dense<0.000000e+00> : vector<196xf32>
    %reduce_sum3A_820 = vector.multi_reduction <add>, %select_n3A_818, %reduce_sum3A_819 [0] : vector<196x196xf32> to vector<196xf32>
    %broadcast_in_dim3A_821 = vector.shape_cast %reduce_sum3A_820 : vector<196xf32> to vector<1x196xf32>
    %gt3A_822 = arith.constant 0.000000e+00 : f32
    %gt3A_823 = vector.broadcast %gt3A_822 : f32 to vector<1x196xf32>
    %gt3A_824 = arith.cmpf ogt, %broadcast_in_dim3A_821, %gt3A_823 : vector<1x196xf32>
    %jit3A_825 = arith.constant 1.000000e+30 : f32
    %broadcast_in_dim3A_826 = vector.broadcast %jit3A_825 : f32 to vector<1x196xf32>
    %select_n3A_827 = arith.select %gt3A_824, %broadcast_in_dim3A_813, %broadcast_in_dim3A_826 : vector<1x196xi1>, vector<1x196xf32>
    %add3A_828 = arith.constant 27 : i32
    %add3A_829 = vector.broadcast %add3A_828 : i32 to vector<196x196xi32>
    %add3A_830 = arith.addi %iota3A_11, %add3A_829 : vector<196x196xi32>
    %eq3A_831 = arith.cmpi eq, %iota3A, %add3A_830 : vector<196x196xi32>
    %add3A_832 = arith.constant -1 : i32
    %add3A_833 = vector.broadcast %add3A_832 : i32 to vector<196x196xi32>
    %add3A_834 = arith.addi %select_n3A_31, %add3A_833 : vector<196x196xi32>
    %ge3A_835 = arith.constant 0 : i32
    %ge3A_836 = vector.broadcast %ge3A_835 : i32 to vector<196x196xi32>
    %ge3A_837 = arith.cmpi sge, %add3A_834, %ge3A_836 : vector<196x196xi32>
    %add3A_838 = arith.constant -1 : i32
    %add3A_839 = vector.broadcast %add3A_838 : i32 to vector<196x196xi32>
    %add3A_840 = arith.addi %select_n3A_31, %add3A_839 : vector<196x196xi32>
    %lt3A_841 = arith.constant 14 : i32
    %lt3A_842 = vector.broadcast %lt3A_841 : i32 to vector<196x196xi32>
    %lt3A_843 = arith.cmpi slt, %add3A_840, %lt3A_842 : vector<196x196xi32>
    %and3A_844 = arith.andi %ge3A_837, %lt3A_843 : vector<196x196xi1>
    %and3A_845 = arith.andi %eq3A_831, %and3A_844 : vector<196x196xi1>
    %jit3A_846 = arith.constant 0.000000e+00 : f32
    %broadcast_in_dim3A_847 = vector.broadcast %jit3A_846 : f32 to vector<196x196xf32>
    %select_n3A_848 = arith.select %and3A_845, %div3A, %broadcast_in_dim3A_847 : vector<196x196xi1>, vector<196x196xf32>
    %reduce_sum3A_849 = arith.constant dense<0.000000e+00> : vector<196xf32>
    %reduce_sum3A_850 = vector.multi_reduction <add>, %select_n3A_848, %reduce_sum3A_849 [0] : vector<196x196xf32> to vector<196xf32>
    %broadcast_in_dim3A_851 = vector.shape_cast %reduce_sum3A_850 : vector<196xf32> to vector<1x196xf32>
    %jit3A_852 = arith.constant 1.000000e+00 : f32
    %jit3A_853 = arith.constant 0.000000e+00 : f32
    %broadcast_in_dim3A_854 = vector.broadcast %jit3A_852 : f32 to vector<196x196xf32>
    %broadcast_in_dim3A_855 = vector.broadcast %jit3A_853 : f32 to vector<196x196xf32>
    %select_n3A_856 = arith.select %and3A_845, %broadcast_in_dim3A_854, %broadcast_in_dim3A_855 : vector<196x196xi1>, vector<196x196xf32>
    %reduce_sum3A_857 = arith.constant dense<0.000000e+00> : vector<196xf32>
    %reduce_sum3A_858 = vector.multi_reduction <add>, %select_n3A_856, %reduce_sum3A_857 [0] : vector<196x196xf32> to vector<196xf32>
    %broadcast_in_dim3A_859 = vector.shape_cast %reduce_sum3A_858 : vector<196xf32> to vector<1x196xf32>
    %gt3A_860 = arith.constant 0.000000e+00 : f32
    %gt3A_861 = vector.broadcast %gt3A_860 : f32 to vector<1x196xf32>
    %gt3A_862 = arith.cmpf ogt, %broadcast_in_dim3A_859, %gt3A_861 : vector<1x196xf32>
    %jit3A_863 = arith.constant 1.000000e+30 : f32
    %broadcast_in_dim3A_864 = vector.broadcast %jit3A_863 : f32 to vector<1x196xf32>
    %select_n3A_865 = arith.select %gt3A_862, %broadcast_in_dim3A_851, %broadcast_in_dim3A_864 : vector<1x196xi1>, vector<1x196xf32>
    %add3A_866 = arith.constant 28 : i32
    %add3A_867 = vector.broadcast %add3A_866 : i32 to vector<196x196xi32>
    %add3A_868 = arith.addi %iota3A_11, %add3A_867 : vector<196x196xi32>
    %eq3A_869 = arith.cmpi eq, %iota3A, %add3A_868 : vector<196x196xi32>
    %add3A_870 = arith.constant 0 : i32
    %add3A_871 = vector.broadcast %add3A_870 : i32 to vector<196x196xi32>
    %add3A_872 = arith.addi %select_n3A_31, %add3A_871 : vector<196x196xi32>
    %ge3A_873 = arith.constant 0 : i32
    %ge3A_874 = vector.broadcast %ge3A_873 : i32 to vector<196x196xi32>
    %ge3A_875 = arith.cmpi sge, %add3A_872, %ge3A_874 : vector<196x196xi32>
    %add3A_876 = arith.constant 0 : i32
    %add3A_877 = vector.broadcast %add3A_876 : i32 to vector<196x196xi32>
    %add3A_878 = arith.addi %select_n3A_31, %add3A_877 : vector<196x196xi32>
    %lt3A_879 = arith.constant 14 : i32
    %lt3A_880 = vector.broadcast %lt3A_879 : i32 to vector<196x196xi32>
    %lt3A_881 = arith.cmpi slt, %add3A_878, %lt3A_880 : vector<196x196xi32>
    %and3A_882 = arith.andi %ge3A_875, %lt3A_881 : vector<196x196xi1>
    %and3A_883 = arith.andi %eq3A_869, %and3A_882 : vector<196x196xi1>
    %jit3A_884 = arith.constant 0.000000e+00 : f32
    %broadcast_in_dim3A_885 = vector.broadcast %jit3A_884 : f32 to vector<196x196xf32>
    %select_n3A_886 = arith.select %and3A_883, %div3A, %broadcast_in_dim3A_885 : vector<196x196xi1>, vector<196x196xf32>
    %reduce_sum3A_887 = arith.constant dense<0.000000e+00> : vector<196xf32>
    %reduce_sum3A_888 = vector.multi_reduction <add>, %select_n3A_886, %reduce_sum3A_887 [0] : vector<196x196xf32> to vector<196xf32>
    %broadcast_in_dim3A_889 = vector.shape_cast %reduce_sum3A_888 : vector<196xf32> to vector<1x196xf32>
    %jit3A_890 = arith.constant 1.000000e+00 : f32
    %jit3A_891 = arith.constant 0.000000e+00 : f32
    %broadcast_in_dim3A_892 = vector.broadcast %jit3A_890 : f32 to vector<196x196xf32>
    %broadcast_in_dim3A_893 = vector.broadcast %jit3A_891 : f32 to vector<196x196xf32>
    %select_n3A_894 = arith.select %and3A_883, %broadcast_in_dim3A_892, %broadcast_in_dim3A_893 : vector<196x196xi1>, vector<196x196xf32>
    %reduce_sum3A_895 = arith.constant dense<0.000000e+00> : vector<196xf32>
    %reduce_sum3A_896 = vector.multi_reduction <add>, %select_n3A_894, %reduce_sum3A_895 [0] : vector<196x196xf32> to vector<196xf32>
    %broadcast_in_dim3A_897 = vector.shape_cast %reduce_sum3A_896 : vector<196xf32> to vector<1x196xf32>
    %gt3A_898 = arith.constant 0.000000e+00 : f32
    %gt3A_899 = vector.broadcast %gt3A_898 : f32 to vector<1x196xf32>
    %gt3A_900 = arith.cmpf ogt, %broadcast_in_dim3A_897, %gt3A_899 : vector<1x196xf32>
    %jit3A_901 = arith.constant 1.000000e+30 : f32
    %broadcast_in_dim3A_902 = vector.broadcast %jit3A_901 : f32 to vector<1x196xf32>
    %select_n3A_903 = arith.select %gt3A_900, %broadcast_in_dim3A_889, %broadcast_in_dim3A_902 : vector<1x196xi1>, vector<1x196xf32>
    %add3A_904 = arith.constant 29 : i32
    %add3A_905 = vector.broadcast %add3A_904 : i32 to vector<196x196xi32>
    %add3A_906 = arith.addi %iota3A_11, %add3A_905 : vector<196x196xi32>
    %eq3A_907 = arith.cmpi eq, %iota3A, %add3A_906 : vector<196x196xi32>
    %add3A_908 = arith.constant 1 : i32
    %add3A_909 = vector.broadcast %add3A_908 : i32 to vector<196x196xi32>
    %add3A_910 = arith.addi %select_n3A_31, %add3A_909 : vector<196x196xi32>
    %ge3A_911 = arith.constant 0 : i32
    %ge3A_912 = vector.broadcast %ge3A_911 : i32 to vector<196x196xi32>
    %ge3A_913 = arith.cmpi sge, %add3A_910, %ge3A_912 : vector<196x196xi32>
    %add3A_914 = arith.constant 1 : i32
    %add3A_915 = vector.broadcast %add3A_914 : i32 to vector<196x196xi32>
    %add3A_916 = arith.addi %select_n3A_31, %add3A_915 : vector<196x196xi32>
    %lt3A_917 = arith.constant 14 : i32
    %lt3A_918 = vector.broadcast %lt3A_917 : i32 to vector<196x196xi32>
    %lt3A_919 = arith.cmpi slt, %add3A_916, %lt3A_918 : vector<196x196xi32>
    %and3A_920 = arith.andi %ge3A_913, %lt3A_919 : vector<196x196xi1>
    %and3A_921 = arith.andi %eq3A_907, %and3A_920 : vector<196x196xi1>
    %jit3A_922 = arith.constant 0.000000e+00 : f32
    %broadcast_in_dim3A_923 = vector.broadcast %jit3A_922 : f32 to vector<196x196xf32>
    %select_n3A_924 = arith.select %and3A_921, %div3A, %broadcast_in_dim3A_923 : vector<196x196xi1>, vector<196x196xf32>
    %reduce_sum3A_925 = arith.constant dense<0.000000e+00> : vector<196xf32>
    %reduce_sum3A_926 = vector.multi_reduction <add>, %select_n3A_924, %reduce_sum3A_925 [0] : vector<196x196xf32> to vector<196xf32>
    %broadcast_in_dim3A_927 = vector.shape_cast %reduce_sum3A_926 : vector<196xf32> to vector<1x196xf32>
    %jit3A_928 = arith.constant 1.000000e+00 : f32
    %jit3A_929 = arith.constant 0.000000e+00 : f32
    %broadcast_in_dim3A_930 = vector.broadcast %jit3A_928 : f32 to vector<196x196xf32>
    %broadcast_in_dim3A_931 = vector.broadcast %jit3A_929 : f32 to vector<196x196xf32>
    %select_n3A_932 = arith.select %and3A_921, %broadcast_in_dim3A_930, %broadcast_in_dim3A_931 : vector<196x196xi1>, vector<196x196xf32>
    %reduce_sum3A_933 = arith.constant dense<0.000000e+00> : vector<196xf32>
    %reduce_sum3A_934 = vector.multi_reduction <add>, %select_n3A_932, %reduce_sum3A_933 [0] : vector<196x196xf32> to vector<196xf32>
    %broadcast_in_dim3A_935 = vector.shape_cast %reduce_sum3A_934 : vector<196xf32> to vector<1x196xf32>
    %gt3A_936 = arith.constant 0.000000e+00 : f32
    %gt3A_937 = vector.broadcast %gt3A_936 : f32 to vector<1x196xf32>
    %gt3A_938 = arith.cmpf ogt, %broadcast_in_dim3A_935, %gt3A_937 : vector<1x196xf32>
    %jit3A_939 = arith.constant 1.000000e+30 : f32
    %broadcast_in_dim3A_940 = vector.broadcast %jit3A_939 : f32 to vector<1x196xf32>
    %select_n3A_941 = arith.select %gt3A_938, %broadcast_in_dim3A_927, %broadcast_in_dim3A_940 : vector<1x196xi1>, vector<1x196xf32>
    %add3A_942 = arith.constant 30 : i32
    %add3A_943 = vector.broadcast %add3A_942 : i32 to vector<196x196xi32>
    %add3A_944 = arith.addi %iota3A_11, %add3A_943 : vector<196x196xi32>
    %eq3A_945 = arith.cmpi eq, %iota3A, %add3A_944 : vector<196x196xi32>
    %add3A_946 = arith.constant 2 : i32
    %add3A_947 = vector.broadcast %add3A_946 : i32 to vector<196x196xi32>
    %add3A_948 = arith.addi %select_n3A_31, %add3A_947 : vector<196x196xi32>
    %ge3A_949 = arith.constant 0 : i32
    %ge3A_950 = vector.broadcast %ge3A_949 : i32 to vector<196x196xi32>
    %ge3A_951 = arith.cmpi sge, %add3A_948, %ge3A_950 : vector<196x196xi32>
    %add3A_952 = arith.constant 2 : i32
    %add3A_953 = vector.broadcast %add3A_952 : i32 to vector<196x196xi32>
    %add3A_954 = arith.addi %select_n3A_31, %add3A_953 : vector<196x196xi32>
    %lt3A_955 = arith.constant 14 : i32
    %lt3A_956 = vector.broadcast %lt3A_955 : i32 to vector<196x196xi32>
    %lt3A_957 = arith.cmpi slt, %add3A_954, %lt3A_956 : vector<196x196xi32>
    %and3A_958 = arith.andi %ge3A_951, %lt3A_957 : vector<196x196xi1>
    %and3A_959 = arith.andi %eq3A_945, %and3A_958 : vector<196x196xi1>
    %jit3A_960 = arith.constant 0.000000e+00 : f32
    %broadcast_in_dim3A_961 = vector.broadcast %jit3A_960 : f32 to vector<196x196xf32>
    %select_n3A_962 = arith.select %and3A_959, %div3A, %broadcast_in_dim3A_961 : vector<196x196xi1>, vector<196x196xf32>
    %reduce_sum3A_963 = arith.constant dense<0.000000e+00> : vector<196xf32>
    %reduce_sum3A_964 = vector.multi_reduction <add>, %select_n3A_962, %reduce_sum3A_963 [0] : vector<196x196xf32> to vector<196xf32>
    %broadcast_in_dim3A_965 = vector.shape_cast %reduce_sum3A_964 : vector<196xf32> to vector<1x196xf32>
    %jit3A_966 = arith.constant 1.000000e+00 : f32
    %jit3A_967 = arith.constant 0.000000e+00 : f32
    %broadcast_in_dim3A_968 = vector.broadcast %jit3A_966 : f32 to vector<196x196xf32>
    %broadcast_in_dim3A_969 = vector.broadcast %jit3A_967 : f32 to vector<196x196xf32>
    %select_n3A_970 = arith.select %and3A_959, %broadcast_in_dim3A_968, %broadcast_in_dim3A_969 : vector<196x196xi1>, vector<196x196xf32>
    %reduce_sum3A_971 = arith.constant dense<0.000000e+00> : vector<196xf32>
    %reduce_sum3A_972 = vector.multi_reduction <add>, %select_n3A_970, %reduce_sum3A_971 [0] : vector<196x196xf32> to vector<196xf32>
    %broadcast_in_dim3A_973 = vector.shape_cast %reduce_sum3A_972 : vector<196xf32> to vector<1x196xf32>
    %gt3A_974 = arith.constant 0.000000e+00 : f32
    %gt3A_975 = vector.broadcast %gt3A_974 : f32 to vector<1x196xf32>
    %gt3A_976 = arith.cmpf ogt, %broadcast_in_dim3A_973, %gt3A_975 : vector<1x196xf32>
    %jit3A_977 = arith.constant 1.000000e+30 : f32
    %broadcast_in_dim3A_978 = vector.broadcast %jit3A_977 : f32 to vector<1x196xf32>
    %select_n3A_979 = arith.select %gt3A_976, %broadcast_in_dim3A_965, %broadcast_in_dim3A_978 : vector<1x196xi1>, vector<1x196xf32>
    %concatenate3A_980 = tpu.concatenate %select_n3A_67, %select_n3A_105, %select_n3A_143, %select_n3A_181, %select_n3A_219, %select_n3A_257, %select_n3A_295, %select_n3A_333, %select_n3A_371, %select_n3A_409, %select_n3A_447, %select_n3A_485, %select_n3A_523, %select_n3A_561, %select_n3A_599, %select_n3A_637, %select_n3A_675, %select_n3A_713, %select_n3A_751, %select_n3A_789, %select_n3A_827, %select_n3A_865, %select_n3A_903, %select_n3A_941, %select_n3A_979 in 0 : vector<1x196xf32>, vector<1x196xf32>, vector<1x196xf32>, vector<1x196xf32>, vector<1x196xf32>, vector<1x196xf32>, vector<1x196xf32>, vector<1x196xf32>, vector<1x196xf32>, vector<1x196xf32>, vector<1x196xf32>, vector<1x196xf32>, vector<1x196xf32>, vector<1x196xf32>, vector<1x196xf32>, vector<1x196xf32>, vector<1x196xf32>, vector<1x196xf32>, vector<1x196xf32>, vector<1x196xf32>, vector<1x196xf32>, vector<1x196xf32>, vector<1x196xf32>, vector<1x196xf32>, vector<1x196xf32> -> vector<25x196xf32>
    %iota3A_981 = tpu.iota {dimensions = array<i32: 0>} : vector<25x196xi32>
    %lt3A_982 = arith.constant 0 : i32
    %lt3A_983 = vector.broadcast %lt3A_982 : i32 to vector<25x196xi32>
    %lt3A_984 = arith.cmpi slt, %iota3A_981, %lt3A_983 : vector<25x196xi32>
    %reduce_min3A = arith.constant dense<0x7F800000> : vector<196xf32>
    %reduce_min3A_985 = vector.multi_reduction <minimumf>, %concatenate3A_980, %reduce_min3A [0] : vector<25x196xf32> to vector<196xf32>
    %broadcast_in_dim3A_986 = vector.shape_cast %reduce_min3A_985 : vector<196xf32> to vector<1x196xf32>
    %eq3A_987 = vector.broadcast %broadcast_in_dim3A_986 : vector<1x196xf32> to vector<25x196xf32>
    %eq3A_988 = arith.cmpf oeq, %concatenate3A_980, %eq3A_987 : vector<25x196xf32>
    %jit3A_989 = arith.constant 25 : i32
    %broadcast_in_dim3A_990 = vector.broadcast %jit3A_989 : i32 to vector<25x196xi32>
    %select_n3A_991 = arith.select %eq3A_988, %iota3A_981, %broadcast_in_dim3A_990 : vector<25x196xi1>, vector<25x196xi32>
    %reduce_min3A_992 = arith.constant dense<2147483647> : vector<196xi32>
    %reduce_min3A_993 = vector.multi_reduction <minsi>, %select_n3A_991, %reduce_min3A_992 [0] : vector<25x196xi32> to vector<196xi32>
    %broadcast_in_dim3A_994 = vector.shape_cast %reduce_min3A_993 : vector<196xi32> to vector<1x196xi32>
    %eq3A_995 = vector.broadcast %broadcast_in_dim3A_994 : vector<1x196xi32> to vector<25x196xi32>
    %eq3A_996 = arith.cmpi eq, %iota3A_981, %eq3A_995 : vector<25x196xi32>
    %or3A = arith.ori %lt3A_984, %eq3A_996 : vector<25x196xi1>
    %jit3A_997 = arith.constant 1.000000e+30 : f32
    %broadcast_in_dim3A_998 = vector.broadcast %jit3A_997 : f32 to vector<25x196xf32>
    %select_n3A_999 = arith.select %eq3A_996, %broadcast_in_dim3A_998, %concatenate3A_980 : vector<25x196xi1>, vector<25x196xf32>
    %reduce_min3A_1000 = arith.constant dense<0x7F800000> : vector<196xf32>
    %reduce_min3A_1001 = vector.multi_reduction <minimumf>, %select_n3A_999, %reduce_min3A_1000 [0] : vector<25x196xf32> to vector<196xf32>
    %broadcast_in_dim3A_1002 = vector.shape_cast %reduce_min3A_1001 : vector<196xf32> to vector<1x196xf32>
    %eq3A_1003 = vector.broadcast %broadcast_in_dim3A_1002 : vector<1x196xf32> to vector<25x196xf32>
    %eq3A_1004 = arith.cmpf oeq, %select_n3A_999, %eq3A_1003 : vector<25x196xf32>
    %jit3A_1005 = arith.constant 25 : i32
    %broadcast_in_dim3A_1006 = vector.broadcast %jit3A_1005 : i32 to vector<25x196xi32>
    %select_n3A_1007 = arith.select %eq3A_1004, %iota3A_981, %broadcast_in_dim3A_1006 : vector<25x196xi1>, vector<25x196xi32>
    %reduce_min3A_1008 = arith.constant dense<2147483647> : vector<196xi32>
    %reduce_min3A_1009 = vector.multi_reduction <minsi>, %select_n3A_1007, %reduce_min3A_1008 [0] : vector<25x196xi32> to vector<196xi32>
    %broadcast_in_dim3A_1010 = vector.shape_cast %reduce_min3A_1009 : vector<196xi32> to vector<1x196xi32>
    %eq3A_1011 = vector.broadcast %broadcast_in_dim3A_1010 : vector<1x196xi32> to vector<25x196xi32>
    %eq3A_1012 = arith.cmpi eq, %iota3A_981, %eq3A_1011 : vector<25x196xi32>
    %or3A_1013 = arith.ori %or3A, %eq3A_1012 : vector<25x196xi1>
    %jit3A_1014 = arith.constant 1.000000e+30 : f32
    %broadcast_in_dim3A_1015 = vector.broadcast %jit3A_1014 : f32 to vector<25x196xf32>
    %select_n3A_1016 = arith.select %eq3A_1012, %broadcast_in_dim3A_1015, %select_n3A_999 : vector<25x196xi1>, vector<25x196xf32>
    %reduce_min3A_1017 = arith.constant dense<0x7F800000> : vector<196xf32>
    %reduce_min3A_1018 = vector.multi_reduction <minimumf>, %select_n3A_1016, %reduce_min3A_1017 [0] : vector<25x196xf32> to vector<196xf32>
    %broadcast_in_dim3A_1019 = vector.shape_cast %reduce_min3A_1018 : vector<196xf32> to vector<1x196xf32>
    %eq3A_1020 = vector.broadcast %broadcast_in_dim3A_1019 : vector<1x196xf32> to vector<25x196xf32>
    %eq3A_1021 = arith.cmpf oeq, %select_n3A_1016, %eq3A_1020 : vector<25x196xf32>
    %jit3A_1022 = arith.constant 25 : i32
    %broadcast_in_dim3A_1023 = vector.broadcast %jit3A_1022 : i32 to vector<25x196xi32>
    %select_n3A_1024 = arith.select %eq3A_1021, %iota3A_981, %broadcast_in_dim3A_1023 : vector<25x196xi1>, vector<25x196xi32>
    %reduce_min3A_1025 = arith.constant dense<2147483647> : vector<196xi32>
    %reduce_min3A_1026 = vector.multi_reduction <minsi>, %select_n3A_1024, %reduce_min3A_1025 [0] : vector<25x196xi32> to vector<196xi32>
    %broadcast_in_dim3A_1027 = vector.shape_cast %reduce_min3A_1026 : vector<196xi32> to vector<1x196xi32>
    %eq3A_1028 = vector.broadcast %broadcast_in_dim3A_1027 : vector<1x196xi32> to vector<25x196xi32>
    %eq3A_1029 = arith.cmpi eq, %iota3A_981, %eq3A_1028 : vector<25x196xi32>
    %or3A_1030 = arith.ori %or3A_1013, %eq3A_1029 : vector<25x196xi1>
    %jit3A_1031 = arith.constant 1.000000e+30 : f32
    %broadcast_in_dim3A_1032 = vector.broadcast %jit3A_1031 : f32 to vector<25x196xf32>
    %select_n3A_1033 = arith.select %eq3A_1029, %broadcast_in_dim3A_1032, %select_n3A_1016 : vector<25x196xi1>, vector<25x196xf32>
    %reduce_min3A_1034 = arith.constant dense<0x7F800000> : vector<196xf32>
    %reduce_min3A_1035 = vector.multi_reduction <minimumf>, %select_n3A_1033, %reduce_min3A_1034 [0] : vector<25x196xf32> to vector<196xf32>
    %broadcast_in_dim3A_1036 = vector.shape_cast %reduce_min3A_1035 : vector<196xf32> to vector<1x196xf32>
    %eq3A_1037 = vector.broadcast %broadcast_in_dim3A_1036 : vector<1x196xf32> to vector<25x196xf32>
    %eq3A_1038 = arith.cmpf oeq, %select_n3A_1033, %eq3A_1037 : vector<25x196xf32>
    %jit3A_1039 = arith.constant 25 : i32
    %broadcast_in_dim3A_1040 = vector.broadcast %jit3A_1039 : i32 to vector<25x196xi32>
    %select_n3A_1041 = arith.select %eq3A_1038, %iota3A_981, %broadcast_in_dim3A_1040 : vector<25x196xi1>, vector<25x196xi32>
    %reduce_min3A_1042 = arith.constant dense<2147483647> : vector<196xi32>
    %reduce_min3A_1043 = vector.multi_reduction <minsi>, %select_n3A_1041, %reduce_min3A_1042 [0] : vector<25x196xi32> to vector<196xi32>
    %broadcast_in_dim3A_1044 = vector.shape_cast %reduce_min3A_1043 : vector<196xi32> to vector<1x196xi32>
    %eq3A_1045 = vector.broadcast %broadcast_in_dim3A_1044 : vector<1x196xi32> to vector<25x196xi32>
    %eq3A_1046 = arith.cmpi eq, %iota3A_981, %eq3A_1045 : vector<25x196xi32>
    %or3A_1047 = arith.ori %or3A_1030, %eq3A_1046 : vector<25x196xi1>
    %jit3A_1048 = arith.constant 1.000000e+30 : f32
    %broadcast_in_dim3A_1049 = vector.broadcast %jit3A_1048 : f32 to vector<25x196xf32>
    %select_n3A_1050 = arith.select %eq3A_1046, %broadcast_in_dim3A_1049, %select_n3A_1033 : vector<25x196xi1>, vector<25x196xf32>
    %reduce_min3A_1051 = arith.constant dense<0x7F800000> : vector<196xf32>
    %reduce_min3A_1052 = vector.multi_reduction <minimumf>, %select_n3A_1050, %reduce_min3A_1051 [0] : vector<25x196xf32> to vector<196xf32>
    %broadcast_in_dim3A_1053 = vector.shape_cast %reduce_min3A_1052 : vector<196xf32> to vector<1x196xf32>
    %eq3A_1054 = vector.broadcast %broadcast_in_dim3A_1053 : vector<1x196xf32> to vector<25x196xf32>
    %eq3A_1055 = arith.cmpf oeq, %select_n3A_1050, %eq3A_1054 : vector<25x196xf32>
    %jit3A_1056 = arith.constant 25 : i32
    %broadcast_in_dim3A_1057 = vector.broadcast %jit3A_1056 : i32 to vector<25x196xi32>
    %select_n3A_1058 = arith.select %eq3A_1055, %iota3A_981, %broadcast_in_dim3A_1057 : vector<25x196xi1>, vector<25x196xi32>
    %reduce_min3A_1059 = arith.constant dense<2147483647> : vector<196xi32>
    %reduce_min3A_1060 = vector.multi_reduction <minsi>, %select_n3A_1058, %reduce_min3A_1059 [0] : vector<25x196xi32> to vector<196xi32>
    %broadcast_in_dim3A_1061 = vector.shape_cast %reduce_min3A_1060 : vector<196xi32> to vector<1x196xi32>
    %eq3A_1062 = vector.broadcast %broadcast_in_dim3A_1061 : vector<1x196xi32> to vector<25x196xi32>
    %eq3A_1063 = arith.cmpi eq, %iota3A_981, %eq3A_1062 : vector<25x196xi32>
    %or3A_1064 = arith.ori %or3A_1047, %eq3A_1063 : vector<25x196xi1>
    %jit3A_1065 = arith.constant 1.000000e+30 : f32
    %broadcast_in_dim3A_1066 = vector.broadcast %jit3A_1065 : f32 to vector<25x196xf32>
    %select_n3A_1067 = arith.select %eq3A_1063, %broadcast_in_dim3A_1066, %select_n3A_1050 : vector<25x196xi1>, vector<25x196xf32>
    %reduce_min3A_1068 = arith.constant dense<0x7F800000> : vector<196xf32>
    %reduce_min3A_1069 = vector.multi_reduction <minimumf>, %select_n3A_1067, %reduce_min3A_1068 [0] : vector<25x196xf32> to vector<196xf32>
    %broadcast_in_dim3A_1070 = vector.shape_cast %reduce_min3A_1069 : vector<196xf32> to vector<1x196xf32>
    %eq3A_1071 = vector.broadcast %broadcast_in_dim3A_1070 : vector<1x196xf32> to vector<25x196xf32>
    %eq3A_1072 = arith.cmpf oeq, %select_n3A_1067, %eq3A_1071 : vector<25x196xf32>
    %jit3A_1073 = arith.constant 25 : i32
    %broadcast_in_dim3A_1074 = vector.broadcast %jit3A_1073 : i32 to vector<25x196xi32>
    %select_n3A_1075 = arith.select %eq3A_1072, %iota3A_981, %broadcast_in_dim3A_1074 : vector<25x196xi1>, vector<25x196xi32>
    %reduce_min3A_1076 = arith.constant dense<2147483647> : vector<196xi32>
    %reduce_min3A_1077 = vector.multi_reduction <minsi>, %select_n3A_1075, %reduce_min3A_1076 [0] : vector<25x196xi32> to vector<196xi32>
    %broadcast_in_dim3A_1078 = vector.shape_cast %reduce_min3A_1077 : vector<196xi32> to vector<1x196xi32>
    %eq3A_1079 = vector.broadcast %broadcast_in_dim3A_1078 : vector<1x196xi32> to vector<25x196xi32>
    %eq3A_1080 = arith.cmpi eq, %iota3A_981, %eq3A_1079 : vector<25x196xi32>
    %or3A_1081 = arith.ori %or3A_1064, %eq3A_1080 : vector<25x196xi1>
    %jit3A_1082 = arith.constant 1.000000e+30 : f32
    %broadcast_in_dim3A_1083 = vector.broadcast %jit3A_1082 : f32 to vector<25x196xf32>
    %select_n3A_1084 = arith.select %eq3A_1080, %broadcast_in_dim3A_1083, %select_n3A_1067 : vector<25x196xi1>, vector<25x196xf32>
    %reduce_min3A_1085 = arith.constant dense<0x7F800000> : vector<196xf32>
    %reduce_min3A_1086 = vector.multi_reduction <minimumf>, %select_n3A_1084, %reduce_min3A_1085 [0] : vector<25x196xf32> to vector<196xf32>
    %broadcast_in_dim3A_1087 = vector.shape_cast %reduce_min3A_1086 : vector<196xf32> to vector<1x196xf32>
    %eq3A_1088 = vector.broadcast %broadcast_in_dim3A_1087 : vector<1x196xf32> to vector<25x196xf32>
    %eq3A_1089 = arith.cmpf oeq, %select_n3A_1084, %eq3A_1088 : vector<25x196xf32>
    %jit3A_1090 = arith.constant 25 : i32
    %broadcast_in_dim3A_1091 = vector.broadcast %jit3A_1090 : i32 to vector<25x196xi32>
    %select_n3A_1092 = arith.select %eq3A_1089, %iota3A_981, %broadcast_in_dim3A_1091 : vector<25x196xi1>, vector<25x196xi32>
    %reduce_min3A_1093 = arith.constant dense<2147483647> : vector<196xi32>
    %reduce_min3A_1094 = vector.multi_reduction <minsi>, %select_n3A_1092, %reduce_min3A_1093 [0] : vector<25x196xi32> to vector<196xi32>
    %broadcast_in_dim3A_1095 = vector.shape_cast %reduce_min3A_1094 : vector<196xi32> to vector<1x196xi32>
    %eq3A_1096 = vector.broadcast %broadcast_in_dim3A_1095 : vector<1x196xi32> to vector<25x196xi32>
    %eq3A_1097 = arith.cmpi eq, %iota3A_981, %eq3A_1096 : vector<25x196xi32>
    %or3A_1098 = arith.ori %or3A_1081, %eq3A_1097 : vector<25x196xi1>
    %jit3A_1099 = arith.constant 1.000000e+30 : f32
    %broadcast_in_dim3A_1100 = vector.broadcast %jit3A_1099 : f32 to vector<25x196xf32>
    %select_n3A_1101 = arith.select %eq3A_1097, %broadcast_in_dim3A_1100, %select_n3A_1084 : vector<25x196xi1>, vector<25x196xf32>
    %reduce_min3A_1102 = arith.constant dense<0x7F800000> : vector<196xf32>
    %reduce_min3A_1103 = vector.multi_reduction <minimumf>, %select_n3A_1101, %reduce_min3A_1102 [0] : vector<25x196xf32> to vector<196xf32>
    %broadcast_in_dim3A_1104 = vector.shape_cast %reduce_min3A_1103 : vector<196xf32> to vector<1x196xf32>
    %eq3A_1105 = vector.broadcast %broadcast_in_dim3A_1104 : vector<1x196xf32> to vector<25x196xf32>
    %eq3A_1106 = arith.cmpf oeq, %select_n3A_1101, %eq3A_1105 : vector<25x196xf32>
    %jit3A_1107 = arith.constant 25 : i32
    %broadcast_in_dim3A_1108 = vector.broadcast %jit3A_1107 : i32 to vector<25x196xi32>
    %select_n3A_1109 = arith.select %eq3A_1106, %iota3A_981, %broadcast_in_dim3A_1108 : vector<25x196xi1>, vector<25x196xi32>
    %reduce_min3A_1110 = arith.constant dense<2147483647> : vector<196xi32>
    %reduce_min3A_1111 = vector.multi_reduction <minsi>, %select_n3A_1109, %reduce_min3A_1110 [0] : vector<25x196xi32> to vector<196xi32>
    %broadcast_in_dim3A_1112 = vector.shape_cast %reduce_min3A_1111 : vector<196xi32> to vector<1x196xi32>
    %eq3A_1113 = vector.broadcast %broadcast_in_dim3A_1112 : vector<1x196xi32> to vector<25x196xi32>
    %eq3A_1114 = arith.cmpi eq, %iota3A_981, %eq3A_1113 : vector<25x196xi32>
    %or3A_1115 = arith.ori %or3A_1098, %eq3A_1114 : vector<25x196xi1>
    %jit3A_1116 = arith.constant 1.000000e+30 : f32
    %broadcast_in_dim3A_1117 = vector.broadcast %jit3A_1116 : f32 to vector<25x196xf32>
    %select_n3A_1118 = arith.select %eq3A_1114, %broadcast_in_dim3A_1117, %select_n3A_1101 : vector<25x196xi1>, vector<25x196xf32>
    %reduce_min3A_1119 = arith.constant dense<0x7F800000> : vector<196xf32>
    %reduce_min3A_1120 = vector.multi_reduction <minimumf>, %select_n3A_1118, %reduce_min3A_1119 [0] : vector<25x196xf32> to vector<196xf32>
    %broadcast_in_dim3A_1121 = vector.shape_cast %reduce_min3A_1120 : vector<196xf32> to vector<1x196xf32>
    %eq3A_1122 = vector.broadcast %broadcast_in_dim3A_1121 : vector<1x196xf32> to vector<25x196xf32>
    %eq3A_1123 = arith.cmpf oeq, %select_n3A_1118, %eq3A_1122 : vector<25x196xf32>
    %jit3A_1124 = arith.constant 25 : i32
    %broadcast_in_dim3A_1125 = vector.broadcast %jit3A_1124 : i32 to vector<25x196xi32>
    %select_n3A_1126 = arith.select %eq3A_1123, %iota3A_981, %broadcast_in_dim3A_1125 : vector<25x196xi1>, vector<25x196xi32>
    %reduce_min3A_1127 = arith.constant dense<2147483647> : vector<196xi32>
    %reduce_min3A_1128 = vector.multi_reduction <minsi>, %select_n3A_1126, %reduce_min3A_1127 [0] : vector<25x196xi32> to vector<196xi32>
    %broadcast_in_dim3A_1129 = vector.shape_cast %reduce_min3A_1128 : vector<196xi32> to vector<1x196xi32>
    %eq3A_1130 = vector.broadcast %broadcast_in_dim3A_1129 : vector<1x196xi32> to vector<25x196xi32>
    %eq3A_1131 = arith.cmpi eq, %iota3A_981, %eq3A_1130 : vector<25x196xi32>
    %or3A_1132 = arith.ori %or3A_1115, %eq3A_1131 : vector<25x196xi1>
    %iota3A_1133 = tpu.iota {dimensions = array<i32: 1>} : vector<1x196xi32>
    %broadcast_in_dim3A_1134 = arith.constant 0 : i32
    %broadcast_in_dim3A_1135 = vector.broadcast %broadcast_in_dim3A_1134 : i32 to vector<1x196xi32>
    %broadcast_in_dim3A_1136 = arith.constant 0 : i32
    %broadcast_in_dim3A_1137 = vector.broadcast %broadcast_in_dim3A_1136 : i32 to vector<1x196xi32>
    %broadcast_in_dim3A_1138 = arith.constant 0 : i32
    %broadcast_in_dim3A_1139 = vector.broadcast %broadcast_in_dim3A_1138 : i32 to vector<1x196xi32>
    %broadcast_in_dim3A_1140 = arith.constant 0 : i32
    %broadcast_in_dim3A_1141 = vector.broadcast %broadcast_in_dim3A_1140 : i32 to vector<1x196xi32>
    %broadcast_in_dim3A_1142 = arith.constant 0 : i32
    %broadcast_in_dim3A_1143 = vector.broadcast %broadcast_in_dim3A_1142 : i32 to vector<1x196xi32>
    %broadcast_in_dim3A_1144 = arith.constant 0 : i32
    %broadcast_in_dim3A_1145 = vector.broadcast %broadcast_in_dim3A_1144 : i32 to vector<1x196xi32>
    %broadcast_in_dim3A_1146 = arith.constant 0 : i32
    %broadcast_in_dim3A_1147 = vector.broadcast %broadcast_in_dim3A_1146 : i32 to vector<1x196xi32>
    %broadcast_in_dim3A_1148 = arith.constant 0 : i32
    %broadcast_in_dim3A_1149 = vector.broadcast %broadcast_in_dim3A_1148 : i32 to vector<1x196xi32>
    %broadcast_in_dim3A_1150 = arith.constant 0 : i32
    %broadcast_in_dim3A_1151 = vector.broadcast %broadcast_in_dim3A_1150 : i32 to vector<1x196xi32>
    %broadcast_in_dim3A_1152 = arith.constant 0 : i32
    %broadcast_in_dim3A_1153 = vector.broadcast %broadcast_in_dim3A_1152 : i32 to vector<1x196xi32>
    %slice3A = vector.extract_strided_slice %or3A_1132 {offsets = [0, 0], sizes = [1, 196], strides = [1, 1]} : vector<25x196xi1> to vector<1x196xi1>
    %add3A_1154 = arith.constant -30 : i32
    %add3A_1155 = vector.broadcast %add3A_1154 : i32 to vector<1x196xi32>
    %add3A_1156 = arith.addi %iota3A_1133, %add3A_1155 : vector<1x196xi32>
    %eq3A_1157 = arith.constant 0 : i32
    %eq3A_1158 = vector.broadcast %eq3A_1157 : i32 to vector<1x196xi32>
    %eq3A_1159 = arith.cmpi eq, %broadcast_in_dim3A_1135, %eq3A_1158 : vector<1x196xi32>
    %and3A_1160 = arith.andi %slice3A, %eq3A_1159 : vector<1x196xi1>
    %select_n3A_1161 = arith.select %and3A_1160, %add3A_1156, %broadcast_in_dim3A_1137 : vector<1x196xi1>, vector<1x196xi32>
    %eq3A_1162 = arith.constant 1 : i32
    %eq3A_1163 = vector.broadcast %eq3A_1162 : i32 to vector<1x196xi32>
    %eq3A_1164 = arith.cmpi eq, %broadcast_in_dim3A_1135, %eq3A_1163 : vector<1x196xi32>
    %and3A_1165 = arith.andi %slice3A, %eq3A_1164 : vector<1x196xi1>
    %select_n3A_1166 = arith.select %and3A_1165, %add3A_1156, %broadcast_in_dim3A_1139 : vector<1x196xi1>, vector<1x196xi32>
    %eq3A_1167 = arith.constant 2 : i32
    %eq3A_1168 = vector.broadcast %eq3A_1167 : i32 to vector<1x196xi32>
    %eq3A_1169 = arith.cmpi eq, %broadcast_in_dim3A_1135, %eq3A_1168 : vector<1x196xi32>
    %and3A_1170 = arith.andi %slice3A, %eq3A_1169 : vector<1x196xi1>
    %select_n3A_1171 = arith.select %and3A_1170, %add3A_1156, %broadcast_in_dim3A_1141 : vector<1x196xi1>, vector<1x196xi32>
    %eq3A_1172 = arith.constant 3 : i32
    %eq3A_1173 = vector.broadcast %eq3A_1172 : i32 to vector<1x196xi32>
    %eq3A_1174 = arith.cmpi eq, %broadcast_in_dim3A_1135, %eq3A_1173 : vector<1x196xi32>
    %and3A_1175 = arith.andi %slice3A, %eq3A_1174 : vector<1x196xi1>
    %select_n3A_1176 = arith.select %and3A_1175, %add3A_1156, %broadcast_in_dim3A_1143 : vector<1x196xi1>, vector<1x196xi32>
    %eq3A_1177 = arith.constant 4 : i32
    %eq3A_1178 = vector.broadcast %eq3A_1177 : i32 to vector<1x196xi32>
    %eq3A_1179 = arith.cmpi eq, %broadcast_in_dim3A_1135, %eq3A_1178 : vector<1x196xi32>
    %and3A_1180 = arith.andi %slice3A, %eq3A_1179 : vector<1x196xi1>
    %select_n3A_1181 = arith.select %and3A_1180, %add3A_1156, %broadcast_in_dim3A_1145 : vector<1x196xi1>, vector<1x196xi32>
    %eq3A_1182 = arith.constant 5 : i32
    %eq3A_1183 = vector.broadcast %eq3A_1182 : i32 to vector<1x196xi32>
    %eq3A_1184 = arith.cmpi eq, %broadcast_in_dim3A_1135, %eq3A_1183 : vector<1x196xi32>
    %and3A_1185 = arith.andi %slice3A, %eq3A_1184 : vector<1x196xi1>
    %select_n3A_1186 = arith.select %and3A_1185, %add3A_1156, %broadcast_in_dim3A_1147 : vector<1x196xi1>, vector<1x196xi32>
    %eq3A_1187 = arith.constant 6 : i32
    %eq3A_1188 = vector.broadcast %eq3A_1187 : i32 to vector<1x196xi32>
    %eq3A_1189 = arith.cmpi eq, %broadcast_in_dim3A_1135, %eq3A_1188 : vector<1x196xi32>
    %and3A_1190 = arith.andi %slice3A, %eq3A_1189 : vector<1x196xi1>
    %select_n3A_1191 = arith.select %and3A_1190, %add3A_1156, %broadcast_in_dim3A_1149 : vector<1x196xi1>, vector<1x196xi32>
    %eq3A_1192 = arith.constant 7 : i32
    %eq3A_1193 = vector.broadcast %eq3A_1192 : i32 to vector<1x196xi32>
    %eq3A_1194 = arith.cmpi eq, %broadcast_in_dim3A_1135, %eq3A_1193 : vector<1x196xi32>
    %and3A_1195 = arith.andi %slice3A, %eq3A_1194 : vector<1x196xi1>
    %select_n3A_1196 = arith.select %and3A_1195, %add3A_1156, %broadcast_in_dim3A_1151 : vector<1x196xi1>, vector<1x196xi32>
    %eq3A_1197 = arith.constant 8 : i32
    %eq3A_1198 = vector.broadcast %eq3A_1197 : i32 to vector<1x196xi32>
    %eq3A_1199 = arith.cmpi eq, %broadcast_in_dim3A_1135, %eq3A_1198 : vector<1x196xi32>
    %and3A_1200 = arith.andi %slice3A, %eq3A_1199 : vector<1x196xi1>
    %select_n3A_1201 = arith.select %and3A_1200, %add3A_1156, %broadcast_in_dim3A_1153 : vector<1x196xi1>, vector<1x196xi32>
    %jit3A_1202 = arith.constant 1 : i32
    %jit3A_1203 = arith.constant 0 : i32
    %broadcast_in_dim3A_1204 = vector.broadcast %jit3A_1202 : i32 to vector<1x196xi32>
    %broadcast_in_dim3A_1205 = vector.broadcast %jit3A_1203 : i32 to vector<1x196xi32>
    %select_n3A_1206 = arith.select %slice3A, %broadcast_in_dim3A_1204, %broadcast_in_dim3A_1205 : vector<1x196xi1>, vector<1x196xi32>
    %add3A_1207 = arith.addi %broadcast_in_dim3A_1135, %select_n3A_1206 : vector<1x196xi32>
    %slice3A_1208 = vector.extract_strided_slice %or3A_1132 {offsets = [1, 0], sizes = [1, 196], strides = [1, 1]} : vector<25x196xi1> to vector<1x196xi1>
    %add3A_1209 = arith.constant -29 : i32
    %add3A_1210 = vector.broadcast %add3A_1209 : i32 to vector<1x196xi32>
    %add3A_1211 = arith.addi %iota3A_1133, %add3A_1210 : vector<1x196xi32>
    %eq3A_1212 = arith.constant 0 : i32
    %eq3A_1213 = vector.broadcast %eq3A_1212 : i32 to vector<1x196xi32>
    %eq3A_1214 = arith.cmpi eq, %add3A_1207, %eq3A_1213 : vector<1x196xi32>
    %and3A_1215 = arith.andi %slice3A_1208, %eq3A_1214 : vector<1x196xi1>
    %select_n3A_1216 = arith.select %and3A_1215, %add3A_1211, %select_n3A_1161 : vector<1x196xi1>, vector<1x196xi32>
    %eq3A_1217 = arith.constant 1 : i32
    %eq3A_1218 = vector.broadcast %eq3A_1217 : i32 to vector<1x196xi32>
    %eq3A_1219 = arith.cmpi eq, %add3A_1207, %eq3A_1218 : vector<1x196xi32>
    %and3A_1220 = arith.andi %slice3A_1208, %eq3A_1219 : vector<1x196xi1>
    %select_n3A_1221 = arith.select %and3A_1220, %add3A_1211, %select_n3A_1166 : vector<1x196xi1>, vector<1x196xi32>
    %eq3A_1222 = arith.constant 2 : i32
    %eq3A_1223 = vector.broadcast %eq3A_1222 : i32 to vector<1x196xi32>
    %eq3A_1224 = arith.cmpi eq, %add3A_1207, %eq3A_1223 : vector<1x196xi32>
    %and3A_1225 = arith.andi %slice3A_1208, %eq3A_1224 : vector<1x196xi1>
    %select_n3A_1226 = arith.select %and3A_1225, %add3A_1211, %select_n3A_1171 : vector<1x196xi1>, vector<1x196xi32>
    %eq3A_1227 = arith.constant 3 : i32
    %eq3A_1228 = vector.broadcast %eq3A_1227 : i32 to vector<1x196xi32>
    %eq3A_1229 = arith.cmpi eq, %add3A_1207, %eq3A_1228 : vector<1x196xi32>
    %and3A_1230 = arith.andi %slice3A_1208, %eq3A_1229 : vector<1x196xi1>
    %select_n3A_1231 = arith.select %and3A_1230, %add3A_1211, %select_n3A_1176 : vector<1x196xi1>, vector<1x196xi32>
    %eq3A_1232 = arith.constant 4 : i32
    %eq3A_1233 = vector.broadcast %eq3A_1232 : i32 to vector<1x196xi32>
    %eq3A_1234 = arith.cmpi eq, %add3A_1207, %eq3A_1233 : vector<1x196xi32>
    %and3A_1235 = arith.andi %slice3A_1208, %eq3A_1234 : vector<1x196xi1>
    %select_n3A_1236 = arith.select %and3A_1235, %add3A_1211, %select_n3A_1181 : vector<1x196xi1>, vector<1x196xi32>
    %eq3A_1237 = arith.constant 5 : i32
    %eq3A_1238 = vector.broadcast %eq3A_1237 : i32 to vector<1x196xi32>
    %eq3A_1239 = arith.cmpi eq, %add3A_1207, %eq3A_1238 : vector<1x196xi32>
    %and3A_1240 = arith.andi %slice3A_1208, %eq3A_1239 : vector<1x196xi1>
    %select_n3A_1241 = arith.select %and3A_1240, %add3A_1211, %select_n3A_1186 : vector<1x196xi1>, vector<1x196xi32>
    %eq3A_1242 = arith.constant 6 : i32
    %eq3A_1243 = vector.broadcast %eq3A_1242 : i32 to vector<1x196xi32>
    %eq3A_1244 = arith.cmpi eq, %add3A_1207, %eq3A_1243 : vector<1x196xi32>
    %and3A_1245 = arith.andi %slice3A_1208, %eq3A_1244 : vector<1x196xi1>
    %select_n3A_1246 = arith.select %and3A_1245, %add3A_1211, %select_n3A_1191 : vector<1x196xi1>, vector<1x196xi32>
    %eq3A_1247 = arith.constant 7 : i32
    %eq3A_1248 = vector.broadcast %eq3A_1247 : i32 to vector<1x196xi32>
    %eq3A_1249 = arith.cmpi eq, %add3A_1207, %eq3A_1248 : vector<1x196xi32>
    %and3A_1250 = arith.andi %slice3A_1208, %eq3A_1249 : vector<1x196xi1>
    %select_n3A_1251 = arith.select %and3A_1250, %add3A_1211, %select_n3A_1196 : vector<1x196xi1>, vector<1x196xi32>
    %eq3A_1252 = arith.constant 8 : i32
    %eq3A_1253 = vector.broadcast %eq3A_1252 : i32 to vector<1x196xi32>
    %eq3A_1254 = arith.cmpi eq, %add3A_1207, %eq3A_1253 : vector<1x196xi32>
    %and3A_1255 = arith.andi %slice3A_1208, %eq3A_1254 : vector<1x196xi1>
    %select_n3A_1256 = arith.select %and3A_1255, %add3A_1211, %select_n3A_1201 : vector<1x196xi1>, vector<1x196xi32>
    %jit3A_1257 = arith.constant 1 : i32
    %jit3A_1258 = arith.constant 0 : i32
    %broadcast_in_dim3A_1259 = vector.broadcast %jit3A_1257 : i32 to vector<1x196xi32>
    %broadcast_in_dim3A_1260 = vector.broadcast %jit3A_1258 : i32 to vector<1x196xi32>
    %select_n3A_1261 = arith.select %slice3A_1208, %broadcast_in_dim3A_1259, %broadcast_in_dim3A_1260 : vector<1x196xi1>, vector<1x196xi32>
    %add3A_1262 = arith.addi %add3A_1207, %select_n3A_1261 : vector<1x196xi32>
    %slice3A_1263 = vector.extract_strided_slice %or3A_1132 {offsets = [2, 0], sizes = [1, 196], strides = [1, 1]} : vector<25x196xi1> to vector<1x196xi1>
    %add3A_1264 = arith.constant -28 : i32
    %add3A_1265 = vector.broadcast %add3A_1264 : i32 to vector<1x196xi32>
    %add3A_1266 = arith.addi %iota3A_1133, %add3A_1265 : vector<1x196xi32>
    %eq3A_1267 = arith.constant 0 : i32
    %eq3A_1268 = vector.broadcast %eq3A_1267 : i32 to vector<1x196xi32>
    %eq3A_1269 = arith.cmpi eq, %add3A_1262, %eq3A_1268 : vector<1x196xi32>
    %and3A_1270 = arith.andi %slice3A_1263, %eq3A_1269 : vector<1x196xi1>
    %select_n3A_1271 = arith.select %and3A_1270, %add3A_1266, %select_n3A_1216 : vector<1x196xi1>, vector<1x196xi32>
    %eq3A_1272 = arith.constant 1 : i32
    %eq3A_1273 = vector.broadcast %eq3A_1272 : i32 to vector<1x196xi32>
    %eq3A_1274 = arith.cmpi eq, %add3A_1262, %eq3A_1273 : vector<1x196xi32>
    %and3A_1275 = arith.andi %slice3A_1263, %eq3A_1274 : vector<1x196xi1>
    %select_n3A_1276 = arith.select %and3A_1275, %add3A_1266, %select_n3A_1221 : vector<1x196xi1>, vector<1x196xi32>
    %eq3A_1277 = arith.constant 2 : i32
    %eq3A_1278 = vector.broadcast %eq3A_1277 : i32 to vector<1x196xi32>
    %eq3A_1279 = arith.cmpi eq, %add3A_1262, %eq3A_1278 : vector<1x196xi32>
    %and3A_1280 = arith.andi %slice3A_1263, %eq3A_1279 : vector<1x196xi1>
    %select_n3A_1281 = arith.select %and3A_1280, %add3A_1266, %select_n3A_1226 : vector<1x196xi1>, vector<1x196xi32>
    %eq3A_1282 = arith.constant 3 : i32
    %eq3A_1283 = vector.broadcast %eq3A_1282 : i32 to vector<1x196xi32>
    %eq3A_1284 = arith.cmpi eq, %add3A_1262, %eq3A_1283 : vector<1x196xi32>
    %and3A_1285 = arith.andi %slice3A_1263, %eq3A_1284 : vector<1x196xi1>
    %select_n3A_1286 = arith.select %and3A_1285, %add3A_1266, %select_n3A_1231 : vector<1x196xi1>, vector<1x196xi32>
    %eq3A_1287 = arith.constant 4 : i32
    %eq3A_1288 = vector.broadcast %eq3A_1287 : i32 to vector<1x196xi32>
    %eq3A_1289 = arith.cmpi eq, %add3A_1262, %eq3A_1288 : vector<1x196xi32>
    %and3A_1290 = arith.andi %slice3A_1263, %eq3A_1289 : vector<1x196xi1>
    %select_n3A_1291 = arith.select %and3A_1290, %add3A_1266, %select_n3A_1236 : vector<1x196xi1>, vector<1x196xi32>
    %eq3A_1292 = arith.constant 5 : i32
    %eq3A_1293 = vector.broadcast %eq3A_1292 : i32 to vector<1x196xi32>
    %eq3A_1294 = arith.cmpi eq, %add3A_1262, %eq3A_1293 : vector<1x196xi32>
    %and3A_1295 = arith.andi %slice3A_1263, %eq3A_1294 : vector<1x196xi1>
    %select_n3A_1296 = arith.select %and3A_1295, %add3A_1266, %select_n3A_1241 : vector<1x196xi1>, vector<1x196xi32>
    %eq3A_1297 = arith.constant 6 : i32
    %eq3A_1298 = vector.broadcast %eq3A_1297 : i32 to vector<1x196xi32>
    %eq3A_1299 = arith.cmpi eq, %add3A_1262, %eq3A_1298 : vector<1x196xi32>
    %and3A_1300 = arith.andi %slice3A_1263, %eq3A_1299 : vector<1x196xi1>
    %select_n3A_1301 = arith.select %and3A_1300, %add3A_1266, %select_n3A_1246 : vector<1x196xi1>, vector<1x196xi32>
    %eq3A_1302 = arith.constant 7 : i32
    %eq3A_1303 = vector.broadcast %eq3A_1302 : i32 to vector<1x196xi32>
    %eq3A_1304 = arith.cmpi eq, %add3A_1262, %eq3A_1303 : vector<1x196xi32>
    %and3A_1305 = arith.andi %slice3A_1263, %eq3A_1304 : vector<1x196xi1>
    %select_n3A_1306 = arith.select %and3A_1305, %add3A_1266, %select_n3A_1251 : vector<1x196xi1>, vector<1x196xi32>
    %eq3A_1307 = arith.constant 8 : i32
    %eq3A_1308 = vector.broadcast %eq3A_1307 : i32 to vector<1x196xi32>
    %eq3A_1309 = arith.cmpi eq, %add3A_1262, %eq3A_1308 : vector<1x196xi32>
    %and3A_1310 = arith.andi %slice3A_1263, %eq3A_1309 : vector<1x196xi1>
    %select_n3A_1311 = arith.select %and3A_1310, %add3A_1266, %select_n3A_1256 : vector<1x196xi1>, vector<1x196xi32>
    %jit3A_1312 = arith.constant 1 : i32
    %jit3A_1313 = arith.constant 0 : i32
    %broadcast_in_dim3A_1314 = vector.broadcast %jit3A_1312 : i32 to vector<1x196xi32>
    %broadcast_in_dim3A_1315 = vector.broadcast %jit3A_1313 : i32 to vector<1x196xi32>
    %select_n3A_1316 = arith.select %slice3A_1263, %broadcast_in_dim3A_1314, %broadcast_in_dim3A_1315 : vector<1x196xi1>, vector<1x196xi32>
    %add3A_1317 = arith.addi %add3A_1262, %select_n3A_1316 : vector<1x196xi32>
    %slice3A_1318 = vector.extract_strided_slice %or3A_1132 {offsets = [3, 0], sizes = [1, 196], strides = [1, 1]} : vector<25x196xi1> to vector<1x196xi1>
    %add3A_1319 = arith.constant -27 : i32
    %add3A_1320 = vector.broadcast %add3A_1319 : i32 to vector<1x196xi32>
    %add3A_1321 = arith.addi %iota3A_1133, %add3A_1320 : vector<1x196xi32>
    %eq3A_1322 = arith.constant 0 : i32
    %eq3A_1323 = vector.broadcast %eq3A_1322 : i32 to vector<1x196xi32>
    %eq3A_1324 = arith.cmpi eq, %add3A_1317, %eq3A_1323 : vector<1x196xi32>
    %and3A_1325 = arith.andi %slice3A_1318, %eq3A_1324 : vector<1x196xi1>
    %select_n3A_1326 = arith.select %and3A_1325, %add3A_1321, %select_n3A_1271 : vector<1x196xi1>, vector<1x196xi32>
    %eq3A_1327 = arith.constant 1 : i32
    %eq3A_1328 = vector.broadcast %eq3A_1327 : i32 to vector<1x196xi32>
    %eq3A_1329 = arith.cmpi eq, %add3A_1317, %eq3A_1328 : vector<1x196xi32>
    %and3A_1330 = arith.andi %slice3A_1318, %eq3A_1329 : vector<1x196xi1>
    %select_n3A_1331 = arith.select %and3A_1330, %add3A_1321, %select_n3A_1276 : vector<1x196xi1>, vector<1x196xi32>
    %eq3A_1332 = arith.constant 2 : i32
    %eq3A_1333 = vector.broadcast %eq3A_1332 : i32 to vector<1x196xi32>
    %eq3A_1334 = arith.cmpi eq, %add3A_1317, %eq3A_1333 : vector<1x196xi32>
    %and3A_1335 = arith.andi %slice3A_1318, %eq3A_1334 : vector<1x196xi1>
    %select_n3A_1336 = arith.select %and3A_1335, %add3A_1321, %select_n3A_1281 : vector<1x196xi1>, vector<1x196xi32>
    %eq3A_1337 = arith.constant 3 : i32
    %eq3A_1338 = vector.broadcast %eq3A_1337 : i32 to vector<1x196xi32>
    %eq3A_1339 = arith.cmpi eq, %add3A_1317, %eq3A_1338 : vector<1x196xi32>
    %and3A_1340 = arith.andi %slice3A_1318, %eq3A_1339 : vector<1x196xi1>
    %select_n3A_1341 = arith.select %and3A_1340, %add3A_1321, %select_n3A_1286 : vector<1x196xi1>, vector<1x196xi32>
    %eq3A_1342 = arith.constant 4 : i32
    %eq3A_1343 = vector.broadcast %eq3A_1342 : i32 to vector<1x196xi32>
    %eq3A_1344 = arith.cmpi eq, %add3A_1317, %eq3A_1343 : vector<1x196xi32>
    %and3A_1345 = arith.andi %slice3A_1318, %eq3A_1344 : vector<1x196xi1>
    %select_n3A_1346 = arith.select %and3A_1345, %add3A_1321, %select_n3A_1291 : vector<1x196xi1>, vector<1x196xi32>
    %eq3A_1347 = arith.constant 5 : i32
    %eq3A_1348 = vector.broadcast %eq3A_1347 : i32 to vector<1x196xi32>
    %eq3A_1349 = arith.cmpi eq, %add3A_1317, %eq3A_1348 : vector<1x196xi32>
    %and3A_1350 = arith.andi %slice3A_1318, %eq3A_1349 : vector<1x196xi1>
    %select_n3A_1351 = arith.select %and3A_1350, %add3A_1321, %select_n3A_1296 : vector<1x196xi1>, vector<1x196xi32>
    %eq3A_1352 = arith.constant 6 : i32
    %eq3A_1353 = vector.broadcast %eq3A_1352 : i32 to vector<1x196xi32>
    %eq3A_1354 = arith.cmpi eq, %add3A_1317, %eq3A_1353 : vector<1x196xi32>
    %and3A_1355 = arith.andi %slice3A_1318, %eq3A_1354 : vector<1x196xi1>
    %select_n3A_1356 = arith.select %and3A_1355, %add3A_1321, %select_n3A_1301 : vector<1x196xi1>, vector<1x196xi32>
    %eq3A_1357 = arith.constant 7 : i32
    %eq3A_1358 = vector.broadcast %eq3A_1357 : i32 to vector<1x196xi32>
    %eq3A_1359 = arith.cmpi eq, %add3A_1317, %eq3A_1358 : vector<1x196xi32>
    %and3A_1360 = arith.andi %slice3A_1318, %eq3A_1359 : vector<1x196xi1>
    %select_n3A_1361 = arith.select %and3A_1360, %add3A_1321, %select_n3A_1306 : vector<1x196xi1>, vector<1x196xi32>
    %eq3A_1362 = arith.constant 8 : i32
    %eq3A_1363 = vector.broadcast %eq3A_1362 : i32 to vector<1x196xi32>
    %eq3A_1364 = arith.cmpi eq, %add3A_1317, %eq3A_1363 : vector<1x196xi32>
    %and3A_1365 = arith.andi %slice3A_1318, %eq3A_1364 : vector<1x196xi1>
    %select_n3A_1366 = arith.select %and3A_1365, %add3A_1321, %select_n3A_1311 : vector<1x196xi1>, vector<1x196xi32>
    %jit3A_1367 = arith.constant 1 : i32
    %jit3A_1368 = arith.constant 0 : i32
    %broadcast_in_dim3A_1369 = vector.broadcast %jit3A_1367 : i32 to vector<1x196xi32>
    %broadcast_in_dim3A_1370 = vector.broadcast %jit3A_1368 : i32 to vector<1x196xi32>
    %select_n3A_1371 = arith.select %slice3A_1318, %broadcast_in_dim3A_1369, %broadcast_in_dim3A_1370 : vector<1x196xi1>, vector<1x196xi32>
    %add3A_1372 = arith.addi %add3A_1317, %select_n3A_1371 : vector<1x196xi32>
    %slice3A_1373 = vector.extract_strided_slice %or3A_1132 {offsets = [4, 0], sizes = [1, 196], strides = [1, 1]} : vector<25x196xi1> to vector<1x196xi1>
    %add3A_1374 = arith.constant -26 : i32
    %add3A_1375 = vector.broadcast %add3A_1374 : i32 to vector<1x196xi32>
    %add3A_1376 = arith.addi %iota3A_1133, %add3A_1375 : vector<1x196xi32>
    %eq3A_1377 = arith.constant 0 : i32
    %eq3A_1378 = vector.broadcast %eq3A_1377 : i32 to vector<1x196xi32>
    %eq3A_1379 = arith.cmpi eq, %add3A_1372, %eq3A_1378 : vector<1x196xi32>
    %and3A_1380 = arith.andi %slice3A_1373, %eq3A_1379 : vector<1x196xi1>
    %select_n3A_1381 = arith.select %and3A_1380, %add3A_1376, %select_n3A_1326 : vector<1x196xi1>, vector<1x196xi32>
    %eq3A_1382 = arith.constant 1 : i32
    %eq3A_1383 = vector.broadcast %eq3A_1382 : i32 to vector<1x196xi32>
    %eq3A_1384 = arith.cmpi eq, %add3A_1372, %eq3A_1383 : vector<1x196xi32>
    %and3A_1385 = arith.andi %slice3A_1373, %eq3A_1384 : vector<1x196xi1>
    %select_n3A_1386 = arith.select %and3A_1385, %add3A_1376, %select_n3A_1331 : vector<1x196xi1>, vector<1x196xi32>
    %eq3A_1387 = arith.constant 2 : i32
    %eq3A_1388 = vector.broadcast %eq3A_1387 : i32 to vector<1x196xi32>
    %eq3A_1389 = arith.cmpi eq, %add3A_1372, %eq3A_1388 : vector<1x196xi32>
    %and3A_1390 = arith.andi %slice3A_1373, %eq3A_1389 : vector<1x196xi1>
    %select_n3A_1391 = arith.select %and3A_1390, %add3A_1376, %select_n3A_1336 : vector<1x196xi1>, vector<1x196xi32>
    %eq3A_1392 = arith.constant 3 : i32
    %eq3A_1393 = vector.broadcast %eq3A_1392 : i32 to vector<1x196xi32>
    %eq3A_1394 = arith.cmpi eq, %add3A_1372, %eq3A_1393 : vector<1x196xi32>
    %and3A_1395 = arith.andi %slice3A_1373, %eq3A_1394 : vector<1x196xi1>
    %select_n3A_1396 = arith.select %and3A_1395, %add3A_1376, %select_n3A_1341 : vector<1x196xi1>, vector<1x196xi32>
    %eq3A_1397 = arith.constant 4 : i32
    %eq3A_1398 = vector.broadcast %eq3A_1397 : i32 to vector<1x196xi32>
    %eq3A_1399 = arith.cmpi eq, %add3A_1372, %eq3A_1398 : vector<1x196xi32>
    %and3A_1400 = arith.andi %slice3A_1373, %eq3A_1399 : vector<1x196xi1>
    %select_n3A_1401 = arith.select %and3A_1400, %add3A_1376, %select_n3A_1346 : vector<1x196xi1>, vector<1x196xi32>
    %eq3A_1402 = arith.constant 5 : i32
    %eq3A_1403 = vector.broadcast %eq3A_1402 : i32 to vector<1x196xi32>
    %eq3A_1404 = arith.cmpi eq, %add3A_1372, %eq3A_1403 : vector<1x196xi32>
    %and3A_1405 = arith.andi %slice3A_1373, %eq3A_1404 : vector<1x196xi1>
    %select_n3A_1406 = arith.select %and3A_1405, %add3A_1376, %select_n3A_1351 : vector<1x196xi1>, vector<1x196xi32>
    %eq3A_1407 = arith.constant 6 : i32
    %eq3A_1408 = vector.broadcast %eq3A_1407 : i32 to vector<1x196xi32>
    %eq3A_1409 = arith.cmpi eq, %add3A_1372, %eq3A_1408 : vector<1x196xi32>
    %and3A_1410 = arith.andi %slice3A_1373, %eq3A_1409 : vector<1x196xi1>
    %select_n3A_1411 = arith.select %and3A_1410, %add3A_1376, %select_n3A_1356 : vector<1x196xi1>, vector<1x196xi32>
    %eq3A_1412 = arith.constant 7 : i32
    %eq3A_1413 = vector.broadcast %eq3A_1412 : i32 to vector<1x196xi32>
    %eq3A_1414 = arith.cmpi eq, %add3A_1372, %eq3A_1413 : vector<1x196xi32>
    %and3A_1415 = arith.andi %slice3A_1373, %eq3A_1414 : vector<1x196xi1>
    %select_n3A_1416 = arith.select %and3A_1415, %add3A_1376, %select_n3A_1361 : vector<1x196xi1>, vector<1x196xi32>
    %eq3A_1417 = arith.constant 8 : i32
    %eq3A_1418 = vector.broadcast %eq3A_1417 : i32 to vector<1x196xi32>
    %eq3A_1419 = arith.cmpi eq, %add3A_1372, %eq3A_1418 : vector<1x196xi32>
    %and3A_1420 = arith.andi %slice3A_1373, %eq3A_1419 : vector<1x196xi1>
    %select_n3A_1421 = arith.select %and3A_1420, %add3A_1376, %select_n3A_1366 : vector<1x196xi1>, vector<1x196xi32>
    %jit3A_1422 = arith.constant 1 : i32
    %jit3A_1423 = arith.constant 0 : i32
    %broadcast_in_dim3A_1424 = vector.broadcast %jit3A_1422 : i32 to vector<1x196xi32>
    %broadcast_in_dim3A_1425 = vector.broadcast %jit3A_1423 : i32 to vector<1x196xi32>
    %select_n3A_1426 = arith.select %slice3A_1373, %broadcast_in_dim3A_1424, %broadcast_in_dim3A_1425 : vector<1x196xi1>, vector<1x196xi32>
    %add3A_1427 = arith.addi %add3A_1372, %select_n3A_1426 : vector<1x196xi32>
    %slice3A_1428 = vector.extract_strided_slice %or3A_1132 {offsets = [5, 0], sizes = [1, 196], strides = [1, 1]} : vector<25x196xi1> to vector<1x196xi1>
    %add3A_1429 = arith.constant -16 : i32
    %add3A_1430 = vector.broadcast %add3A_1429 : i32 to vector<1x196xi32>
    %add3A_1431 = arith.addi %iota3A_1133, %add3A_1430 : vector<1x196xi32>
    %eq3A_1432 = arith.constant 0 : i32
    %eq3A_1433 = vector.broadcast %eq3A_1432 : i32 to vector<1x196xi32>
    %eq3A_1434 = arith.cmpi eq, %add3A_1427, %eq3A_1433 : vector<1x196xi32>
    %and3A_1435 = arith.andi %slice3A_1428, %eq3A_1434 : vector<1x196xi1>
    %select_n3A_1436 = arith.select %and3A_1435, %add3A_1431, %select_n3A_1381 : vector<1x196xi1>, vector<1x196xi32>
    %eq3A_1437 = arith.constant 1 : i32
    %eq3A_1438 = vector.broadcast %eq3A_1437 : i32 to vector<1x196xi32>
    %eq3A_1439 = arith.cmpi eq, %add3A_1427, %eq3A_1438 : vector<1x196xi32>
    %and3A_1440 = arith.andi %slice3A_1428, %eq3A_1439 : vector<1x196xi1>
    %select_n3A_1441 = arith.select %and3A_1440, %add3A_1431, %select_n3A_1386 : vector<1x196xi1>, vector<1x196xi32>
    %eq3A_1442 = arith.constant 2 : i32
    %eq3A_1443 = vector.broadcast %eq3A_1442 : i32 to vector<1x196xi32>
    %eq3A_1444 = arith.cmpi eq, %add3A_1427, %eq3A_1443 : vector<1x196xi32>
    %and3A_1445 = arith.andi %slice3A_1428, %eq3A_1444 : vector<1x196xi1>
    %select_n3A_1446 = arith.select %and3A_1445, %add3A_1431, %select_n3A_1391 : vector<1x196xi1>, vector<1x196xi32>
    %eq3A_1447 = arith.constant 3 : i32
    %eq3A_1448 = vector.broadcast %eq3A_1447 : i32 to vector<1x196xi32>
    %eq3A_1449 = arith.cmpi eq, %add3A_1427, %eq3A_1448 : vector<1x196xi32>
    %and3A_1450 = arith.andi %slice3A_1428, %eq3A_1449 : vector<1x196xi1>
    %select_n3A_1451 = arith.select %and3A_1450, %add3A_1431, %select_n3A_1396 : vector<1x196xi1>, vector<1x196xi32>
    %eq3A_1452 = arith.constant 4 : i32
    %eq3A_1453 = vector.broadcast %eq3A_1452 : i32 to vector<1x196xi32>
    %eq3A_1454 = arith.cmpi eq, %add3A_1427, %eq3A_1453 : vector<1x196xi32>
    %and3A_1455 = arith.andi %slice3A_1428, %eq3A_1454 : vector<1x196xi1>
    %select_n3A_1456 = arith.select %and3A_1455, %add3A_1431, %select_n3A_1401 : vector<1x196xi1>, vector<1x196xi32>
    %eq3A_1457 = arith.constant 5 : i32
    %eq3A_1458 = vector.broadcast %eq3A_1457 : i32 to vector<1x196xi32>
    %eq3A_1459 = arith.cmpi eq, %add3A_1427, %eq3A_1458 : vector<1x196xi32>
    %and3A_1460 = arith.andi %slice3A_1428, %eq3A_1459 : vector<1x196xi1>
    %select_n3A_1461 = arith.select %and3A_1460, %add3A_1431, %select_n3A_1406 : vector<1x196xi1>, vector<1x196xi32>
    %eq3A_1462 = arith.constant 6 : i32
    %eq3A_1463 = vector.broadcast %eq3A_1462 : i32 to vector<1x196xi32>
    %eq3A_1464 = arith.cmpi eq, %add3A_1427, %eq3A_1463 : vector<1x196xi32>
    %and3A_1465 = arith.andi %slice3A_1428, %eq3A_1464 : vector<1x196xi1>
    %select_n3A_1466 = arith.select %and3A_1465, %add3A_1431, %select_n3A_1411 : vector<1x196xi1>, vector<1x196xi32>
    %eq3A_1467 = arith.constant 7 : i32
    %eq3A_1468 = vector.broadcast %eq3A_1467 : i32 to vector<1x196xi32>
    %eq3A_1469 = arith.cmpi eq, %add3A_1427, %eq3A_1468 : vector<1x196xi32>
    %and3A_1470 = arith.andi %slice3A_1428, %eq3A_1469 : vector<1x196xi1>
    %select_n3A_1471 = arith.select %and3A_1470, %add3A_1431, %select_n3A_1416 : vector<1x196xi1>, vector<1x196xi32>
    %eq3A_1472 = arith.constant 8 : i32
    %eq3A_1473 = vector.broadcast %eq3A_1472 : i32 to vector<1x196xi32>
    %eq3A_1474 = arith.cmpi eq, %add3A_1427, %eq3A_1473 : vector<1x196xi32>
    %and3A_1475 = arith.andi %slice3A_1428, %eq3A_1474 : vector<1x196xi1>
    %select_n3A_1476 = arith.select %and3A_1475, %add3A_1431, %select_n3A_1421 : vector<1x196xi1>, vector<1x196xi32>
    %jit3A_1477 = arith.constant 1 : i32
    %jit3A_1478 = arith.constant 0 : i32
    %broadcast_in_dim3A_1479 = vector.broadcast %jit3A_1477 : i32 to vector<1x196xi32>
    %broadcast_in_dim3A_1480 = vector.broadcast %jit3A_1478 : i32 to vector<1x196xi32>
    %select_n3A_1481 = arith.select %slice3A_1428, %broadcast_in_dim3A_1479, %broadcast_in_dim3A_1480 : vector<1x196xi1>, vector<1x196xi32>
    %add3A_1482 = arith.addi %add3A_1427, %select_n3A_1481 : vector<1x196xi32>
    %slice3A_1483 = vector.extract_strided_slice %or3A_1132 {offsets = [6, 0], sizes = [1, 196], strides = [1, 1]} : vector<25x196xi1> to vector<1x196xi1>
    %add3A_1484 = arith.constant -15 : i32
    %add3A_1485 = vector.broadcast %add3A_1484 : i32 to vector<1x196xi32>
    %add3A_1486 = arith.addi %iota3A_1133, %add3A_1485 : vector<1x196xi32>
    %eq3A_1487 = arith.constant 0 : i32
    %eq3A_1488 = vector.broadcast %eq3A_1487 : i32 to vector<1x196xi32>
    %eq3A_1489 = arith.cmpi eq, %add3A_1482, %eq3A_1488 : vector<1x196xi32>
    %and3A_1490 = arith.andi %slice3A_1483, %eq3A_1489 : vector<1x196xi1>
    %select_n3A_1491 = arith.select %and3A_1490, %add3A_1486, %select_n3A_1436 : vector<1x196xi1>, vector<1x196xi32>
    %eq3A_1492 = arith.constant 1 : i32
    %eq3A_1493 = vector.broadcast %eq3A_1492 : i32 to vector<1x196xi32>
    %eq3A_1494 = arith.cmpi eq, %add3A_1482, %eq3A_1493 : vector<1x196xi32>
    %and3A_1495 = arith.andi %slice3A_1483, %eq3A_1494 : vector<1x196xi1>
    %select_n3A_1496 = arith.select %and3A_1495, %add3A_1486, %select_n3A_1441 : vector<1x196xi1>, vector<1x196xi32>
    %eq3A_1497 = arith.constant 2 : i32
    %eq3A_1498 = vector.broadcast %eq3A_1497 : i32 to vector<1x196xi32>
    %eq3A_1499 = arith.cmpi eq, %add3A_1482, %eq3A_1498 : vector<1x196xi32>
    %and3A_1500 = arith.andi %slice3A_1483, %eq3A_1499 : vector<1x196xi1>
    %select_n3A_1501 = arith.select %and3A_1500, %add3A_1486, %select_n3A_1446 : vector<1x196xi1>, vector<1x196xi32>
    %eq3A_1502 = arith.constant 3 : i32
    %eq3A_1503 = vector.broadcast %eq3A_1502 : i32 to vector<1x196xi32>
    %eq3A_1504 = arith.cmpi eq, %add3A_1482, %eq3A_1503 : vector<1x196xi32>
    %and3A_1505 = arith.andi %slice3A_1483, %eq3A_1504 : vector<1x196xi1>
    %select_n3A_1506 = arith.select %and3A_1505, %add3A_1486, %select_n3A_1451 : vector<1x196xi1>, vector<1x196xi32>
    %eq3A_1507 = arith.constant 4 : i32
    %eq3A_1508 = vector.broadcast %eq3A_1507 : i32 to vector<1x196xi32>
    %eq3A_1509 = arith.cmpi eq, %add3A_1482, %eq3A_1508 : vector<1x196xi32>
    %and3A_1510 = arith.andi %slice3A_1483, %eq3A_1509 : vector<1x196xi1>
    %select_n3A_1511 = arith.select %and3A_1510, %add3A_1486, %select_n3A_1456 : vector<1x196xi1>, vector<1x196xi32>
    %eq3A_1512 = arith.constant 5 : i32
    %eq3A_1513 = vector.broadcast %eq3A_1512 : i32 to vector<1x196xi32>
    %eq3A_1514 = arith.cmpi eq, %add3A_1482, %eq3A_1513 : vector<1x196xi32>
    %and3A_1515 = arith.andi %slice3A_1483, %eq3A_1514 : vector<1x196xi1>
    %select_n3A_1516 = arith.select %and3A_1515, %add3A_1486, %select_n3A_1461 : vector<1x196xi1>, vector<1x196xi32>
    %eq3A_1517 = arith.constant 6 : i32
    %eq3A_1518 = vector.broadcast %eq3A_1517 : i32 to vector<1x196xi32>
    %eq3A_1519 = arith.cmpi eq, %add3A_1482, %eq3A_1518 : vector<1x196xi32>
    %and3A_1520 = arith.andi %slice3A_1483, %eq3A_1519 : vector<1x196xi1>
    %select_n3A_1521 = arith.select %and3A_1520, %add3A_1486, %select_n3A_1466 : vector<1x196xi1>, vector<1x196xi32>
    %eq3A_1522 = arith.constant 7 : i32
    %eq3A_1523 = vector.broadcast %eq3A_1522 : i32 to vector<1x196xi32>
    %eq3A_1524 = arith.cmpi eq, %add3A_1482, %eq3A_1523 : vector<1x196xi32>
    %and3A_1525 = arith.andi %slice3A_1483, %eq3A_1524 : vector<1x196xi1>
    %select_n3A_1526 = arith.select %and3A_1525, %add3A_1486, %select_n3A_1471 : vector<1x196xi1>, vector<1x196xi32>
    %eq3A_1527 = arith.constant 8 : i32
    %eq3A_1528 = vector.broadcast %eq3A_1527 : i32 to vector<1x196xi32>
    %eq3A_1529 = arith.cmpi eq, %add3A_1482, %eq3A_1528 : vector<1x196xi32>
    %and3A_1530 = arith.andi %slice3A_1483, %eq3A_1529 : vector<1x196xi1>
    %select_n3A_1531 = arith.select %and3A_1530, %add3A_1486, %select_n3A_1476 : vector<1x196xi1>, vector<1x196xi32>
    %jit3A_1532 = arith.constant 1 : i32
    %jit3A_1533 = arith.constant 0 : i32
    %broadcast_in_dim3A_1534 = vector.broadcast %jit3A_1532 : i32 to vector<1x196xi32>
    %broadcast_in_dim3A_1535 = vector.broadcast %jit3A_1533 : i32 to vector<1x196xi32>
    %select_n3A_1536 = arith.select %slice3A_1483, %broadcast_in_dim3A_1534, %broadcast_in_dim3A_1535 : vector<1x196xi1>, vector<1x196xi32>
    %add3A_1537 = arith.addi %add3A_1482, %select_n3A_1536 : vector<1x196xi32>
    %slice3A_1538 = vector.extract_strided_slice %or3A_1132 {offsets = [7, 0], sizes = [1, 196], strides = [1, 1]} : vector<25x196xi1> to vector<1x196xi1>
    %add3A_1539 = arith.constant -14 : i32
    %add3A_1540 = vector.broadcast %add3A_1539 : i32 to vector<1x196xi32>
    %add3A_1541 = arith.addi %iota3A_1133, %add3A_1540 : vector<1x196xi32>
    %eq3A_1542 = arith.constant 0 : i32
    %eq3A_1543 = vector.broadcast %eq3A_1542 : i32 to vector<1x196xi32>
    %eq3A_1544 = arith.cmpi eq, %add3A_1537, %eq3A_1543 : vector<1x196xi32>
    %and3A_1545 = arith.andi %slice3A_1538, %eq3A_1544 : vector<1x196xi1>
    %select_n3A_1546 = arith.select %and3A_1545, %add3A_1541, %select_n3A_1491 : vector<1x196xi1>, vector<1x196xi32>
    %eq3A_1547 = arith.constant 1 : i32
    %eq3A_1548 = vector.broadcast %eq3A_1547 : i32 to vector<1x196xi32>
    %eq3A_1549 = arith.cmpi eq, %add3A_1537, %eq3A_1548 : vector<1x196xi32>
    %and3A_1550 = arith.andi %slice3A_1538, %eq3A_1549 : vector<1x196xi1>
    %select_n3A_1551 = arith.select %and3A_1550, %add3A_1541, %select_n3A_1496 : vector<1x196xi1>, vector<1x196xi32>
    %eq3A_1552 = arith.constant 2 : i32
    %eq3A_1553 = vector.broadcast %eq3A_1552 : i32 to vector<1x196xi32>
    %eq3A_1554 = arith.cmpi eq, %add3A_1537, %eq3A_1553 : vector<1x196xi32>
    %and3A_1555 = arith.andi %slice3A_1538, %eq3A_1554 : vector<1x196xi1>
    %select_n3A_1556 = arith.select %and3A_1555, %add3A_1541, %select_n3A_1501 : vector<1x196xi1>, vector<1x196xi32>
    %eq3A_1557 = arith.constant 3 : i32
    %eq3A_1558 = vector.broadcast %eq3A_1557 : i32 to vector<1x196xi32>
    %eq3A_1559 = arith.cmpi eq, %add3A_1537, %eq3A_1558 : vector<1x196xi32>
    %and3A_1560 = arith.andi %slice3A_1538, %eq3A_1559 : vector<1x196xi1>
    %select_n3A_1561 = arith.select %and3A_1560, %add3A_1541, %select_n3A_1506 : vector<1x196xi1>, vector<1x196xi32>
    %eq3A_1562 = arith.constant 4 : i32
    %eq3A_1563 = vector.broadcast %eq3A_1562 : i32 to vector<1x196xi32>
    %eq3A_1564 = arith.cmpi eq, %add3A_1537, %eq3A_1563 : vector<1x196xi32>
    %and3A_1565 = arith.andi %slice3A_1538, %eq3A_1564 : vector<1x196xi1>
    %select_n3A_1566 = arith.select %and3A_1565, %add3A_1541, %select_n3A_1511 : vector<1x196xi1>, vector<1x196xi32>
    %eq3A_1567 = arith.constant 5 : i32
    %eq3A_1568 = vector.broadcast %eq3A_1567 : i32 to vector<1x196xi32>
    %eq3A_1569 = arith.cmpi eq, %add3A_1537, %eq3A_1568 : vector<1x196xi32>
    %and3A_1570 = arith.andi %slice3A_1538, %eq3A_1569 : vector<1x196xi1>
    %select_n3A_1571 = arith.select %and3A_1570, %add3A_1541, %select_n3A_1516 : vector<1x196xi1>, vector<1x196xi32>
    %eq3A_1572 = arith.constant 6 : i32
    %eq3A_1573 = vector.broadcast %eq3A_1572 : i32 to vector<1x196xi32>
    %eq3A_1574 = arith.cmpi eq, %add3A_1537, %eq3A_1573 : vector<1x196xi32>
    %and3A_1575 = arith.andi %slice3A_1538, %eq3A_1574 : vector<1x196xi1>
    %select_n3A_1576 = arith.select %and3A_1575, %add3A_1541, %select_n3A_1521 : vector<1x196xi1>, vector<1x196xi32>
    %eq3A_1577 = arith.constant 7 : i32
    %eq3A_1578 = vector.broadcast %eq3A_1577 : i32 to vector<1x196xi32>
    %eq3A_1579 = arith.cmpi eq, %add3A_1537, %eq3A_1578 : vector<1x196xi32>
    %and3A_1580 = arith.andi %slice3A_1538, %eq3A_1579 : vector<1x196xi1>
    %select_n3A_1581 = arith.select %and3A_1580, %add3A_1541, %select_n3A_1526 : vector<1x196xi1>, vector<1x196xi32>
    %eq3A_1582 = arith.constant 8 : i32
    %eq3A_1583 = vector.broadcast %eq3A_1582 : i32 to vector<1x196xi32>
    %eq3A_1584 = arith.cmpi eq, %add3A_1537, %eq3A_1583 : vector<1x196xi32>
    %and3A_1585 = arith.andi %slice3A_1538, %eq3A_1584 : vector<1x196xi1>
    %select_n3A_1586 = arith.select %and3A_1585, %add3A_1541, %select_n3A_1531 : vector<1x196xi1>, vector<1x196xi32>
    %jit3A_1587 = arith.constant 1 : i32
    %jit3A_1588 = arith.constant 0 : i32
    %broadcast_in_dim3A_1589 = vector.broadcast %jit3A_1587 : i32 to vector<1x196xi32>
    %broadcast_in_dim3A_1590 = vector.broadcast %jit3A_1588 : i32 to vector<1x196xi32>
    %select_n3A_1591 = arith.select %slice3A_1538, %broadcast_in_dim3A_1589, %broadcast_in_dim3A_1590 : vector<1x196xi1>, vector<1x196xi32>
    %add3A_1592 = arith.addi %add3A_1537, %select_n3A_1591 : vector<1x196xi32>
    %slice3A_1593 = vector.extract_strided_slice %or3A_1132 {offsets = [8, 0], sizes = [1, 196], strides = [1, 1]} : vector<25x196xi1> to vector<1x196xi1>
    %add3A_1594 = arith.constant -13 : i32
    %add3A_1595 = vector.broadcast %add3A_1594 : i32 to vector<1x196xi32>
    %add3A_1596 = arith.addi %iota3A_1133, %add3A_1595 : vector<1x196xi32>
    %eq3A_1597 = arith.constant 0 : i32
    %eq3A_1598 = vector.broadcast %eq3A_1597 : i32 to vector<1x196xi32>
    %eq3A_1599 = arith.cmpi eq, %add3A_1592, %eq3A_1598 : vector<1x196xi32>
    %and3A_1600 = arith.andi %slice3A_1593, %eq3A_1599 : vector<1x196xi1>
    %select_n3A_1601 = arith.select %and3A_1600, %add3A_1596, %select_n3A_1546 : vector<1x196xi1>, vector<1x196xi32>
    %eq3A_1602 = arith.constant 1 : i32
    %eq3A_1603 = vector.broadcast %eq3A_1602 : i32 to vector<1x196xi32>
    %eq3A_1604 = arith.cmpi eq, %add3A_1592, %eq3A_1603 : vector<1x196xi32>
    %and3A_1605 = arith.andi %slice3A_1593, %eq3A_1604 : vector<1x196xi1>
    %select_n3A_1606 = arith.select %and3A_1605, %add3A_1596, %select_n3A_1551 : vector<1x196xi1>, vector<1x196xi32>
    %eq3A_1607 = arith.constant 2 : i32
    %eq3A_1608 = vector.broadcast %eq3A_1607 : i32 to vector<1x196xi32>
    %eq3A_1609 = arith.cmpi eq, %add3A_1592, %eq3A_1608 : vector<1x196xi32>
    %and3A_1610 = arith.andi %slice3A_1593, %eq3A_1609 : vector<1x196xi1>
    %select_n3A_1611 = arith.select %and3A_1610, %add3A_1596, %select_n3A_1556 : vector<1x196xi1>, vector<1x196xi32>
    %eq3A_1612 = arith.constant 3 : i32
    %eq3A_1613 = vector.broadcast %eq3A_1612 : i32 to vector<1x196xi32>
    %eq3A_1614 = arith.cmpi eq, %add3A_1592, %eq3A_1613 : vector<1x196xi32>
    %and3A_1615 = arith.andi %slice3A_1593, %eq3A_1614 : vector<1x196xi1>
    %select_n3A_1616 = arith.select %and3A_1615, %add3A_1596, %select_n3A_1561 : vector<1x196xi1>, vector<1x196xi32>
    %eq3A_1617 = arith.constant 4 : i32
    %eq3A_1618 = vector.broadcast %eq3A_1617 : i32 to vector<1x196xi32>
    %eq3A_1619 = arith.cmpi eq, %add3A_1592, %eq3A_1618 : vector<1x196xi32>
    %and3A_1620 = arith.andi %slice3A_1593, %eq3A_1619 : vector<1x196xi1>
    %select_n3A_1621 = arith.select %and3A_1620, %add3A_1596, %select_n3A_1566 : vector<1x196xi1>, vector<1x196xi32>
    %eq3A_1622 = arith.constant 5 : i32
    %eq3A_1623 = vector.broadcast %eq3A_1622 : i32 to vector<1x196xi32>
    %eq3A_1624 = arith.cmpi eq, %add3A_1592, %eq3A_1623 : vector<1x196xi32>
    %and3A_1625 = arith.andi %slice3A_1593, %eq3A_1624 : vector<1x196xi1>
    %select_n3A_1626 = arith.select %and3A_1625, %add3A_1596, %select_n3A_1571 : vector<1x196xi1>, vector<1x196xi32>
    %eq3A_1627 = arith.constant 6 : i32
    %eq3A_1628 = vector.broadcast %eq3A_1627 : i32 to vector<1x196xi32>
    %eq3A_1629 = arith.cmpi eq, %add3A_1592, %eq3A_1628 : vector<1x196xi32>
    %and3A_1630 = arith.andi %slice3A_1593, %eq3A_1629 : vector<1x196xi1>
    %select_n3A_1631 = arith.select %and3A_1630, %add3A_1596, %select_n3A_1576 : vector<1x196xi1>, vector<1x196xi32>
    %eq3A_1632 = arith.constant 7 : i32
    %eq3A_1633 = vector.broadcast %eq3A_1632 : i32 to vector<1x196xi32>
    %eq3A_1634 = arith.cmpi eq, %add3A_1592, %eq3A_1633 : vector<1x196xi32>
    %and3A_1635 = arith.andi %slice3A_1593, %eq3A_1634 : vector<1x196xi1>
    %select_n3A_1636 = arith.select %and3A_1635, %add3A_1596, %select_n3A_1581 : vector<1x196xi1>, vector<1x196xi32>
    %eq3A_1637 = arith.constant 8 : i32
    %eq3A_1638 = vector.broadcast %eq3A_1637 : i32 to vector<1x196xi32>
    %eq3A_1639 = arith.cmpi eq, %add3A_1592, %eq3A_1638 : vector<1x196xi32>
    %and3A_1640 = arith.andi %slice3A_1593, %eq3A_1639 : vector<1x196xi1>
    %select_n3A_1641 = arith.select %and3A_1640, %add3A_1596, %select_n3A_1586 : vector<1x196xi1>, vector<1x196xi32>
    %jit3A_1642 = arith.constant 1 : i32
    %jit3A_1643 = arith.constant 0 : i32
    %broadcast_in_dim3A_1644 = vector.broadcast %jit3A_1642 : i32 to vector<1x196xi32>
    %broadcast_in_dim3A_1645 = vector.broadcast %jit3A_1643 : i32 to vector<1x196xi32>
    %select_n3A_1646 = arith.select %slice3A_1593, %broadcast_in_dim3A_1644, %broadcast_in_dim3A_1645 : vector<1x196xi1>, vector<1x196xi32>
    %add3A_1647 = arith.addi %add3A_1592, %select_n3A_1646 : vector<1x196xi32>
    %slice3A_1648 = vector.extract_strided_slice %or3A_1132 {offsets = [9, 0], sizes = [1, 196], strides = [1, 1]} : vector<25x196xi1> to vector<1x196xi1>
    %add3A_1649 = arith.constant -12 : i32
    %add3A_1650 = vector.broadcast %add3A_1649 : i32 to vector<1x196xi32>
    %add3A_1651 = arith.addi %iota3A_1133, %add3A_1650 : vector<1x196xi32>
    %eq3A_1652 = arith.constant 0 : i32
    %eq3A_1653 = vector.broadcast %eq3A_1652 : i32 to vector<1x196xi32>
    %eq3A_1654 = arith.cmpi eq, %add3A_1647, %eq3A_1653 : vector<1x196xi32>
    %and3A_1655 = arith.andi %slice3A_1648, %eq3A_1654 : vector<1x196xi1>
    %select_n3A_1656 = arith.select %and3A_1655, %add3A_1651, %select_n3A_1601 : vector<1x196xi1>, vector<1x196xi32>
    %eq3A_1657 = arith.constant 1 : i32
    %eq3A_1658 = vector.broadcast %eq3A_1657 : i32 to vector<1x196xi32>
    %eq3A_1659 = arith.cmpi eq, %add3A_1647, %eq3A_1658 : vector<1x196xi32>
    %and3A_1660 = arith.andi %slice3A_1648, %eq3A_1659 : vector<1x196xi1>
    %select_n3A_1661 = arith.select %and3A_1660, %add3A_1651, %select_n3A_1606 : vector<1x196xi1>, vector<1x196xi32>
    %eq3A_1662 = arith.constant 2 : i32
    %eq3A_1663 = vector.broadcast %eq3A_1662 : i32 to vector<1x196xi32>
    %eq3A_1664 = arith.cmpi eq, %add3A_1647, %eq3A_1663 : vector<1x196xi32>
    %and3A_1665 = arith.andi %slice3A_1648, %eq3A_1664 : vector<1x196xi1>
    %select_n3A_1666 = arith.select %and3A_1665, %add3A_1651, %select_n3A_1611 : vector<1x196xi1>, vector<1x196xi32>
    %eq3A_1667 = arith.constant 3 : i32
    %eq3A_1668 = vector.broadcast %eq3A_1667 : i32 to vector<1x196xi32>
    %eq3A_1669 = arith.cmpi eq, %add3A_1647, %eq3A_1668 : vector<1x196xi32>
    %and3A_1670 = arith.andi %slice3A_1648, %eq3A_1669 : vector<1x196xi1>
    %select_n3A_1671 = arith.select %and3A_1670, %add3A_1651, %select_n3A_1616 : vector<1x196xi1>, vector<1x196xi32>
    %eq3A_1672 = arith.constant 4 : i32
    %eq3A_1673 = vector.broadcast %eq3A_1672 : i32 to vector<1x196xi32>
    %eq3A_1674 = arith.cmpi eq, %add3A_1647, %eq3A_1673 : vector<1x196xi32>
    %and3A_1675 = arith.andi %slice3A_1648, %eq3A_1674 : vector<1x196xi1>
    %select_n3A_1676 = arith.select %and3A_1675, %add3A_1651, %select_n3A_1621 : vector<1x196xi1>, vector<1x196xi32>
    %eq3A_1677 = arith.constant 5 : i32
    %eq3A_1678 = vector.broadcast %eq3A_1677 : i32 to vector<1x196xi32>
    %eq3A_1679 = arith.cmpi eq, %add3A_1647, %eq3A_1678 : vector<1x196xi32>
    %and3A_1680 = arith.andi %slice3A_1648, %eq3A_1679 : vector<1x196xi1>
    %select_n3A_1681 = arith.select %and3A_1680, %add3A_1651, %select_n3A_1626 : vector<1x196xi1>, vector<1x196xi32>
    %eq3A_1682 = arith.constant 6 : i32
    %eq3A_1683 = vector.broadcast %eq3A_1682 : i32 to vector<1x196xi32>
    %eq3A_1684 = arith.cmpi eq, %add3A_1647, %eq3A_1683 : vector<1x196xi32>
    %and3A_1685 = arith.andi %slice3A_1648, %eq3A_1684 : vector<1x196xi1>
    %select_n3A_1686 = arith.select %and3A_1685, %add3A_1651, %select_n3A_1631 : vector<1x196xi1>, vector<1x196xi32>
    %eq3A_1687 = arith.constant 7 : i32
    %eq3A_1688 = vector.broadcast %eq3A_1687 : i32 to vector<1x196xi32>
    %eq3A_1689 = arith.cmpi eq, %add3A_1647, %eq3A_1688 : vector<1x196xi32>
    %and3A_1690 = arith.andi %slice3A_1648, %eq3A_1689 : vector<1x196xi1>
    %select_n3A_1691 = arith.select %and3A_1690, %add3A_1651, %select_n3A_1636 : vector<1x196xi1>, vector<1x196xi32>
    %eq3A_1692 = arith.constant 8 : i32
    %eq3A_1693 = vector.broadcast %eq3A_1692 : i32 to vector<1x196xi32>
    %eq3A_1694 = arith.cmpi eq, %add3A_1647, %eq3A_1693 : vector<1x196xi32>
    %and3A_1695 = arith.andi %slice3A_1648, %eq3A_1694 : vector<1x196xi1>
    %select_n3A_1696 = arith.select %and3A_1695, %add3A_1651, %select_n3A_1641 : vector<1x196xi1>, vector<1x196xi32>
    %jit3A_1697 = arith.constant 1 : i32
    %jit3A_1698 = arith.constant 0 : i32
    %broadcast_in_dim3A_1699 = vector.broadcast %jit3A_1697 : i32 to vector<1x196xi32>
    %broadcast_in_dim3A_1700 = vector.broadcast %jit3A_1698 : i32 to vector<1x196xi32>
    %select_n3A_1701 = arith.select %slice3A_1648, %broadcast_in_dim3A_1699, %broadcast_in_dim3A_1700 : vector<1x196xi1>, vector<1x196xi32>
    %add3A_1702 = arith.addi %add3A_1647, %select_n3A_1701 : vector<1x196xi32>
    %slice3A_1703 = vector.extract_strided_slice %or3A_1132 {offsets = [10, 0], sizes = [1, 196], strides = [1, 1]} : vector<25x196xi1> to vector<1x196xi1>
    %add3A_1704 = arith.constant -2 : i32
    %add3A_1705 = vector.broadcast %add3A_1704 : i32 to vector<1x196xi32>
    %add3A_1706 = arith.addi %iota3A_1133, %add3A_1705 : vector<1x196xi32>
    %eq3A_1707 = arith.constant 0 : i32
    %eq3A_1708 = vector.broadcast %eq3A_1707 : i32 to vector<1x196xi32>
    %eq3A_1709 = arith.cmpi eq, %add3A_1702, %eq3A_1708 : vector<1x196xi32>
    %and3A_1710 = arith.andi %slice3A_1703, %eq3A_1709 : vector<1x196xi1>
    %select_n3A_1711 = arith.select %and3A_1710, %add3A_1706, %select_n3A_1656 : vector<1x196xi1>, vector<1x196xi32>
    %eq3A_1712 = arith.constant 1 : i32
    %eq3A_1713 = vector.broadcast %eq3A_1712 : i32 to vector<1x196xi32>
    %eq3A_1714 = arith.cmpi eq, %add3A_1702, %eq3A_1713 : vector<1x196xi32>
    %and3A_1715 = arith.andi %slice3A_1703, %eq3A_1714 : vector<1x196xi1>
    %select_n3A_1716 = arith.select %and3A_1715, %add3A_1706, %select_n3A_1661 : vector<1x196xi1>, vector<1x196xi32>
    %eq3A_1717 = arith.constant 2 : i32
    %eq3A_1718 = vector.broadcast %eq3A_1717 : i32 to vector<1x196xi32>
    %eq3A_1719 = arith.cmpi eq, %add3A_1702, %eq3A_1718 : vector<1x196xi32>
    %and3A_1720 = arith.andi %slice3A_1703, %eq3A_1719 : vector<1x196xi1>
    %select_n3A_1721 = arith.select %and3A_1720, %add3A_1706, %select_n3A_1666 : vector<1x196xi1>, vector<1x196xi32>
    %eq3A_1722 = arith.constant 3 : i32
    %eq3A_1723 = vector.broadcast %eq3A_1722 : i32 to vector<1x196xi32>
    %eq3A_1724 = arith.cmpi eq, %add3A_1702, %eq3A_1723 : vector<1x196xi32>
    %and3A_1725 = arith.andi %slice3A_1703, %eq3A_1724 : vector<1x196xi1>
    %select_n3A_1726 = arith.select %and3A_1725, %add3A_1706, %select_n3A_1671 : vector<1x196xi1>, vector<1x196xi32>
    %eq3A_1727 = arith.constant 4 : i32
    %eq3A_1728 = vector.broadcast %eq3A_1727 : i32 to vector<1x196xi32>
    %eq3A_1729 = arith.cmpi eq, %add3A_1702, %eq3A_1728 : vector<1x196xi32>
    %and3A_1730 = arith.andi %slice3A_1703, %eq3A_1729 : vector<1x196xi1>
    %select_n3A_1731 = arith.select %and3A_1730, %add3A_1706, %select_n3A_1676 : vector<1x196xi1>, vector<1x196xi32>
    %eq3A_1732 = arith.constant 5 : i32
    %eq3A_1733 = vector.broadcast %eq3A_1732 : i32 to vector<1x196xi32>
    %eq3A_1734 = arith.cmpi eq, %add3A_1702, %eq3A_1733 : vector<1x196xi32>
    %and3A_1735 = arith.andi %slice3A_1703, %eq3A_1734 : vector<1x196xi1>
    %select_n3A_1736 = arith.select %and3A_1735, %add3A_1706, %select_n3A_1681 : vector<1x196xi1>, vector<1x196xi32>
    %eq3A_1737 = arith.constant 6 : i32
    %eq3A_1738 = vector.broadcast %eq3A_1737 : i32 to vector<1x196xi32>
    %eq3A_1739 = arith.cmpi eq, %add3A_1702, %eq3A_1738 : vector<1x196xi32>
    %and3A_1740 = arith.andi %slice3A_1703, %eq3A_1739 : vector<1x196xi1>
    %select_n3A_1741 = arith.select %and3A_1740, %add3A_1706, %select_n3A_1686 : vector<1x196xi1>, vector<1x196xi32>
    %eq3A_1742 = arith.constant 7 : i32
    %eq3A_1743 = vector.broadcast %eq3A_1742 : i32 to vector<1x196xi32>
    %eq3A_1744 = arith.cmpi eq, %add3A_1702, %eq3A_1743 : vector<1x196xi32>
    %and3A_1745 = arith.andi %slice3A_1703, %eq3A_1744 : vector<1x196xi1>
    %select_n3A_1746 = arith.select %and3A_1745, %add3A_1706, %select_n3A_1691 : vector<1x196xi1>, vector<1x196xi32>
    %eq3A_1747 = arith.constant 8 : i32
    %eq3A_1748 = vector.broadcast %eq3A_1747 : i32 to vector<1x196xi32>
    %eq3A_1749 = arith.cmpi eq, %add3A_1702, %eq3A_1748 : vector<1x196xi32>
    %and3A_1750 = arith.andi %slice3A_1703, %eq3A_1749 : vector<1x196xi1>
    %select_n3A_1751 = arith.select %and3A_1750, %add3A_1706, %select_n3A_1696 : vector<1x196xi1>, vector<1x196xi32>
    %jit3A_1752 = arith.constant 1 : i32
    %jit3A_1753 = arith.constant 0 : i32
    %broadcast_in_dim3A_1754 = vector.broadcast %jit3A_1752 : i32 to vector<1x196xi32>
    %broadcast_in_dim3A_1755 = vector.broadcast %jit3A_1753 : i32 to vector<1x196xi32>
    %select_n3A_1756 = arith.select %slice3A_1703, %broadcast_in_dim3A_1754, %broadcast_in_dim3A_1755 : vector<1x196xi1>, vector<1x196xi32>
    %add3A_1757 = arith.addi %add3A_1702, %select_n3A_1756 : vector<1x196xi32>
    %slice3A_1758 = vector.extract_strided_slice %or3A_1132 {offsets = [11, 0], sizes = [1, 196], strides = [1, 1]} : vector<25x196xi1> to vector<1x196xi1>
    %add3A_1759 = arith.constant -1 : i32
    %add3A_1760 = vector.broadcast %add3A_1759 : i32 to vector<1x196xi32>
    %add3A_1761 = arith.addi %iota3A_1133, %add3A_1760 : vector<1x196xi32>
    %eq3A_1762 = arith.constant 0 : i32
    %eq3A_1763 = vector.broadcast %eq3A_1762 : i32 to vector<1x196xi32>
    %eq3A_1764 = arith.cmpi eq, %add3A_1757, %eq3A_1763 : vector<1x196xi32>
    %and3A_1765 = arith.andi %slice3A_1758, %eq3A_1764 : vector<1x196xi1>
    %select_n3A_1766 = arith.select %and3A_1765, %add3A_1761, %select_n3A_1711 : vector<1x196xi1>, vector<1x196xi32>
    %eq3A_1767 = arith.constant 1 : i32
    %eq3A_1768 = vector.broadcast %eq3A_1767 : i32 to vector<1x196xi32>
    %eq3A_1769 = arith.cmpi eq, %add3A_1757, %eq3A_1768 : vector<1x196xi32>
    %and3A_1770 = arith.andi %slice3A_1758, %eq3A_1769 : vector<1x196xi1>
    %select_n3A_1771 = arith.select %and3A_1770, %add3A_1761, %select_n3A_1716 : vector<1x196xi1>, vector<1x196xi32>
    %eq3A_1772 = arith.constant 2 : i32
    %eq3A_1773 = vector.broadcast %eq3A_1772 : i32 to vector<1x196xi32>
    %eq3A_1774 = arith.cmpi eq, %add3A_1757, %eq3A_1773 : vector<1x196xi32>
    %and3A_1775 = arith.andi %slice3A_1758, %eq3A_1774 : vector<1x196xi1>
    %select_n3A_1776 = arith.select %and3A_1775, %add3A_1761, %select_n3A_1721 : vector<1x196xi1>, vector<1x196xi32>
    %eq3A_1777 = arith.constant 3 : i32
    %eq3A_1778 = vector.broadcast %eq3A_1777 : i32 to vector<1x196xi32>
    %eq3A_1779 = arith.cmpi eq, %add3A_1757, %eq3A_1778 : vector<1x196xi32>
    %and3A_1780 = arith.andi %slice3A_1758, %eq3A_1779 : vector<1x196xi1>
    %select_n3A_1781 = arith.select %and3A_1780, %add3A_1761, %select_n3A_1726 : vector<1x196xi1>, vector<1x196xi32>
    %eq3A_1782 = arith.constant 4 : i32
    %eq3A_1783 = vector.broadcast %eq3A_1782 : i32 to vector<1x196xi32>
    %eq3A_1784 = arith.cmpi eq, %add3A_1757, %eq3A_1783 : vector<1x196xi32>
    %and3A_1785 = arith.andi %slice3A_1758, %eq3A_1784 : vector<1x196xi1>
    %select_n3A_1786 = arith.select %and3A_1785, %add3A_1761, %select_n3A_1731 : vector<1x196xi1>, vector<1x196xi32>
    %eq3A_1787 = arith.constant 5 : i32
    %eq3A_1788 = vector.broadcast %eq3A_1787 : i32 to vector<1x196xi32>
    %eq3A_1789 = arith.cmpi eq, %add3A_1757, %eq3A_1788 : vector<1x196xi32>
    %and3A_1790 = arith.andi %slice3A_1758, %eq3A_1789 : vector<1x196xi1>
    %select_n3A_1791 = arith.select %and3A_1790, %add3A_1761, %select_n3A_1736 : vector<1x196xi1>, vector<1x196xi32>
    %eq3A_1792 = arith.constant 6 : i32
    %eq3A_1793 = vector.broadcast %eq3A_1792 : i32 to vector<1x196xi32>
    %eq3A_1794 = arith.cmpi eq, %add3A_1757, %eq3A_1793 : vector<1x196xi32>
    %and3A_1795 = arith.andi %slice3A_1758, %eq3A_1794 : vector<1x196xi1>
    %select_n3A_1796 = arith.select %and3A_1795, %add3A_1761, %select_n3A_1741 : vector<1x196xi1>, vector<1x196xi32>
    %eq3A_1797 = arith.constant 7 : i32
    %eq3A_1798 = vector.broadcast %eq3A_1797 : i32 to vector<1x196xi32>
    %eq3A_1799 = arith.cmpi eq, %add3A_1757, %eq3A_1798 : vector<1x196xi32>
    %and3A_1800 = arith.andi %slice3A_1758, %eq3A_1799 : vector<1x196xi1>
    %select_n3A_1801 = arith.select %and3A_1800, %add3A_1761, %select_n3A_1746 : vector<1x196xi1>, vector<1x196xi32>
    %eq3A_1802 = arith.constant 8 : i32
    %eq3A_1803 = vector.broadcast %eq3A_1802 : i32 to vector<1x196xi32>
    %eq3A_1804 = arith.cmpi eq, %add3A_1757, %eq3A_1803 : vector<1x196xi32>
    %and3A_1805 = arith.andi %slice3A_1758, %eq3A_1804 : vector<1x196xi1>
    %select_n3A_1806 = arith.select %and3A_1805, %add3A_1761, %select_n3A_1751 : vector<1x196xi1>, vector<1x196xi32>
    %jit3A_1807 = arith.constant 1 : i32
    %jit3A_1808 = arith.constant 0 : i32
    %broadcast_in_dim3A_1809 = vector.broadcast %jit3A_1807 : i32 to vector<1x196xi32>
    %broadcast_in_dim3A_1810 = vector.broadcast %jit3A_1808 : i32 to vector<1x196xi32>
    %select_n3A_1811 = arith.select %slice3A_1758, %broadcast_in_dim3A_1809, %broadcast_in_dim3A_1810 : vector<1x196xi1>, vector<1x196xi32>
    %add3A_1812 = arith.addi %add3A_1757, %select_n3A_1811 : vector<1x196xi32>
    %slice3A_1813 = vector.extract_strided_slice %or3A_1132 {offsets = [12, 0], sizes = [1, 196], strides = [1, 1]} : vector<25x196xi1> to vector<1x196xi1>
    %add3A_1814 = arith.constant 0 : i32
    %add3A_1815 = vector.broadcast %add3A_1814 : i32 to vector<1x196xi32>
    %add3A_1816 = arith.addi %iota3A_1133, %add3A_1815 : vector<1x196xi32>
    %eq3A_1817 = arith.constant 0 : i32
    %eq3A_1818 = vector.broadcast %eq3A_1817 : i32 to vector<1x196xi32>
    %eq3A_1819 = arith.cmpi eq, %add3A_1812, %eq3A_1818 : vector<1x196xi32>
    %and3A_1820 = arith.andi %slice3A_1813, %eq3A_1819 : vector<1x196xi1>
    %select_n3A_1821 = arith.select %and3A_1820, %add3A_1816, %select_n3A_1766 : vector<1x196xi1>, vector<1x196xi32>
    %eq3A_1822 = arith.constant 1 : i32
    %eq3A_1823 = vector.broadcast %eq3A_1822 : i32 to vector<1x196xi32>
    %eq3A_1824 = arith.cmpi eq, %add3A_1812, %eq3A_1823 : vector<1x196xi32>
    %and3A_1825 = arith.andi %slice3A_1813, %eq3A_1824 : vector<1x196xi1>
    %select_n3A_1826 = arith.select %and3A_1825, %add3A_1816, %select_n3A_1771 : vector<1x196xi1>, vector<1x196xi32>
    %eq3A_1827 = arith.constant 2 : i32
    %eq3A_1828 = vector.broadcast %eq3A_1827 : i32 to vector<1x196xi32>
    %eq3A_1829 = arith.cmpi eq, %add3A_1812, %eq3A_1828 : vector<1x196xi32>
    %and3A_1830 = arith.andi %slice3A_1813, %eq3A_1829 : vector<1x196xi1>
    %select_n3A_1831 = arith.select %and3A_1830, %add3A_1816, %select_n3A_1776 : vector<1x196xi1>, vector<1x196xi32>
    %eq3A_1832 = arith.constant 3 : i32
    %eq3A_1833 = vector.broadcast %eq3A_1832 : i32 to vector<1x196xi32>
    %eq3A_1834 = arith.cmpi eq, %add3A_1812, %eq3A_1833 : vector<1x196xi32>
    %and3A_1835 = arith.andi %slice3A_1813, %eq3A_1834 : vector<1x196xi1>
    %select_n3A_1836 = arith.select %and3A_1835, %add3A_1816, %select_n3A_1781 : vector<1x196xi1>, vector<1x196xi32>
    %eq3A_1837 = arith.constant 4 : i32
    %eq3A_1838 = vector.broadcast %eq3A_1837 : i32 to vector<1x196xi32>
    %eq3A_1839 = arith.cmpi eq, %add3A_1812, %eq3A_1838 : vector<1x196xi32>
    %and3A_1840 = arith.andi %slice3A_1813, %eq3A_1839 : vector<1x196xi1>
    %select_n3A_1841 = arith.select %and3A_1840, %add3A_1816, %select_n3A_1786 : vector<1x196xi1>, vector<1x196xi32>
    %eq3A_1842 = arith.constant 5 : i32
    %eq3A_1843 = vector.broadcast %eq3A_1842 : i32 to vector<1x196xi32>
    %eq3A_1844 = arith.cmpi eq, %add3A_1812, %eq3A_1843 : vector<1x196xi32>
    %and3A_1845 = arith.andi %slice3A_1813, %eq3A_1844 : vector<1x196xi1>
    %select_n3A_1846 = arith.select %and3A_1845, %add3A_1816, %select_n3A_1791 : vector<1x196xi1>, vector<1x196xi32>
    %eq3A_1847 = arith.constant 6 : i32
    %eq3A_1848 = vector.broadcast %eq3A_1847 : i32 to vector<1x196xi32>
    %eq3A_1849 = arith.cmpi eq, %add3A_1812, %eq3A_1848 : vector<1x196xi32>
    %and3A_1850 = arith.andi %slice3A_1813, %eq3A_1849 : vector<1x196xi1>
    %select_n3A_1851 = arith.select %and3A_1850, %add3A_1816, %select_n3A_1796 : vector<1x196xi1>, vector<1x196xi32>
    %eq3A_1852 = arith.constant 7 : i32
    %eq3A_1853 = vector.broadcast %eq3A_1852 : i32 to vector<1x196xi32>
    %eq3A_1854 = arith.cmpi eq, %add3A_1812, %eq3A_1853 : vector<1x196xi32>
    %and3A_1855 = arith.andi %slice3A_1813, %eq3A_1854 : vector<1x196xi1>
    %select_n3A_1856 = arith.select %and3A_1855, %add3A_1816, %select_n3A_1801 : vector<1x196xi1>, vector<1x196xi32>
    %eq3A_1857 = arith.constant 8 : i32
    %eq3A_1858 = vector.broadcast %eq3A_1857 : i32 to vector<1x196xi32>
    %eq3A_1859 = arith.cmpi eq, %add3A_1812, %eq3A_1858 : vector<1x196xi32>
    %and3A_1860 = arith.andi %slice3A_1813, %eq3A_1859 : vector<1x196xi1>
    %select_n3A_1861 = arith.select %and3A_1860, %add3A_1816, %select_n3A_1806 : vector<1x196xi1>, vector<1x196xi32>
    %jit3A_1862 = arith.constant 1 : i32
    %jit3A_1863 = arith.constant 0 : i32
    %broadcast_in_dim3A_1864 = vector.broadcast %jit3A_1862 : i32 to vector<1x196xi32>
    %broadcast_in_dim3A_1865 = vector.broadcast %jit3A_1863 : i32 to vector<1x196xi32>
    %select_n3A_1866 = arith.select %slice3A_1813, %broadcast_in_dim3A_1864, %broadcast_in_dim3A_1865 : vector<1x196xi1>, vector<1x196xi32>
    %add3A_1867 = arith.addi %add3A_1812, %select_n3A_1866 : vector<1x196xi32>
    %slice3A_1868 = vector.extract_strided_slice %or3A_1132 {offsets = [13, 0], sizes = [1, 196], strides = [1, 1]} : vector<25x196xi1> to vector<1x196xi1>
    %add3A_1869 = arith.constant 1 : i32
    %add3A_1870 = vector.broadcast %add3A_1869 : i32 to vector<1x196xi32>
    %add3A_1871 = arith.addi %iota3A_1133, %add3A_1870 : vector<1x196xi32>
    %eq3A_1872 = arith.constant 0 : i32
    %eq3A_1873 = vector.broadcast %eq3A_1872 : i32 to vector<1x196xi32>
    %eq3A_1874 = arith.cmpi eq, %add3A_1867, %eq3A_1873 : vector<1x196xi32>
    %and3A_1875 = arith.andi %slice3A_1868, %eq3A_1874 : vector<1x196xi1>
    %select_n3A_1876 = arith.select %and3A_1875, %add3A_1871, %select_n3A_1821 : vector<1x196xi1>, vector<1x196xi32>
    %eq3A_1877 = arith.constant 1 : i32
    %eq3A_1878 = vector.broadcast %eq3A_1877 : i32 to vector<1x196xi32>
    %eq3A_1879 = arith.cmpi eq, %add3A_1867, %eq3A_1878 : vector<1x196xi32>
    %and3A_1880 = arith.andi %slice3A_1868, %eq3A_1879 : vector<1x196xi1>
    %select_n3A_1881 = arith.select %and3A_1880, %add3A_1871, %select_n3A_1826 : vector<1x196xi1>, vector<1x196xi32>
    %eq3A_1882 = arith.constant 2 : i32
    %eq3A_1883 = vector.broadcast %eq3A_1882 : i32 to vector<1x196xi32>
    %eq3A_1884 = arith.cmpi eq, %add3A_1867, %eq3A_1883 : vector<1x196xi32>
    %and3A_1885 = arith.andi %slice3A_1868, %eq3A_1884 : vector<1x196xi1>
    %select_n3A_1886 = arith.select %and3A_1885, %add3A_1871, %select_n3A_1831 : vector<1x196xi1>, vector<1x196xi32>
    %eq3A_1887 = arith.constant 3 : i32
    %eq3A_1888 = vector.broadcast %eq3A_1887 : i32 to vector<1x196xi32>
    %eq3A_1889 = arith.cmpi eq, %add3A_1867, %eq3A_1888 : vector<1x196xi32>
    %and3A_1890 = arith.andi %slice3A_1868, %eq3A_1889 : vector<1x196xi1>
    %select_n3A_1891 = arith.select %and3A_1890, %add3A_1871, %select_n3A_1836 : vector<1x196xi1>, vector<1x196xi32>
    %eq3A_1892 = arith.constant 4 : i32
    %eq3A_1893 = vector.broadcast %eq3A_1892 : i32 to vector<1x196xi32>
    %eq3A_1894 = arith.cmpi eq, %add3A_1867, %eq3A_1893 : vector<1x196xi32>
    %and3A_1895 = arith.andi %slice3A_1868, %eq3A_1894 : vector<1x196xi1>
    %select_n3A_1896 = arith.select %and3A_1895, %add3A_1871, %select_n3A_1841 : vector<1x196xi1>, vector<1x196xi32>
    %eq3A_1897 = arith.constant 5 : i32
    %eq3A_1898 = vector.broadcast %eq3A_1897 : i32 to vector<1x196xi32>
    %eq3A_1899 = arith.cmpi eq, %add3A_1867, %eq3A_1898 : vector<1x196xi32>
    %and3A_1900 = arith.andi %slice3A_1868, %eq3A_1899 : vector<1x196xi1>
    %select_n3A_1901 = arith.select %and3A_1900, %add3A_1871, %select_n3A_1846 : vector<1x196xi1>, vector<1x196xi32>
    %eq3A_1902 = arith.constant 6 : i32
    %eq3A_1903 = vector.broadcast %eq3A_1902 : i32 to vector<1x196xi32>
    %eq3A_1904 = arith.cmpi eq, %add3A_1867, %eq3A_1903 : vector<1x196xi32>
    %and3A_1905 = arith.andi %slice3A_1868, %eq3A_1904 : vector<1x196xi1>
    %select_n3A_1906 = arith.select %and3A_1905, %add3A_1871, %select_n3A_1851 : vector<1x196xi1>, vector<1x196xi32>
    %eq3A_1907 = arith.constant 7 : i32
    %eq3A_1908 = vector.broadcast %eq3A_1907 : i32 to vector<1x196xi32>
    %eq3A_1909 = arith.cmpi eq, %add3A_1867, %eq3A_1908 : vector<1x196xi32>
    %and3A_1910 = arith.andi %slice3A_1868, %eq3A_1909 : vector<1x196xi1>
    %select_n3A_1911 = arith.select %and3A_1910, %add3A_1871, %select_n3A_1856 : vector<1x196xi1>, vector<1x196xi32>
    %eq3A_1912 = arith.constant 8 : i32
    %eq3A_1913 = vector.broadcast %eq3A_1912 : i32 to vector<1x196xi32>
    %eq3A_1914 = arith.cmpi eq, %add3A_1867, %eq3A_1913 : vector<1x196xi32>
    %and3A_1915 = arith.andi %slice3A_1868, %eq3A_1914 : vector<1x196xi1>
    %select_n3A_1916 = arith.select %and3A_1915, %add3A_1871, %select_n3A_1861 : vector<1x196xi1>, vector<1x196xi32>
    %jit3A_1917 = arith.constant 1 : i32
    %jit3A_1918 = arith.constant 0 : i32
    %broadcast_in_dim3A_1919 = vector.broadcast %jit3A_1917 : i32 to vector<1x196xi32>
    %broadcast_in_dim3A_1920 = vector.broadcast %jit3A_1918 : i32 to vector<1x196xi32>
    %select_n3A_1921 = arith.select %slice3A_1868, %broadcast_in_dim3A_1919, %broadcast_in_dim3A_1920 : vector<1x196xi1>, vector<1x196xi32>
    %add3A_1922 = arith.addi %add3A_1867, %select_n3A_1921 : vector<1x196xi32>
    %slice3A_1923 = vector.extract_strided_slice %or3A_1132 {offsets = [14, 0], sizes = [1, 196], strides = [1, 1]} : vector<25x196xi1> to vector<1x196xi1>
    %add3A_1924 = arith.constant 2 : i32
    %add3A_1925 = vector.broadcast %add3A_1924 : i32 to vector<1x196xi32>
    %add3A_1926 = arith.addi %iota3A_1133, %add3A_1925 : vector<1x196xi32>
    %eq3A_1927 = arith.constant 0 : i32
    %eq3A_1928 = vector.broadcast %eq3A_1927 : i32 to vector<1x196xi32>
    %eq3A_1929 = arith.cmpi eq, %add3A_1922, %eq3A_1928 : vector<1x196xi32>
    %and3A_1930 = arith.andi %slice3A_1923, %eq3A_1929 : vector<1x196xi1>
    %select_n3A_1931 = arith.select %and3A_1930, %add3A_1926, %select_n3A_1876 : vector<1x196xi1>, vector<1x196xi32>
    %eq3A_1932 = arith.constant 1 : i32
    %eq3A_1933 = vector.broadcast %eq3A_1932 : i32 to vector<1x196xi32>
    %eq3A_1934 = arith.cmpi eq, %add3A_1922, %eq3A_1933 : vector<1x196xi32>
    %and3A_1935 = arith.andi %slice3A_1923, %eq3A_1934 : vector<1x196xi1>
    %select_n3A_1936 = arith.select %and3A_1935, %add3A_1926, %select_n3A_1881 : vector<1x196xi1>, vector<1x196xi32>
    %eq3A_1937 = arith.constant 2 : i32
    %eq3A_1938 = vector.broadcast %eq3A_1937 : i32 to vector<1x196xi32>
    %eq3A_1939 = arith.cmpi eq, %add3A_1922, %eq3A_1938 : vector<1x196xi32>
    %and3A_1940 = arith.andi %slice3A_1923, %eq3A_1939 : vector<1x196xi1>
    %select_n3A_1941 = arith.select %and3A_1940, %add3A_1926, %select_n3A_1886 : vector<1x196xi1>, vector<1x196xi32>
    %eq3A_1942 = arith.constant 3 : i32
    %eq3A_1943 = vector.broadcast %eq3A_1942 : i32 to vector<1x196xi32>
    %eq3A_1944 = arith.cmpi eq, %add3A_1922, %eq3A_1943 : vector<1x196xi32>
    %and3A_1945 = arith.andi %slice3A_1923, %eq3A_1944 : vector<1x196xi1>
    %select_n3A_1946 = arith.select %and3A_1945, %add3A_1926, %select_n3A_1891 : vector<1x196xi1>, vector<1x196xi32>
    %eq3A_1947 = arith.constant 4 : i32
    %eq3A_1948 = vector.broadcast %eq3A_1947 : i32 to vector<1x196xi32>
    %eq3A_1949 = arith.cmpi eq, %add3A_1922, %eq3A_1948 : vector<1x196xi32>
    %and3A_1950 = arith.andi %slice3A_1923, %eq3A_1949 : vector<1x196xi1>
    %select_n3A_1951 = arith.select %and3A_1950, %add3A_1926, %select_n3A_1896 : vector<1x196xi1>, vector<1x196xi32>
    %eq3A_1952 = arith.constant 5 : i32
    %eq3A_1953 = vector.broadcast %eq3A_1952 : i32 to vector<1x196xi32>
    %eq3A_1954 = arith.cmpi eq, %add3A_1922, %eq3A_1953 : vector<1x196xi32>
    %and3A_1955 = arith.andi %slice3A_1923, %eq3A_1954 : vector<1x196xi1>
    %select_n3A_1956 = arith.select %and3A_1955, %add3A_1926, %select_n3A_1901 : vector<1x196xi1>, vector<1x196xi32>
    %eq3A_1957 = arith.constant 6 : i32
    %eq3A_1958 = vector.broadcast %eq3A_1957 : i32 to vector<1x196xi32>
    %eq3A_1959 = arith.cmpi eq, %add3A_1922, %eq3A_1958 : vector<1x196xi32>
    %and3A_1960 = arith.andi %slice3A_1923, %eq3A_1959 : vector<1x196xi1>
    %select_n3A_1961 = arith.select %and3A_1960, %add3A_1926, %select_n3A_1906 : vector<1x196xi1>, vector<1x196xi32>
    %eq3A_1962 = arith.constant 7 : i32
    %eq3A_1963 = vector.broadcast %eq3A_1962 : i32 to vector<1x196xi32>
    %eq3A_1964 = arith.cmpi eq, %add3A_1922, %eq3A_1963 : vector<1x196xi32>
    %and3A_1965 = arith.andi %slice3A_1923, %eq3A_1964 : vector<1x196xi1>
    %select_n3A_1966 = arith.select %and3A_1965, %add3A_1926, %select_n3A_1911 : vector<1x196xi1>, vector<1x196xi32>
    %eq3A_1967 = arith.constant 8 : i32
    %eq3A_1968 = vector.broadcast %eq3A_1967 : i32 to vector<1x196xi32>
    %eq3A_1969 = arith.cmpi eq, %add3A_1922, %eq3A_1968 : vector<1x196xi32>
    %and3A_1970 = arith.andi %slice3A_1923, %eq3A_1969 : vector<1x196xi1>
    %select_n3A_1971 = arith.select %and3A_1970, %add3A_1926, %select_n3A_1916 : vector<1x196xi1>, vector<1x196xi32>
    %jit3A_1972 = arith.constant 1 : i32
    %jit3A_1973 = arith.constant 0 : i32
    %broadcast_in_dim3A_1974 = vector.broadcast %jit3A_1972 : i32 to vector<1x196xi32>
    %broadcast_in_dim3A_1975 = vector.broadcast %jit3A_1973 : i32 to vector<1x196xi32>
    %select_n3A_1976 = arith.select %slice3A_1923, %broadcast_in_dim3A_1974, %broadcast_in_dim3A_1975 : vector<1x196xi1>, vector<1x196xi32>
    %add3A_1977 = arith.addi %add3A_1922, %select_n3A_1976 : vector<1x196xi32>
    %slice3A_1978 = vector.extract_strided_slice %or3A_1132 {offsets = [15, 0], sizes = [1, 196], strides = [1, 1]} : vector<25x196xi1> to vector<1x196xi1>
    %add3A_1979 = arith.constant 12 : i32
    %add3A_1980 = vector.broadcast %add3A_1979 : i32 to vector<1x196xi32>
    %add3A_1981 = arith.addi %iota3A_1133, %add3A_1980 : vector<1x196xi32>
    %eq3A_1982 = arith.constant 0 : i32
    %eq3A_1983 = vector.broadcast %eq3A_1982 : i32 to vector<1x196xi32>
    %eq3A_1984 = arith.cmpi eq, %add3A_1977, %eq3A_1983 : vector<1x196xi32>
    %and3A_1985 = arith.andi %slice3A_1978, %eq3A_1984 : vector<1x196xi1>
    %select_n3A_1986 = arith.select %and3A_1985, %add3A_1981, %select_n3A_1931 : vector<1x196xi1>, vector<1x196xi32>
    %eq3A_1987 = arith.constant 1 : i32
    %eq3A_1988 = vector.broadcast %eq3A_1987 : i32 to vector<1x196xi32>
    %eq3A_1989 = arith.cmpi eq, %add3A_1977, %eq3A_1988 : vector<1x196xi32>
    %and3A_1990 = arith.andi %slice3A_1978, %eq3A_1989 : vector<1x196xi1>
    %select_n3A_1991 = arith.select %and3A_1990, %add3A_1981, %select_n3A_1936 : vector<1x196xi1>, vector<1x196xi32>
    %eq3A_1992 = arith.constant 2 : i32
    %eq3A_1993 = vector.broadcast %eq3A_1992 : i32 to vector<1x196xi32>
    %eq3A_1994 = arith.cmpi eq, %add3A_1977, %eq3A_1993 : vector<1x196xi32>
    %and3A_1995 = arith.andi %slice3A_1978, %eq3A_1994 : vector<1x196xi1>
    %select_n3A_1996 = arith.select %and3A_1995, %add3A_1981, %select_n3A_1941 : vector<1x196xi1>, vector<1x196xi32>
    %eq3A_1997 = arith.constant 3 : i32
    %eq3A_1998 = vector.broadcast %eq3A_1997 : i32 to vector<1x196xi32>
    %eq3A_1999 = arith.cmpi eq, %add3A_1977, %eq3A_1998 : vector<1x196xi32>
    %and3A_2000 = arith.andi %slice3A_1978, %eq3A_1999 : vector<1x196xi1>
    %select_n3A_2001 = arith.select %and3A_2000, %add3A_1981, %select_n3A_1946 : vector<1x196xi1>, vector<1x196xi32>
    %eq3A_2002 = arith.constant 4 : i32
    %eq3A_2003 = vector.broadcast %eq3A_2002 : i32 to vector<1x196xi32>
    %eq3A_2004 = arith.cmpi eq, %add3A_1977, %eq3A_2003 : vector<1x196xi32>
    %and3A_2005 = arith.andi %slice3A_1978, %eq3A_2004 : vector<1x196xi1>
    %select_n3A_2006 = arith.select %and3A_2005, %add3A_1981, %select_n3A_1951 : vector<1x196xi1>, vector<1x196xi32>
    %eq3A_2007 = arith.constant 5 : i32
    %eq3A_2008 = vector.broadcast %eq3A_2007 : i32 to vector<1x196xi32>
    %eq3A_2009 = arith.cmpi eq, %add3A_1977, %eq3A_2008 : vector<1x196xi32>
    %and3A_2010 = arith.andi %slice3A_1978, %eq3A_2009 : vector<1x196xi1>
    %select_n3A_2011 = arith.select %and3A_2010, %add3A_1981, %select_n3A_1956 : vector<1x196xi1>, vector<1x196xi32>
    %eq3A_2012 = arith.constant 6 : i32
    %eq3A_2013 = vector.broadcast %eq3A_2012 : i32 to vector<1x196xi32>
    %eq3A_2014 = arith.cmpi eq, %add3A_1977, %eq3A_2013 : vector<1x196xi32>
    %and3A_2015 = arith.andi %slice3A_1978, %eq3A_2014 : vector<1x196xi1>
    %select_n3A_2016 = arith.select %and3A_2015, %add3A_1981, %select_n3A_1961 : vector<1x196xi1>, vector<1x196xi32>
    %eq3A_2017 = arith.constant 7 : i32
    %eq3A_2018 = vector.broadcast %eq3A_2017 : i32 to vector<1x196xi32>
    %eq3A_2019 = arith.cmpi eq, %add3A_1977, %eq3A_2018 : vector<1x196xi32>
    %and3A_2020 = arith.andi %slice3A_1978, %eq3A_2019 : vector<1x196xi1>
    %select_n3A_2021 = arith.select %and3A_2020, %add3A_1981, %select_n3A_1966 : vector<1x196xi1>, vector<1x196xi32>
    %eq3A_2022 = arith.constant 8 : i32
    %eq3A_2023 = vector.broadcast %eq3A_2022 : i32 to vector<1x196xi32>
    %eq3A_2024 = arith.cmpi eq, %add3A_1977, %eq3A_2023 : vector<1x196xi32>
    %and3A_2025 = arith.andi %slice3A_1978, %eq3A_2024 : vector<1x196xi1>
    %select_n3A_2026 = arith.select %and3A_2025, %add3A_1981, %select_n3A_1971 : vector<1x196xi1>, vector<1x196xi32>
    %jit3A_2027 = arith.constant 1 : i32
    %jit3A_2028 = arith.constant 0 : i32
    %broadcast_in_dim3A_2029 = vector.broadcast %jit3A_2027 : i32 to vector<1x196xi32>
    %broadcast_in_dim3A_2030 = vector.broadcast %jit3A_2028 : i32 to vector<1x196xi32>
    %select_n3A_2031 = arith.select %slice3A_1978, %broadcast_in_dim3A_2029, %broadcast_in_dim3A_2030 : vector<1x196xi1>, vector<1x196xi32>
    %add3A_2032 = arith.addi %add3A_1977, %select_n3A_2031 : vector<1x196xi32>
    %slice3A_2033 = vector.extract_strided_slice %or3A_1132 {offsets = [16, 0], sizes = [1, 196], strides = [1, 1]} : vector<25x196xi1> to vector<1x196xi1>
    %add3A_2034 = arith.constant 13 : i32
    %add3A_2035 = vector.broadcast %add3A_2034 : i32 to vector<1x196xi32>
    %add3A_2036 = arith.addi %iota3A_1133, %add3A_2035 : vector<1x196xi32>
    %eq3A_2037 = arith.constant 0 : i32
    %eq3A_2038 = vector.broadcast %eq3A_2037 : i32 to vector<1x196xi32>
    %eq3A_2039 = arith.cmpi eq, %add3A_2032, %eq3A_2038 : vector<1x196xi32>
    %and3A_2040 = arith.andi %slice3A_2033, %eq3A_2039 : vector<1x196xi1>
    %select_n3A_2041 = arith.select %and3A_2040, %add3A_2036, %select_n3A_1986 : vector<1x196xi1>, vector<1x196xi32>
    %eq3A_2042 = arith.constant 1 : i32
    %eq3A_2043 = vector.broadcast %eq3A_2042 : i32 to vector<1x196xi32>
    %eq3A_2044 = arith.cmpi eq, %add3A_2032, %eq3A_2043 : vector<1x196xi32>
    %and3A_2045 = arith.andi %slice3A_2033, %eq3A_2044 : vector<1x196xi1>
    %select_n3A_2046 = arith.select %and3A_2045, %add3A_2036, %select_n3A_1991 : vector<1x196xi1>, vector<1x196xi32>
    %eq3A_2047 = arith.constant 2 : i32
    %eq3A_2048 = vector.broadcast %eq3A_2047 : i32 to vector<1x196xi32>
    %eq3A_2049 = arith.cmpi eq, %add3A_2032, %eq3A_2048 : vector<1x196xi32>
    %and3A_2050 = arith.andi %slice3A_2033, %eq3A_2049 : vector<1x196xi1>
    %select_n3A_2051 = arith.select %and3A_2050, %add3A_2036, %select_n3A_1996 : vector<1x196xi1>, vector<1x196xi32>
    %eq3A_2052 = arith.constant 3 : i32
    %eq3A_2053 = vector.broadcast %eq3A_2052 : i32 to vector<1x196xi32>
    %eq3A_2054 = arith.cmpi eq, %add3A_2032, %eq3A_2053 : vector<1x196xi32>
    %and3A_2055 = arith.andi %slice3A_2033, %eq3A_2054 : vector<1x196xi1>
    %select_n3A_2056 = arith.select %and3A_2055, %add3A_2036, %select_n3A_2001 : vector<1x196xi1>, vector<1x196xi32>
    %eq3A_2057 = arith.constant 4 : i32
    %eq3A_2058 = vector.broadcast %eq3A_2057 : i32 to vector<1x196xi32>
    %eq3A_2059 = arith.cmpi eq, %add3A_2032, %eq3A_2058 : vector<1x196xi32>
    %and3A_2060 = arith.andi %slice3A_2033, %eq3A_2059 : vector<1x196xi1>
    %select_n3A_2061 = arith.select %and3A_2060, %add3A_2036, %select_n3A_2006 : vector<1x196xi1>, vector<1x196xi32>
    %eq3A_2062 = arith.constant 5 : i32
    %eq3A_2063 = vector.broadcast %eq3A_2062 : i32 to vector<1x196xi32>
    %eq3A_2064 = arith.cmpi eq, %add3A_2032, %eq3A_2063 : vector<1x196xi32>
    %and3A_2065 = arith.andi %slice3A_2033, %eq3A_2064 : vector<1x196xi1>
    %select_n3A_2066 = arith.select %and3A_2065, %add3A_2036, %select_n3A_2011 : vector<1x196xi1>, vector<1x196xi32>
    %eq3A_2067 = arith.constant 6 : i32
    %eq3A_2068 = vector.broadcast %eq3A_2067 : i32 to vector<1x196xi32>
    %eq3A_2069 = arith.cmpi eq, %add3A_2032, %eq3A_2068 : vector<1x196xi32>
    %and3A_2070 = arith.andi %slice3A_2033, %eq3A_2069 : vector<1x196xi1>
    %select_n3A_2071 = arith.select %and3A_2070, %add3A_2036, %select_n3A_2016 : vector<1x196xi1>, vector<1x196xi32>
    %eq3A_2072 = arith.constant 7 : i32
    %eq3A_2073 = vector.broadcast %eq3A_2072 : i32 to vector<1x196xi32>
    %eq3A_2074 = arith.cmpi eq, %add3A_2032, %eq3A_2073 : vector<1x196xi32>
    %and3A_2075 = arith.andi %slice3A_2033, %eq3A_2074 : vector<1x196xi1>
    %select_n3A_2076 = arith.select %and3A_2075, %add3A_2036, %select_n3A_2021 : vector<1x196xi1>, vector<1x196xi32>
    %eq3A_2077 = arith.constant 8 : i32
    %eq3A_2078 = vector.broadcast %eq3A_2077 : i32 to vector<1x196xi32>
    %eq3A_2079 = arith.cmpi eq, %add3A_2032, %eq3A_2078 : vector<1x196xi32>
    %and3A_2080 = arith.andi %slice3A_2033, %eq3A_2079 : vector<1x196xi1>
    %select_n3A_2081 = arith.select %and3A_2080, %add3A_2036, %select_n3A_2026 : vector<1x196xi1>, vector<1x196xi32>
    %jit3A_2082 = arith.constant 1 : i32
    %jit3A_2083 = arith.constant 0 : i32
    %broadcast_in_dim3A_2084 = vector.broadcast %jit3A_2082 : i32 to vector<1x196xi32>
    %broadcast_in_dim3A_2085 = vector.broadcast %jit3A_2083 : i32 to vector<1x196xi32>
    %select_n3A_2086 = arith.select %slice3A_2033, %broadcast_in_dim3A_2084, %broadcast_in_dim3A_2085 : vector<1x196xi1>, vector<1x196xi32>
    %add3A_2087 = arith.addi %add3A_2032, %select_n3A_2086 : vector<1x196xi32>
    %slice3A_2088 = vector.extract_strided_slice %or3A_1132 {offsets = [17, 0], sizes = [1, 196], strides = [1, 1]} : vector<25x196xi1> to vector<1x196xi1>
    %add3A_2089 = arith.constant 14 : i32
    %add3A_2090 = vector.broadcast %add3A_2089 : i32 to vector<1x196xi32>
    %add3A_2091 = arith.addi %iota3A_1133, %add3A_2090 : vector<1x196xi32>
    %eq3A_2092 = arith.constant 0 : i32
    %eq3A_2093 = vector.broadcast %eq3A_2092 : i32 to vector<1x196xi32>
    %eq3A_2094 = arith.cmpi eq, %add3A_2087, %eq3A_2093 : vector<1x196xi32>
    %and3A_2095 = arith.andi %slice3A_2088, %eq3A_2094 : vector<1x196xi1>
    %select_n3A_2096 = arith.select %and3A_2095, %add3A_2091, %select_n3A_2041 : vector<1x196xi1>, vector<1x196xi32>
    %eq3A_2097 = arith.constant 1 : i32
    %eq3A_2098 = vector.broadcast %eq3A_2097 : i32 to vector<1x196xi32>
    %eq3A_2099 = arith.cmpi eq, %add3A_2087, %eq3A_2098 : vector<1x196xi32>
    %and3A_2100 = arith.andi %slice3A_2088, %eq3A_2099 : vector<1x196xi1>
    %select_n3A_2101 = arith.select %and3A_2100, %add3A_2091, %select_n3A_2046 : vector<1x196xi1>, vector<1x196xi32>
    %eq3A_2102 = arith.constant 2 : i32
    %eq3A_2103 = vector.broadcast %eq3A_2102 : i32 to vector<1x196xi32>
    %eq3A_2104 = arith.cmpi eq, %add3A_2087, %eq3A_2103 : vector<1x196xi32>
    %and3A_2105 = arith.andi %slice3A_2088, %eq3A_2104 : vector<1x196xi1>
    %select_n3A_2106 = arith.select %and3A_2105, %add3A_2091, %select_n3A_2051 : vector<1x196xi1>, vector<1x196xi32>
    %eq3A_2107 = arith.constant 3 : i32
    %eq3A_2108 = vector.broadcast %eq3A_2107 : i32 to vector<1x196xi32>
    %eq3A_2109 = arith.cmpi eq, %add3A_2087, %eq3A_2108 : vector<1x196xi32>
    %and3A_2110 = arith.andi %slice3A_2088, %eq3A_2109 : vector<1x196xi1>
    %select_n3A_2111 = arith.select %and3A_2110, %add3A_2091, %select_n3A_2056 : vector<1x196xi1>, vector<1x196xi32>
    %eq3A_2112 = arith.constant 4 : i32
    %eq3A_2113 = vector.broadcast %eq3A_2112 : i32 to vector<1x196xi32>
    %eq3A_2114 = arith.cmpi eq, %add3A_2087, %eq3A_2113 : vector<1x196xi32>
    %and3A_2115 = arith.andi %slice3A_2088, %eq3A_2114 : vector<1x196xi1>
    %select_n3A_2116 = arith.select %and3A_2115, %add3A_2091, %select_n3A_2061 : vector<1x196xi1>, vector<1x196xi32>
    %eq3A_2117 = arith.constant 5 : i32
    %eq3A_2118 = vector.broadcast %eq3A_2117 : i32 to vector<1x196xi32>
    %eq3A_2119 = arith.cmpi eq, %add3A_2087, %eq3A_2118 : vector<1x196xi32>
    %and3A_2120 = arith.andi %slice3A_2088, %eq3A_2119 : vector<1x196xi1>
    %select_n3A_2121 = arith.select %and3A_2120, %add3A_2091, %select_n3A_2066 : vector<1x196xi1>, vector<1x196xi32>
    %eq3A_2122 = arith.constant 6 : i32
    %eq3A_2123 = vector.broadcast %eq3A_2122 : i32 to vector<1x196xi32>
    %eq3A_2124 = arith.cmpi eq, %add3A_2087, %eq3A_2123 : vector<1x196xi32>
    %and3A_2125 = arith.andi %slice3A_2088, %eq3A_2124 : vector<1x196xi1>
    %select_n3A_2126 = arith.select %and3A_2125, %add3A_2091, %select_n3A_2071 : vector<1x196xi1>, vector<1x196xi32>
    %eq3A_2127 = arith.constant 7 : i32
    %eq3A_2128 = vector.broadcast %eq3A_2127 : i32 to vector<1x196xi32>
    %eq3A_2129 = arith.cmpi eq, %add3A_2087, %eq3A_2128 : vector<1x196xi32>
    %and3A_2130 = arith.andi %slice3A_2088, %eq3A_2129 : vector<1x196xi1>
    %select_n3A_2131 = arith.select %and3A_2130, %add3A_2091, %select_n3A_2076 : vector<1x196xi1>, vector<1x196xi32>
    %eq3A_2132 = arith.constant 8 : i32
    %eq3A_2133 = vector.broadcast %eq3A_2132 : i32 to vector<1x196xi32>
    %eq3A_2134 = arith.cmpi eq, %add3A_2087, %eq3A_2133 : vector<1x196xi32>
    %and3A_2135 = arith.andi %slice3A_2088, %eq3A_2134 : vector<1x196xi1>
    %select_n3A_2136 = arith.select %and3A_2135, %add3A_2091, %select_n3A_2081 : vector<1x196xi1>, vector<1x196xi32>
    %jit3A_2137 = arith.constant 1 : i32
    %jit3A_2138 = arith.constant 0 : i32
    %broadcast_in_dim3A_2139 = vector.broadcast %jit3A_2137 : i32 to vector<1x196xi32>
    %broadcast_in_dim3A_2140 = vector.broadcast %jit3A_2138 : i32 to vector<1x196xi32>
    %select_n3A_2141 = arith.select %slice3A_2088, %broadcast_in_dim3A_2139, %broadcast_in_dim3A_2140 : vector<1x196xi1>, vector<1x196xi32>
    %add3A_2142 = arith.addi %add3A_2087, %select_n3A_2141 : vector<1x196xi32>
    %slice3A_2143 = vector.extract_strided_slice %or3A_1132 {offsets = [18, 0], sizes = [1, 196], strides = [1, 1]} : vector<25x196xi1> to vector<1x196xi1>
    %add3A_2144 = arith.constant 15 : i32
    %add3A_2145 = vector.broadcast %add3A_2144 : i32 to vector<1x196xi32>
    %add3A_2146 = arith.addi %iota3A_1133, %add3A_2145 : vector<1x196xi32>
    %eq3A_2147 = arith.constant 0 : i32
    %eq3A_2148 = vector.broadcast %eq3A_2147 : i32 to vector<1x196xi32>
    %eq3A_2149 = arith.cmpi eq, %add3A_2142, %eq3A_2148 : vector<1x196xi32>
    %and3A_2150 = arith.andi %slice3A_2143, %eq3A_2149 : vector<1x196xi1>
    %select_n3A_2151 = arith.select %and3A_2150, %add3A_2146, %select_n3A_2096 : vector<1x196xi1>, vector<1x196xi32>
    %eq3A_2152 = arith.constant 1 : i32
    %eq3A_2153 = vector.broadcast %eq3A_2152 : i32 to vector<1x196xi32>
    %eq3A_2154 = arith.cmpi eq, %add3A_2142, %eq3A_2153 : vector<1x196xi32>
    %and3A_2155 = arith.andi %slice3A_2143, %eq3A_2154 : vector<1x196xi1>
    %select_n3A_2156 = arith.select %and3A_2155, %add3A_2146, %select_n3A_2101 : vector<1x196xi1>, vector<1x196xi32>
    %eq3A_2157 = arith.constant 2 : i32
    %eq3A_2158 = vector.broadcast %eq3A_2157 : i32 to vector<1x196xi32>
    %eq3A_2159 = arith.cmpi eq, %add3A_2142, %eq3A_2158 : vector<1x196xi32>
    %and3A_2160 = arith.andi %slice3A_2143, %eq3A_2159 : vector<1x196xi1>
    %select_n3A_2161 = arith.select %and3A_2160, %add3A_2146, %select_n3A_2106 : vector<1x196xi1>, vector<1x196xi32>
    %eq3A_2162 = arith.constant 3 : i32
    %eq3A_2163 = vector.broadcast %eq3A_2162 : i32 to vector<1x196xi32>
    %eq3A_2164 = arith.cmpi eq, %add3A_2142, %eq3A_2163 : vector<1x196xi32>
    %and3A_2165 = arith.andi %slice3A_2143, %eq3A_2164 : vector<1x196xi1>
    %select_n3A_2166 = arith.select %and3A_2165, %add3A_2146, %select_n3A_2111 : vector<1x196xi1>, vector<1x196xi32>
    %eq3A_2167 = arith.constant 4 : i32
    %eq3A_2168 = vector.broadcast %eq3A_2167 : i32 to vector<1x196xi32>
    %eq3A_2169 = arith.cmpi eq, %add3A_2142, %eq3A_2168 : vector<1x196xi32>
    %and3A_2170 = arith.andi %slice3A_2143, %eq3A_2169 : vector<1x196xi1>
    %select_n3A_2171 = arith.select %and3A_2170, %add3A_2146, %select_n3A_2116 : vector<1x196xi1>, vector<1x196xi32>
    %eq3A_2172 = arith.constant 5 : i32
    %eq3A_2173 = vector.broadcast %eq3A_2172 : i32 to vector<1x196xi32>
    %eq3A_2174 = arith.cmpi eq, %add3A_2142, %eq3A_2173 : vector<1x196xi32>
    %and3A_2175 = arith.andi %slice3A_2143, %eq3A_2174 : vector<1x196xi1>
    %select_n3A_2176 = arith.select %and3A_2175, %add3A_2146, %select_n3A_2121 : vector<1x196xi1>, vector<1x196xi32>
    %eq3A_2177 = arith.constant 6 : i32
    %eq3A_2178 = vector.broadcast %eq3A_2177 : i32 to vector<1x196xi32>
    %eq3A_2179 = arith.cmpi eq, %add3A_2142, %eq3A_2178 : vector<1x196xi32>
    %and3A_2180 = arith.andi %slice3A_2143, %eq3A_2179 : vector<1x196xi1>
    %select_n3A_2181 = arith.select %and3A_2180, %add3A_2146, %select_n3A_2126 : vector<1x196xi1>, vector<1x196xi32>
    %eq3A_2182 = arith.constant 7 : i32
    %eq3A_2183 = vector.broadcast %eq3A_2182 : i32 to vector<1x196xi32>
    %eq3A_2184 = arith.cmpi eq, %add3A_2142, %eq3A_2183 : vector<1x196xi32>
    %and3A_2185 = arith.andi %slice3A_2143, %eq3A_2184 : vector<1x196xi1>
    %select_n3A_2186 = arith.select %and3A_2185, %add3A_2146, %select_n3A_2131 : vector<1x196xi1>, vector<1x196xi32>
    %eq3A_2187 = arith.constant 8 : i32
    %eq3A_2188 = vector.broadcast %eq3A_2187 : i32 to vector<1x196xi32>
    %eq3A_2189 = arith.cmpi eq, %add3A_2142, %eq3A_2188 : vector<1x196xi32>
    %and3A_2190 = arith.andi %slice3A_2143, %eq3A_2189 : vector<1x196xi1>
    %select_n3A_2191 = arith.select %and3A_2190, %add3A_2146, %select_n3A_2136 : vector<1x196xi1>, vector<1x196xi32>
    %jit3A_2192 = arith.constant 1 : i32
    %jit3A_2193 = arith.constant 0 : i32
    %broadcast_in_dim3A_2194 = vector.broadcast %jit3A_2192 : i32 to vector<1x196xi32>
    %broadcast_in_dim3A_2195 = vector.broadcast %jit3A_2193 : i32 to vector<1x196xi32>
    %select_n3A_2196 = arith.select %slice3A_2143, %broadcast_in_dim3A_2194, %broadcast_in_dim3A_2195 : vector<1x196xi1>, vector<1x196xi32>
    %add3A_2197 = arith.addi %add3A_2142, %select_n3A_2196 : vector<1x196xi32>
    %slice3A_2198 = vector.extract_strided_slice %or3A_1132 {offsets = [19, 0], sizes = [1, 196], strides = [1, 1]} : vector<25x196xi1> to vector<1x196xi1>
    %add3A_2199 = arith.constant 16 : i32
    %add3A_2200 = vector.broadcast %add3A_2199 : i32 to vector<1x196xi32>
    %add3A_2201 = arith.addi %iota3A_1133, %add3A_2200 : vector<1x196xi32>
    %eq3A_2202 = arith.constant 0 : i32
    %eq3A_2203 = vector.broadcast %eq3A_2202 : i32 to vector<1x196xi32>
    %eq3A_2204 = arith.cmpi eq, %add3A_2197, %eq3A_2203 : vector<1x196xi32>
    %and3A_2205 = arith.andi %slice3A_2198, %eq3A_2204 : vector<1x196xi1>
    %select_n3A_2206 = arith.select %and3A_2205, %add3A_2201, %select_n3A_2151 : vector<1x196xi1>, vector<1x196xi32>
    %eq3A_2207 = arith.constant 1 : i32
    %eq3A_2208 = vector.broadcast %eq3A_2207 : i32 to vector<1x196xi32>
    %eq3A_2209 = arith.cmpi eq, %add3A_2197, %eq3A_2208 : vector<1x196xi32>
    %and3A_2210 = arith.andi %slice3A_2198, %eq3A_2209 : vector<1x196xi1>
    %select_n3A_2211 = arith.select %and3A_2210, %add3A_2201, %select_n3A_2156 : vector<1x196xi1>, vector<1x196xi32>
    %eq3A_2212 = arith.constant 2 : i32
    %eq3A_2213 = vector.broadcast %eq3A_2212 : i32 to vector<1x196xi32>
    %eq3A_2214 = arith.cmpi eq, %add3A_2197, %eq3A_2213 : vector<1x196xi32>
    %and3A_2215 = arith.andi %slice3A_2198, %eq3A_2214 : vector<1x196xi1>
    %select_n3A_2216 = arith.select %and3A_2215, %add3A_2201, %select_n3A_2161 : vector<1x196xi1>, vector<1x196xi32>
    %eq3A_2217 = arith.constant 3 : i32
    %eq3A_2218 = vector.broadcast %eq3A_2217 : i32 to vector<1x196xi32>
    %eq3A_2219 = arith.cmpi eq, %add3A_2197, %eq3A_2218 : vector<1x196xi32>
    %and3A_2220 = arith.andi %slice3A_2198, %eq3A_2219 : vector<1x196xi1>
    %select_n3A_2221 = arith.select %and3A_2220, %add3A_2201, %select_n3A_2166 : vector<1x196xi1>, vector<1x196xi32>
    %eq3A_2222 = arith.constant 4 : i32
    %eq3A_2223 = vector.broadcast %eq3A_2222 : i32 to vector<1x196xi32>
    %eq3A_2224 = arith.cmpi eq, %add3A_2197, %eq3A_2223 : vector<1x196xi32>
    %and3A_2225 = arith.andi %slice3A_2198, %eq3A_2224 : vector<1x196xi1>
    %select_n3A_2226 = arith.select %and3A_2225, %add3A_2201, %select_n3A_2171 : vector<1x196xi1>, vector<1x196xi32>
    %eq3A_2227 = arith.constant 5 : i32
    %eq3A_2228 = vector.broadcast %eq3A_2227 : i32 to vector<1x196xi32>
    %eq3A_2229 = arith.cmpi eq, %add3A_2197, %eq3A_2228 : vector<1x196xi32>
    %and3A_2230 = arith.andi %slice3A_2198, %eq3A_2229 : vector<1x196xi1>
    %select_n3A_2231 = arith.select %and3A_2230, %add3A_2201, %select_n3A_2176 : vector<1x196xi1>, vector<1x196xi32>
    %eq3A_2232 = arith.constant 6 : i32
    %eq3A_2233 = vector.broadcast %eq3A_2232 : i32 to vector<1x196xi32>
    %eq3A_2234 = arith.cmpi eq, %add3A_2197, %eq3A_2233 : vector<1x196xi32>
    %and3A_2235 = arith.andi %slice3A_2198, %eq3A_2234 : vector<1x196xi1>
    %select_n3A_2236 = arith.select %and3A_2235, %add3A_2201, %select_n3A_2181 : vector<1x196xi1>, vector<1x196xi32>
    %eq3A_2237 = arith.constant 7 : i32
    %eq3A_2238 = vector.broadcast %eq3A_2237 : i32 to vector<1x196xi32>
    %eq3A_2239 = arith.cmpi eq, %add3A_2197, %eq3A_2238 : vector<1x196xi32>
    %and3A_2240 = arith.andi %slice3A_2198, %eq3A_2239 : vector<1x196xi1>
    %select_n3A_2241 = arith.select %and3A_2240, %add3A_2201, %select_n3A_2186 : vector<1x196xi1>, vector<1x196xi32>
    %eq3A_2242 = arith.constant 8 : i32
    %eq3A_2243 = vector.broadcast %eq3A_2242 : i32 to vector<1x196xi32>
    %eq3A_2244 = arith.cmpi eq, %add3A_2197, %eq3A_2243 : vector<1x196xi32>
    %and3A_2245 = arith.andi %slice3A_2198, %eq3A_2244 : vector<1x196xi1>
    %select_n3A_2246 = arith.select %and3A_2245, %add3A_2201, %select_n3A_2191 : vector<1x196xi1>, vector<1x196xi32>
    %jit3A_2247 = arith.constant 1 : i32
    %jit3A_2248 = arith.constant 0 : i32
    %broadcast_in_dim3A_2249 = vector.broadcast %jit3A_2247 : i32 to vector<1x196xi32>
    %broadcast_in_dim3A_2250 = vector.broadcast %jit3A_2248 : i32 to vector<1x196xi32>
    %select_n3A_2251 = arith.select %slice3A_2198, %broadcast_in_dim3A_2249, %broadcast_in_dim3A_2250 : vector<1x196xi1>, vector<1x196xi32>
    %add3A_2252 = arith.addi %add3A_2197, %select_n3A_2251 : vector<1x196xi32>
    %slice3A_2253 = vector.extract_strided_slice %or3A_1132 {offsets = [20, 0], sizes = [1, 196], strides = [1, 1]} : vector<25x196xi1> to vector<1x196xi1>
    %add3A_2254 = arith.constant 26 : i32
    %add3A_2255 = vector.broadcast %add3A_2254 : i32 to vector<1x196xi32>
    %add3A_2256 = arith.addi %iota3A_1133, %add3A_2255 : vector<1x196xi32>
    %eq3A_2257 = arith.constant 0 : i32
    %eq3A_2258 = vector.broadcast %eq3A_2257 : i32 to vector<1x196xi32>
    %eq3A_2259 = arith.cmpi eq, %add3A_2252, %eq3A_2258 : vector<1x196xi32>
    %and3A_2260 = arith.andi %slice3A_2253, %eq3A_2259 : vector<1x196xi1>
    %select_n3A_2261 = arith.select %and3A_2260, %add3A_2256, %select_n3A_2206 : vector<1x196xi1>, vector<1x196xi32>
    %eq3A_2262 = arith.constant 1 : i32
    %eq3A_2263 = vector.broadcast %eq3A_2262 : i32 to vector<1x196xi32>
    %eq3A_2264 = arith.cmpi eq, %add3A_2252, %eq3A_2263 : vector<1x196xi32>
    %and3A_2265 = arith.andi %slice3A_2253, %eq3A_2264 : vector<1x196xi1>
    %select_n3A_2266 = arith.select %and3A_2265, %add3A_2256, %select_n3A_2211 : vector<1x196xi1>, vector<1x196xi32>
    %eq3A_2267 = arith.constant 2 : i32
    %eq3A_2268 = vector.broadcast %eq3A_2267 : i32 to vector<1x196xi32>
    %eq3A_2269 = arith.cmpi eq, %add3A_2252, %eq3A_2268 : vector<1x196xi32>
    %and3A_2270 = arith.andi %slice3A_2253, %eq3A_2269 : vector<1x196xi1>
    %select_n3A_2271 = arith.select %and3A_2270, %add3A_2256, %select_n3A_2216 : vector<1x196xi1>, vector<1x196xi32>
    %eq3A_2272 = arith.constant 3 : i32
    %eq3A_2273 = vector.broadcast %eq3A_2272 : i32 to vector<1x196xi32>
    %eq3A_2274 = arith.cmpi eq, %add3A_2252, %eq3A_2273 : vector<1x196xi32>
    %and3A_2275 = arith.andi %slice3A_2253, %eq3A_2274 : vector<1x196xi1>
    %select_n3A_2276 = arith.select %and3A_2275, %add3A_2256, %select_n3A_2221 : vector<1x196xi1>, vector<1x196xi32>
    %eq3A_2277 = arith.constant 4 : i32
    %eq3A_2278 = vector.broadcast %eq3A_2277 : i32 to vector<1x196xi32>
    %eq3A_2279 = arith.cmpi eq, %add3A_2252, %eq3A_2278 : vector<1x196xi32>
    %and3A_2280 = arith.andi %slice3A_2253, %eq3A_2279 : vector<1x196xi1>
    %select_n3A_2281 = arith.select %and3A_2280, %add3A_2256, %select_n3A_2226 : vector<1x196xi1>, vector<1x196xi32>
    %eq3A_2282 = arith.constant 5 : i32
    %eq3A_2283 = vector.broadcast %eq3A_2282 : i32 to vector<1x196xi32>
    %eq3A_2284 = arith.cmpi eq, %add3A_2252, %eq3A_2283 : vector<1x196xi32>
    %and3A_2285 = arith.andi %slice3A_2253, %eq3A_2284 : vector<1x196xi1>
    %select_n3A_2286 = arith.select %and3A_2285, %add3A_2256, %select_n3A_2231 : vector<1x196xi1>, vector<1x196xi32>
    %eq3A_2287 = arith.constant 6 : i32
    %eq3A_2288 = vector.broadcast %eq3A_2287 : i32 to vector<1x196xi32>
    %eq3A_2289 = arith.cmpi eq, %add3A_2252, %eq3A_2288 : vector<1x196xi32>
    %and3A_2290 = arith.andi %slice3A_2253, %eq3A_2289 : vector<1x196xi1>
    %select_n3A_2291 = arith.select %and3A_2290, %add3A_2256, %select_n3A_2236 : vector<1x196xi1>, vector<1x196xi32>
    %eq3A_2292 = arith.constant 7 : i32
    %eq3A_2293 = vector.broadcast %eq3A_2292 : i32 to vector<1x196xi32>
    %eq3A_2294 = arith.cmpi eq, %add3A_2252, %eq3A_2293 : vector<1x196xi32>
    %and3A_2295 = arith.andi %slice3A_2253, %eq3A_2294 : vector<1x196xi1>
    %select_n3A_2296 = arith.select %and3A_2295, %add3A_2256, %select_n3A_2241 : vector<1x196xi1>, vector<1x196xi32>
    %eq3A_2297 = arith.constant 8 : i32
    %eq3A_2298 = vector.broadcast %eq3A_2297 : i32 to vector<1x196xi32>
    %eq3A_2299 = arith.cmpi eq, %add3A_2252, %eq3A_2298 : vector<1x196xi32>
    %and3A_2300 = arith.andi %slice3A_2253, %eq3A_2299 : vector<1x196xi1>
    %select_n3A_2301 = arith.select %and3A_2300, %add3A_2256, %select_n3A_2246 : vector<1x196xi1>, vector<1x196xi32>
    %jit3A_2302 = arith.constant 1 : i32
    %jit3A_2303 = arith.constant 0 : i32
    %broadcast_in_dim3A_2304 = vector.broadcast %jit3A_2302 : i32 to vector<1x196xi32>
    %broadcast_in_dim3A_2305 = vector.broadcast %jit3A_2303 : i32 to vector<1x196xi32>
    %select_n3A_2306 = arith.select %slice3A_2253, %broadcast_in_dim3A_2304, %broadcast_in_dim3A_2305 : vector<1x196xi1>, vector<1x196xi32>
    %add3A_2307 = arith.addi %add3A_2252, %select_n3A_2306 : vector<1x196xi32>
    %slice3A_2308 = vector.extract_strided_slice %or3A_1132 {offsets = [21, 0], sizes = [1, 196], strides = [1, 1]} : vector<25x196xi1> to vector<1x196xi1>
    %add3A_2309 = arith.constant 27 : i32
    %add3A_2310 = vector.broadcast %add3A_2309 : i32 to vector<1x196xi32>
    %add3A_2311 = arith.addi %iota3A_1133, %add3A_2310 : vector<1x196xi32>
    %eq3A_2312 = arith.constant 0 : i32
    %eq3A_2313 = vector.broadcast %eq3A_2312 : i32 to vector<1x196xi32>
    %eq3A_2314 = arith.cmpi eq, %add3A_2307, %eq3A_2313 : vector<1x196xi32>
    %and3A_2315 = arith.andi %slice3A_2308, %eq3A_2314 : vector<1x196xi1>
    %select_n3A_2316 = arith.select %and3A_2315, %add3A_2311, %select_n3A_2261 : vector<1x196xi1>, vector<1x196xi32>
    %eq3A_2317 = arith.constant 1 : i32
    %eq3A_2318 = vector.broadcast %eq3A_2317 : i32 to vector<1x196xi32>
    %eq3A_2319 = arith.cmpi eq, %add3A_2307, %eq3A_2318 : vector<1x196xi32>
    %and3A_2320 = arith.andi %slice3A_2308, %eq3A_2319 : vector<1x196xi1>
    %select_n3A_2321 = arith.select %and3A_2320, %add3A_2311, %select_n3A_2266 : vector<1x196xi1>, vector<1x196xi32>
    %eq3A_2322 = arith.constant 2 : i32
    %eq3A_2323 = vector.broadcast %eq3A_2322 : i32 to vector<1x196xi32>
    %eq3A_2324 = arith.cmpi eq, %add3A_2307, %eq3A_2323 : vector<1x196xi32>
    %and3A_2325 = arith.andi %slice3A_2308, %eq3A_2324 : vector<1x196xi1>
    %select_n3A_2326 = arith.select %and3A_2325, %add3A_2311, %select_n3A_2271 : vector<1x196xi1>, vector<1x196xi32>
    %eq3A_2327 = arith.constant 3 : i32
    %eq3A_2328 = vector.broadcast %eq3A_2327 : i32 to vector<1x196xi32>
    %eq3A_2329 = arith.cmpi eq, %add3A_2307, %eq3A_2328 : vector<1x196xi32>
    %and3A_2330 = arith.andi %slice3A_2308, %eq3A_2329 : vector<1x196xi1>
    %select_n3A_2331 = arith.select %and3A_2330, %add3A_2311, %select_n3A_2276 : vector<1x196xi1>, vector<1x196xi32>
    %eq3A_2332 = arith.constant 4 : i32
    %eq3A_2333 = vector.broadcast %eq3A_2332 : i32 to vector<1x196xi32>
    %eq3A_2334 = arith.cmpi eq, %add3A_2307, %eq3A_2333 : vector<1x196xi32>
    %and3A_2335 = arith.andi %slice3A_2308, %eq3A_2334 : vector<1x196xi1>
    %select_n3A_2336 = arith.select %and3A_2335, %add3A_2311, %select_n3A_2281 : vector<1x196xi1>, vector<1x196xi32>
    %eq3A_2337 = arith.constant 5 : i32
    %eq3A_2338 = vector.broadcast %eq3A_2337 : i32 to vector<1x196xi32>
    %eq3A_2339 = arith.cmpi eq, %add3A_2307, %eq3A_2338 : vector<1x196xi32>
    %and3A_2340 = arith.andi %slice3A_2308, %eq3A_2339 : vector<1x196xi1>
    %select_n3A_2341 = arith.select %and3A_2340, %add3A_2311, %select_n3A_2286 : vector<1x196xi1>, vector<1x196xi32>
    %eq3A_2342 = arith.constant 6 : i32
    %eq3A_2343 = vector.broadcast %eq3A_2342 : i32 to vector<1x196xi32>
    %eq3A_2344 = arith.cmpi eq, %add3A_2307, %eq3A_2343 : vector<1x196xi32>
    %and3A_2345 = arith.andi %slice3A_2308, %eq3A_2344 : vector<1x196xi1>
    %select_n3A_2346 = arith.select %and3A_2345, %add3A_2311, %select_n3A_2291 : vector<1x196xi1>, vector<1x196xi32>
    %eq3A_2347 = arith.constant 7 : i32
    %eq3A_2348 = vector.broadcast %eq3A_2347 : i32 to vector<1x196xi32>
    %eq3A_2349 = arith.cmpi eq, %add3A_2307, %eq3A_2348 : vector<1x196xi32>
    %and3A_2350 = arith.andi %slice3A_2308, %eq3A_2349 : vector<1x196xi1>
    %select_n3A_2351 = arith.select %and3A_2350, %add3A_2311, %select_n3A_2296 : vector<1x196xi1>, vector<1x196xi32>
    %eq3A_2352 = arith.constant 8 : i32
    %eq3A_2353 = vector.broadcast %eq3A_2352 : i32 to vector<1x196xi32>
    %eq3A_2354 = arith.cmpi eq, %add3A_2307, %eq3A_2353 : vector<1x196xi32>
    %and3A_2355 = arith.andi %slice3A_2308, %eq3A_2354 : vector<1x196xi1>
    %select_n3A_2356 = arith.select %and3A_2355, %add3A_2311, %select_n3A_2301 : vector<1x196xi1>, vector<1x196xi32>
    %jit3A_2357 = arith.constant 1 : i32
    %jit3A_2358 = arith.constant 0 : i32
    %broadcast_in_dim3A_2359 = vector.broadcast %jit3A_2357 : i32 to vector<1x196xi32>
    %broadcast_in_dim3A_2360 = vector.broadcast %jit3A_2358 : i32 to vector<1x196xi32>
    %select_n3A_2361 = arith.select %slice3A_2308, %broadcast_in_dim3A_2359, %broadcast_in_dim3A_2360 : vector<1x196xi1>, vector<1x196xi32>
    %add3A_2362 = arith.addi %add3A_2307, %select_n3A_2361 : vector<1x196xi32>
    %slice3A_2363 = vector.extract_strided_slice %or3A_1132 {offsets = [22, 0], sizes = [1, 196], strides = [1, 1]} : vector<25x196xi1> to vector<1x196xi1>
    %add3A_2364 = arith.constant 28 : i32
    %add3A_2365 = vector.broadcast %add3A_2364 : i32 to vector<1x196xi32>
    %add3A_2366 = arith.addi %iota3A_1133, %add3A_2365 : vector<1x196xi32>
    %eq3A_2367 = arith.constant 0 : i32
    %eq3A_2368 = vector.broadcast %eq3A_2367 : i32 to vector<1x196xi32>
    %eq3A_2369 = arith.cmpi eq, %add3A_2362, %eq3A_2368 : vector<1x196xi32>
    %and3A_2370 = arith.andi %slice3A_2363, %eq3A_2369 : vector<1x196xi1>
    %select_n3A_2371 = arith.select %and3A_2370, %add3A_2366, %select_n3A_2316 : vector<1x196xi1>, vector<1x196xi32>
    %eq3A_2372 = arith.constant 1 : i32
    %eq3A_2373 = vector.broadcast %eq3A_2372 : i32 to vector<1x196xi32>
    %eq3A_2374 = arith.cmpi eq, %add3A_2362, %eq3A_2373 : vector<1x196xi32>
    %and3A_2375 = arith.andi %slice3A_2363, %eq3A_2374 : vector<1x196xi1>
    %select_n3A_2376 = arith.select %and3A_2375, %add3A_2366, %select_n3A_2321 : vector<1x196xi1>, vector<1x196xi32>
    %eq3A_2377 = arith.constant 2 : i32
    %eq3A_2378 = vector.broadcast %eq3A_2377 : i32 to vector<1x196xi32>
    %eq3A_2379 = arith.cmpi eq, %add3A_2362, %eq3A_2378 : vector<1x196xi32>
    %and3A_2380 = arith.andi %slice3A_2363, %eq3A_2379 : vector<1x196xi1>
    %select_n3A_2381 = arith.select %and3A_2380, %add3A_2366, %select_n3A_2326 : vector<1x196xi1>, vector<1x196xi32>
    %eq3A_2382 = arith.constant 3 : i32
    %eq3A_2383 = vector.broadcast %eq3A_2382 : i32 to vector<1x196xi32>
    %eq3A_2384 = arith.cmpi eq, %add3A_2362, %eq3A_2383 : vector<1x196xi32>
    %and3A_2385 = arith.andi %slice3A_2363, %eq3A_2384 : vector<1x196xi1>
    %select_n3A_2386 = arith.select %and3A_2385, %add3A_2366, %select_n3A_2331 : vector<1x196xi1>, vector<1x196xi32>
    %eq3A_2387 = arith.constant 4 : i32
    %eq3A_2388 = vector.broadcast %eq3A_2387 : i32 to vector<1x196xi32>
    %eq3A_2389 = arith.cmpi eq, %add3A_2362, %eq3A_2388 : vector<1x196xi32>
    %and3A_2390 = arith.andi %slice3A_2363, %eq3A_2389 : vector<1x196xi1>
    %select_n3A_2391 = arith.select %and3A_2390, %add3A_2366, %select_n3A_2336 : vector<1x196xi1>, vector<1x196xi32>
    %eq3A_2392 = arith.constant 5 : i32
    %eq3A_2393 = vector.broadcast %eq3A_2392 : i32 to vector<1x196xi32>
    %eq3A_2394 = arith.cmpi eq, %add3A_2362, %eq3A_2393 : vector<1x196xi32>
    %and3A_2395 = arith.andi %slice3A_2363, %eq3A_2394 : vector<1x196xi1>
    %select_n3A_2396 = arith.select %and3A_2395, %add3A_2366, %select_n3A_2341 : vector<1x196xi1>, vector<1x196xi32>
    %eq3A_2397 = arith.constant 6 : i32
    %eq3A_2398 = vector.broadcast %eq3A_2397 : i32 to vector<1x196xi32>
    %eq3A_2399 = arith.cmpi eq, %add3A_2362, %eq3A_2398 : vector<1x196xi32>
    %and3A_2400 = arith.andi %slice3A_2363, %eq3A_2399 : vector<1x196xi1>
    %select_n3A_2401 = arith.select %and3A_2400, %add3A_2366, %select_n3A_2346 : vector<1x196xi1>, vector<1x196xi32>
    %eq3A_2402 = arith.constant 7 : i32
    %eq3A_2403 = vector.broadcast %eq3A_2402 : i32 to vector<1x196xi32>
    %eq3A_2404 = arith.cmpi eq, %add3A_2362, %eq3A_2403 : vector<1x196xi32>
    %and3A_2405 = arith.andi %slice3A_2363, %eq3A_2404 : vector<1x196xi1>
    %select_n3A_2406 = arith.select %and3A_2405, %add3A_2366, %select_n3A_2351 : vector<1x196xi1>, vector<1x196xi32>
    %eq3A_2407 = arith.constant 8 : i32
    %eq3A_2408 = vector.broadcast %eq3A_2407 : i32 to vector<1x196xi32>
    %eq3A_2409 = arith.cmpi eq, %add3A_2362, %eq3A_2408 : vector<1x196xi32>
    %and3A_2410 = arith.andi %slice3A_2363, %eq3A_2409 : vector<1x196xi1>
    %select_n3A_2411 = arith.select %and3A_2410, %add3A_2366, %select_n3A_2356 : vector<1x196xi1>, vector<1x196xi32>
    %jit3A_2412 = arith.constant 1 : i32
    %jit3A_2413 = arith.constant 0 : i32
    %broadcast_in_dim3A_2414 = vector.broadcast %jit3A_2412 : i32 to vector<1x196xi32>
    %broadcast_in_dim3A_2415 = vector.broadcast %jit3A_2413 : i32 to vector<1x196xi32>
    %select_n3A_2416 = arith.select %slice3A_2363, %broadcast_in_dim3A_2414, %broadcast_in_dim3A_2415 : vector<1x196xi1>, vector<1x196xi32>
    %add3A_2417 = arith.addi %add3A_2362, %select_n3A_2416 : vector<1x196xi32>
    %slice3A_2418 = vector.extract_strided_slice %or3A_1132 {offsets = [23, 0], sizes = [1, 196], strides = [1, 1]} : vector<25x196xi1> to vector<1x196xi1>
    %add3A_2419 = arith.constant 29 : i32
    %add3A_2420 = vector.broadcast %add3A_2419 : i32 to vector<1x196xi32>
    %add3A_2421 = arith.addi %iota3A_1133, %add3A_2420 : vector<1x196xi32>
    %eq3A_2422 = arith.constant 0 : i32
    %eq3A_2423 = vector.broadcast %eq3A_2422 : i32 to vector<1x196xi32>
    %eq3A_2424 = arith.cmpi eq, %add3A_2417, %eq3A_2423 : vector<1x196xi32>
    %and3A_2425 = arith.andi %slice3A_2418, %eq3A_2424 : vector<1x196xi1>
    %select_n3A_2426 = arith.select %and3A_2425, %add3A_2421, %select_n3A_2371 : vector<1x196xi1>, vector<1x196xi32>
    %eq3A_2427 = arith.constant 1 : i32
    %eq3A_2428 = vector.broadcast %eq3A_2427 : i32 to vector<1x196xi32>
    %eq3A_2429 = arith.cmpi eq, %add3A_2417, %eq3A_2428 : vector<1x196xi32>
    %and3A_2430 = arith.andi %slice3A_2418, %eq3A_2429 : vector<1x196xi1>
    %select_n3A_2431 = arith.select %and3A_2430, %add3A_2421, %select_n3A_2376 : vector<1x196xi1>, vector<1x196xi32>
    %eq3A_2432 = arith.constant 2 : i32
    %eq3A_2433 = vector.broadcast %eq3A_2432 : i32 to vector<1x196xi32>
    %eq3A_2434 = arith.cmpi eq, %add3A_2417, %eq3A_2433 : vector<1x196xi32>
    %and3A_2435 = arith.andi %slice3A_2418, %eq3A_2434 : vector<1x196xi1>
    %select_n3A_2436 = arith.select %and3A_2435, %add3A_2421, %select_n3A_2381 : vector<1x196xi1>, vector<1x196xi32>
    %eq3A_2437 = arith.constant 3 : i32
    %eq3A_2438 = vector.broadcast %eq3A_2437 : i32 to vector<1x196xi32>
    %eq3A_2439 = arith.cmpi eq, %add3A_2417, %eq3A_2438 : vector<1x196xi32>
    %and3A_2440 = arith.andi %slice3A_2418, %eq3A_2439 : vector<1x196xi1>
    %select_n3A_2441 = arith.select %and3A_2440, %add3A_2421, %select_n3A_2386 : vector<1x196xi1>, vector<1x196xi32>
    %eq3A_2442 = arith.constant 4 : i32
    %eq3A_2443 = vector.broadcast %eq3A_2442 : i32 to vector<1x196xi32>
    %eq3A_2444 = arith.cmpi eq, %add3A_2417, %eq3A_2443 : vector<1x196xi32>
    %and3A_2445 = arith.andi %slice3A_2418, %eq3A_2444 : vector<1x196xi1>
    %select_n3A_2446 = arith.select %and3A_2445, %add3A_2421, %select_n3A_2391 : vector<1x196xi1>, vector<1x196xi32>
    %eq3A_2447 = arith.constant 5 : i32
    %eq3A_2448 = vector.broadcast %eq3A_2447 : i32 to vector<1x196xi32>
    %eq3A_2449 = arith.cmpi eq, %add3A_2417, %eq3A_2448 : vector<1x196xi32>
    %and3A_2450 = arith.andi %slice3A_2418, %eq3A_2449 : vector<1x196xi1>
    %select_n3A_2451 = arith.select %and3A_2450, %add3A_2421, %select_n3A_2396 : vector<1x196xi1>, vector<1x196xi32>
    %eq3A_2452 = arith.constant 6 : i32
    %eq3A_2453 = vector.broadcast %eq3A_2452 : i32 to vector<1x196xi32>
    %eq3A_2454 = arith.cmpi eq, %add3A_2417, %eq3A_2453 : vector<1x196xi32>
    %and3A_2455 = arith.andi %slice3A_2418, %eq3A_2454 : vector<1x196xi1>
    %select_n3A_2456 = arith.select %and3A_2455, %add3A_2421, %select_n3A_2401 : vector<1x196xi1>, vector<1x196xi32>
    %eq3A_2457 = arith.constant 7 : i32
    %eq3A_2458 = vector.broadcast %eq3A_2457 : i32 to vector<1x196xi32>
    %eq3A_2459 = arith.cmpi eq, %add3A_2417, %eq3A_2458 : vector<1x196xi32>
    %and3A_2460 = arith.andi %slice3A_2418, %eq3A_2459 : vector<1x196xi1>
    %select_n3A_2461 = arith.select %and3A_2460, %add3A_2421, %select_n3A_2406 : vector<1x196xi1>, vector<1x196xi32>
    %eq3A_2462 = arith.constant 8 : i32
    %eq3A_2463 = vector.broadcast %eq3A_2462 : i32 to vector<1x196xi32>
    %eq3A_2464 = arith.cmpi eq, %add3A_2417, %eq3A_2463 : vector<1x196xi32>
    %and3A_2465 = arith.andi %slice3A_2418, %eq3A_2464 : vector<1x196xi1>
    %select_n3A_2466 = arith.select %and3A_2465, %add3A_2421, %select_n3A_2411 : vector<1x196xi1>, vector<1x196xi32>
    %jit3A_2467 = arith.constant 1 : i32
    %jit3A_2468 = arith.constant 0 : i32
    %broadcast_in_dim3A_2469 = vector.broadcast %jit3A_2467 : i32 to vector<1x196xi32>
    %broadcast_in_dim3A_2470 = vector.broadcast %jit3A_2468 : i32 to vector<1x196xi32>
    %select_n3A_2471 = arith.select %slice3A_2418, %broadcast_in_dim3A_2469, %broadcast_in_dim3A_2470 : vector<1x196xi1>, vector<1x196xi32>
    %add3A_2472 = arith.addi %add3A_2417, %select_n3A_2471 : vector<1x196xi32>
    %slice3A_2473 = vector.extract_strided_slice %or3A_1132 {offsets = [24, 0], sizes = [1, 196], strides = [1, 1]} : vector<25x196xi1> to vector<1x196xi1>
    %add3A_2474 = arith.constant 30 : i32
    %add3A_2475 = vector.broadcast %add3A_2474 : i32 to vector<1x196xi32>
    %add3A_2476 = arith.addi %iota3A_1133, %add3A_2475 : vector<1x196xi32>
    %eq3A_2477 = arith.constant 0 : i32
    %eq3A_2478 = vector.broadcast %eq3A_2477 : i32 to vector<1x196xi32>
    %eq3A_2479 = arith.cmpi eq, %add3A_2472, %eq3A_2478 : vector<1x196xi32>
    %and3A_2480 = arith.andi %slice3A_2473, %eq3A_2479 : vector<1x196xi1>
    %select_n3A_2481 = arith.select %and3A_2480, %add3A_2476, %select_n3A_2426 : vector<1x196xi1>, vector<1x196xi32>
    %eq3A_2482 = arith.constant 1 : i32
    %eq3A_2483 = vector.broadcast %eq3A_2482 : i32 to vector<1x196xi32>
    %eq3A_2484 = arith.cmpi eq, %add3A_2472, %eq3A_2483 : vector<1x196xi32>
    %and3A_2485 = arith.andi %slice3A_2473, %eq3A_2484 : vector<1x196xi1>
    %select_n3A_2486 = arith.select %and3A_2485, %add3A_2476, %select_n3A_2431 : vector<1x196xi1>, vector<1x196xi32>
    %eq3A_2487 = arith.constant 2 : i32
    %eq3A_2488 = vector.broadcast %eq3A_2487 : i32 to vector<1x196xi32>
    %eq3A_2489 = arith.cmpi eq, %add3A_2472, %eq3A_2488 : vector<1x196xi32>
    %and3A_2490 = arith.andi %slice3A_2473, %eq3A_2489 : vector<1x196xi1>
    %select_n3A_2491 = arith.select %and3A_2490, %add3A_2476, %select_n3A_2436 : vector<1x196xi1>, vector<1x196xi32>
    %eq3A_2492 = arith.constant 3 : i32
    %eq3A_2493 = vector.broadcast %eq3A_2492 : i32 to vector<1x196xi32>
    %eq3A_2494 = arith.cmpi eq, %add3A_2472, %eq3A_2493 : vector<1x196xi32>
    %and3A_2495 = arith.andi %slice3A_2473, %eq3A_2494 : vector<1x196xi1>
    %select_n3A_2496 = arith.select %and3A_2495, %add3A_2476, %select_n3A_2441 : vector<1x196xi1>, vector<1x196xi32>
    %eq3A_2497 = arith.constant 4 : i32
    %eq3A_2498 = vector.broadcast %eq3A_2497 : i32 to vector<1x196xi32>
    %eq3A_2499 = arith.cmpi eq, %add3A_2472, %eq3A_2498 : vector<1x196xi32>
    %and3A_2500 = arith.andi %slice3A_2473, %eq3A_2499 : vector<1x196xi1>
    %select_n3A_2501 = arith.select %and3A_2500, %add3A_2476, %select_n3A_2446 : vector<1x196xi1>, vector<1x196xi32>
    %eq3A_2502 = arith.constant 5 : i32
    %eq3A_2503 = vector.broadcast %eq3A_2502 : i32 to vector<1x196xi32>
    %eq3A_2504 = arith.cmpi eq, %add3A_2472, %eq3A_2503 : vector<1x196xi32>
    %and3A_2505 = arith.andi %slice3A_2473, %eq3A_2504 : vector<1x196xi1>
    %select_n3A_2506 = arith.select %and3A_2505, %add3A_2476, %select_n3A_2451 : vector<1x196xi1>, vector<1x196xi32>
    %eq3A_2507 = arith.constant 6 : i32
    %eq3A_2508 = vector.broadcast %eq3A_2507 : i32 to vector<1x196xi32>
    %eq3A_2509 = arith.cmpi eq, %add3A_2472, %eq3A_2508 : vector<1x196xi32>
    %and3A_2510 = arith.andi %slice3A_2473, %eq3A_2509 : vector<1x196xi1>
    %select_n3A_2511 = arith.select %and3A_2510, %add3A_2476, %select_n3A_2456 : vector<1x196xi1>, vector<1x196xi32>
    %eq3A_2512 = arith.constant 7 : i32
    %eq3A_2513 = vector.broadcast %eq3A_2512 : i32 to vector<1x196xi32>
    %eq3A_2514 = arith.cmpi eq, %add3A_2472, %eq3A_2513 : vector<1x196xi32>
    %and3A_2515 = arith.andi %slice3A_2473, %eq3A_2514 : vector<1x196xi1>
    %select_n3A_2516 = arith.select %and3A_2515, %add3A_2476, %select_n3A_2461 : vector<1x196xi1>, vector<1x196xi32>
    %eq3A_2517 = arith.constant 8 : i32
    %eq3A_2518 = vector.broadcast %eq3A_2517 : i32 to vector<1x196xi32>
    %eq3A_2519 = arith.cmpi eq, %add3A_2472, %eq3A_2518 : vector<1x196xi32>
    %and3A_2520 = arith.andi %slice3A_2473, %eq3A_2519 : vector<1x196xi1>
    %select_n3A_2521 = arith.select %and3A_2520, %add3A_2476, %select_n3A_2466 : vector<1x196xi1>, vector<1x196xi32>
    %mul3A_2522 = arith.constant 196 : i32
    %mul3A_2523 = arith.muli %arg0, %mul3A_2522 : i32
    %add3A_2524 = vector.broadcast %mul3A_2523 : i32 to vector<1x196xi32>
    %add3A_2525 = arith.addi %select_n3A_2481, %add3A_2524 : vector<1x196xi32>
    %add3A_2526 = vector.broadcast %mul3A_2523 : i32 to vector<1x196xi32>
    %add3A_2527 = arith.addi %select_n3A_2486, %add3A_2526 : vector<1x196xi32>
    %add3A_2528 = vector.broadcast %mul3A_2523 : i32 to vector<1x196xi32>
    %add3A_2529 = arith.addi %select_n3A_2491, %add3A_2528 : vector<1x196xi32>
    %add3A_2530 = vector.broadcast %mul3A_2523 : i32 to vector<1x196xi32>
    %add3A_2531 = arith.addi %select_n3A_2496, %add3A_2530 : vector<1x196xi32>
    %add3A_2532 = vector.broadcast %mul3A_2523 : i32 to vector<1x196xi32>
    %add3A_2533 = arith.addi %select_n3A_2501, %add3A_2532 : vector<1x196xi32>
    %add3A_2534 = vector.broadcast %mul3A_2523 : i32 to vector<1x196xi32>
    %add3A_2535 = arith.addi %select_n3A_2506, %add3A_2534 : vector<1x196xi32>
    %add3A_2536 = vector.broadcast %mul3A_2523 : i32 to vector<1x196xi32>
    %add3A_2537 = arith.addi %select_n3A_2511, %add3A_2536 : vector<1x196xi32>
    %add3A_2538 = vector.broadcast %mul3A_2523 : i32 to vector<1x196xi32>
    %add3A_2539 = arith.addi %select_n3A_2516, %add3A_2538 : vector<1x196xi32>
    %add3A_2540 = vector.broadcast %mul3A_2523 : i32 to vector<1x196xi32>
    %add3A_2541 = arith.addi %select_n3A_2521, %add3A_2540 : vector<1x196xi32>
    %concatenate3A_2542 = tpu.concatenate %add3A_2525, %add3A_2527, %add3A_2529, %add3A_2531, %add3A_2533, %add3A_2535, %add3A_2537, %add3A_2539, %add3A_2541 in 0 : vector<1x196xi32>, vector<1x196xi32>, vector<1x196xi32>, vector<1x196xi32>, vector<1x196xi32>, vector<1x196xi32>, vector<1x196xi32>, vector<1x196xi32>, vector<1x196xi32> -> vector<9x196xi32>
    %swap3A_2543 = arith.constant 0 : index
    %swap3A_2544 = arith.constant 0 : index
    %swap3A_2545 = arith.constant 0 : index
    %swap3A_2546 = vector.load %arg2[%swap3A_2543, %swap3A_2544, %swap3A_2545] : memref<1x9x196xi32, #tpu.memory_space<vmem>>, vector<1x9x196xi32>
    %swap3A_2547 = vector.shape_cast %swap3A_2546 : vector<1x9x196xi32> to vector<9x196xi32>
    %swap3A_2548 = vector.shape_cast %concatenate3A_2542 : vector<9x196xi32> to vector<1x9x196xi32>
    tpu.vector_store %arg2[%swap3A_2543, %swap3A_2544, %swap3A_2545], %swap3A_2548 {strides = array<i32>} : memref<1x9x196xi32, #tpu.memory_space<vmem>>, vector<1x9x196xi32>,
    return
  }
  func.func @transform_0(%arg0: i32) -> (i32, i32, i32) {
    %c0_i32 = arith.constant 0 : i32
    %c0_i32_0 = arith.constant 0 : i32
    %c0_i32_1 = arith.constant 0 : i32
    return %arg0, %c0_i32, %c0_i32_0 : i32, i32, i32
  }
  func.func @transform_1(%arg0: i32) -> (i32, i32, i32) {
    %c0_i32 = arith.constant 0 : i32
    %c0_i32_0 = arith.constant 0 : i32
    %c0_i32_1 = arith.constant 0 : i32
    return %arg0, %c0_i32, %c0_i32_0 : i32, i32, i32
  }
  func.func @transform_2(%arg0: i32) -> (i32, i32, i32) {
    %c0_i32 = arith.constant 0 : i32
    %c0_i32_0 = arith.constant 0 : i32
    %c0_i32_1 = arith.constant 0 : i32
    return %arg0, %c0_i32, %c0_i32_0 : i32, i32, i32
  }
}

module attributes {stable_mosaic.version = 14 : i64} {
  func.func @_conv_body(%arg0: i32, %arg1: memref<1x1792x256xi32, #tpu.memory_space<vmem>>, %arg2: memref<9x384x384xbf16, #tpu.memory_space<vmem>>, %arg3: memref<1x384x196xf32, #tpu.memory_space<vmem>>) attributes {dimension_semantics = [#tpu.dimension_semantics<arbitrary>], iteration_bounds = array<i64: 4>, scalar_prefetch = 0 : i64, scratch_operands = 0 : i64, tpu.core_type = #tpu.core_type<tc>, window_params = [{transform_indices = @transform_0, window_bounds = array<i64: 1, 1792, 256>}, {pipeline_mode = #tpu.pipeline_mode<synchronous>, transform_indices = @transform_1, window_bounds = array<i64: 9, 384, 384>}, {transform_indices = @transform_2, window_bounds = array<i64: 1, 384, 196>}]} {
    %get3A = arith.constant 0 : index
    %get3A_0 = arith.constant 0 : index
    %get3A_1 = arith.constant 0 : index
    %get3A_2 = vector.load %arg1[%get3A, %get3A_0, %get3A_1] : memref<1x1792x256xi32, #tpu.memory_space<vmem>>, vector<1x196x256xi32>
    %get3A_3 = vector.shape_cast %get3A_2 : vector<1x196x256xi32> to vector<196x256xi32>
    %transpose3A = tpu.transpose %get3A_3, [1, 0] : vector<196x256xi32> -> vector<256x196xi32>
    %bitcast3A = tpu.bitcast %transpose3A : vector<256x196xi32> -> vector<512x196xbf16>
    %slice3A = vector.extract_strided_slice %bitcast3A {offsets = [0, 0], sizes = [384, 196], strides = [1, 1]} : vector<512x196xbf16> to vector<384x196xbf16>
    %get3A_4 = arith.constant 0 : index
    %get3A_5 = arith.constant 0 : index
    %get3A_6 = arith.constant 0 : index
    %get3A_7 = vector.load %arg2[%get3A_4, %get3A_5, %get3A_6] : memref<9x384x384xbf16, #tpu.memory_space<vmem>>, vector<1x384x384xbf16>
    %get3A_8 = vector.shape_cast %get3A_7 : vector<1x384x384xbf16> to vector<384x384xbf16>
    %dot_general3A = arith.constant dense<0.000000e+00> : vector<384x196xf32>
    %dot_general3A_9 = tpu.matmul %get3A_8, %slice3A, %dot_general3A {dimension_numbers = #tpu.dot_dimension_numbers<[1], [0], [0], [1], [0, 0, 1, 1], [], []>, transpose_lhs_hint = false} : vector<384x384xbf16>, vector<384x196xbf16>, vector<384x196xf32> -> vector<384x196xf32>
    %get3A_10 = arith.constant 0 : index
    %get3A_11 = arith.constant 196 : index
    %get3A_12 = arith.constant 0 : index
    %get3A_13 = vector.load %arg1[%get3A_10, %get3A_11, %get3A_12] : memref<1x1792x256xi32, #tpu.memory_space<vmem>>, vector<1x196x256xi32>
    %get3A_14 = vector.shape_cast %get3A_13 : vector<1x196x256xi32> to vector<196x256xi32>
    %transpose3A_15 = tpu.transpose %get3A_14, [1, 0] : vector<196x256xi32> -> vector<256x196xi32>
    %bitcast3A_16 = tpu.bitcast %transpose3A_15 : vector<256x196xi32> -> vector<512x196xbf16>
    %slice3A_17 = vector.extract_strided_slice %bitcast3A_16 {offsets = [0, 0], sizes = [384, 196], strides = [1, 1]} : vector<512x196xbf16> to vector<384x196xbf16>
    %get3A_18 = arith.constant 1 : index
    %get3A_19 = arith.constant 0 : index
    %get3A_20 = arith.constant 0 : index
    %get3A_21 = vector.load %arg2[%get3A_18, %get3A_19, %get3A_20] : memref<9x384x384xbf16, #tpu.memory_space<vmem>>, vector<1x384x384xbf16>
    %get3A_22 = vector.shape_cast %get3A_21 : vector<1x384x384xbf16> to vector<384x384xbf16>
    %dot_general3A_23 = arith.constant dense<0.000000e+00> : vector<384x196xf32>
    %dot_general3A_24 = tpu.matmul %get3A_22, %slice3A_17, %dot_general3A_23 {dimension_numbers = #tpu.dot_dimension_numbers<[1], [0], [0], [1], [0, 0, 1, 1], [], []>, transpose_lhs_hint = false} : vector<384x384xbf16>, vector<384x196xbf16>, vector<384x196xf32> -> vector<384x196xf32>
    %add3A = arith.addf %dot_general3A_9, %dot_general3A_24 : vector<384x196xf32>
    %get3A_25 = arith.constant 0 : index
    %get3A_26 = arith.constant 392 : index
    %get3A_27 = arith.constant 0 : index
    %get3A_28 = vector.load %arg1[%get3A_25, %get3A_26, %get3A_27] : memref<1x1792x256xi32, #tpu.memory_space<vmem>>, vector<1x196x256xi32>
    %get3A_29 = vector.shape_cast %get3A_28 : vector<1x196x256xi32> to vector<196x256xi32>
    %transpose3A_30 = tpu.transpose %get3A_29, [1, 0] : vector<196x256xi32> -> vector<256x196xi32>
    %bitcast3A_31 = tpu.bitcast %transpose3A_30 : vector<256x196xi32> -> vector<512x196xbf16>
    %slice3A_32 = vector.extract_strided_slice %bitcast3A_31 {offsets = [0, 0], sizes = [384, 196], strides = [1, 1]} : vector<512x196xbf16> to vector<384x196xbf16>
    %get3A_33 = arith.constant 2 : index
    %get3A_34 = arith.constant 0 : index
    %get3A_35 = arith.constant 0 : index
    %get3A_36 = vector.load %arg2[%get3A_33, %get3A_34, %get3A_35] : memref<9x384x384xbf16, #tpu.memory_space<vmem>>, vector<1x384x384xbf16>
    %get3A_37 = vector.shape_cast %get3A_36 : vector<1x384x384xbf16> to vector<384x384xbf16>
    %dot_general3A_38 = arith.constant dense<0.000000e+00> : vector<384x196xf32>
    %dot_general3A_39 = tpu.matmul %get3A_37, %slice3A_32, %dot_general3A_38 {dimension_numbers = #tpu.dot_dimension_numbers<[1], [0], [0], [1], [0, 0, 1, 1], [], []>, transpose_lhs_hint = false} : vector<384x384xbf16>, vector<384x196xbf16>, vector<384x196xf32> -> vector<384x196xf32>
    %add3A_40 = arith.addf %add3A, %dot_general3A_39 : vector<384x196xf32>
    %get3A_41 = arith.constant 0 : index
    %get3A_42 = arith.constant 588 : index
    %get3A_43 = arith.constant 0 : index
    %get3A_44 = vector.load %arg1[%get3A_41, %get3A_42, %get3A_43] : memref<1x1792x256xi32, #tpu.memory_space<vmem>>, vector<1x196x256xi32>
    %get3A_45 = vector.shape_cast %get3A_44 : vector<1x196x256xi32> to vector<196x256xi32>
    %transpose3A_46 = tpu.transpose %get3A_45, [1, 0] : vector<196x256xi32> -> vector<256x196xi32>
    %bitcast3A_47 = tpu.bitcast %transpose3A_46 : vector<256x196xi32> -> vector<512x196xbf16>
    %slice3A_48 = vector.extract_strided_slice %bitcast3A_47 {offsets = [0, 0], sizes = [384, 196], strides = [1, 1]} : vector<512x196xbf16> to vector<384x196xbf16>
    %get3A_49 = arith.constant 3 : index
    %get3A_50 = arith.constant 0 : index
    %get3A_51 = arith.constant 0 : index
    %get3A_52 = vector.load %arg2[%get3A_49, %get3A_50, %get3A_51] : memref<9x384x384xbf16, #tpu.memory_space<vmem>>, vector<1x384x384xbf16>
    %get3A_53 = vector.shape_cast %get3A_52 : vector<1x384x384xbf16> to vector<384x384xbf16>
    %dot_general3A_54 = arith.constant dense<0.000000e+00> : vector<384x196xf32>
    %dot_general3A_55 = tpu.matmul %get3A_53, %slice3A_48, %dot_general3A_54 {dimension_numbers = #tpu.dot_dimension_numbers<[1], [0], [0], [1], [0, 0, 1, 1], [], []>, transpose_lhs_hint = false} : vector<384x384xbf16>, vector<384x196xbf16>, vector<384x196xf32> -> vector<384x196xf32>
    %add3A_56 = arith.addf %add3A_40, %dot_general3A_55 : vector<384x196xf32>
    %get3A_57 = arith.constant 0 : index
    %get3A_58 = arith.constant 784 : index
    %get3A_59 = arith.constant 0 : index
    %get3A_60 = vector.load %arg1[%get3A_57, %get3A_58, %get3A_59] : memref<1x1792x256xi32, #tpu.memory_space<vmem>>, vector<1x196x256xi32>
    %get3A_61 = vector.shape_cast %get3A_60 : vector<1x196x256xi32> to vector<196x256xi32>
    %transpose3A_62 = tpu.transpose %get3A_61, [1, 0] : vector<196x256xi32> -> vector<256x196xi32>
    %bitcast3A_63 = tpu.bitcast %transpose3A_62 : vector<256x196xi32> -> vector<512x196xbf16>
    %slice3A_64 = vector.extract_strided_slice %bitcast3A_63 {offsets = [0, 0], sizes = [384, 196], strides = [1, 1]} : vector<512x196xbf16> to vector<384x196xbf16>
    %get3A_65 = arith.constant 4 : index
    %get3A_66 = arith.constant 0 : index
    %get3A_67 = arith.constant 0 : index
    %get3A_68 = vector.load %arg2[%get3A_65, %get3A_66, %get3A_67] : memref<9x384x384xbf16, #tpu.memory_space<vmem>>, vector<1x384x384xbf16>
    %get3A_69 = vector.shape_cast %get3A_68 : vector<1x384x384xbf16> to vector<384x384xbf16>
    %dot_general3A_70 = arith.constant dense<0.000000e+00> : vector<384x196xf32>
    %dot_general3A_71 = tpu.matmul %get3A_69, %slice3A_64, %dot_general3A_70 {dimension_numbers = #tpu.dot_dimension_numbers<[1], [0], [0], [1], [0, 0, 1, 1], [], []>, transpose_lhs_hint = false} : vector<384x384xbf16>, vector<384x196xbf16>, vector<384x196xf32> -> vector<384x196xf32>
    %add3A_72 = arith.addf %add3A_56, %dot_general3A_71 : vector<384x196xf32>
    %get3A_73 = arith.constant 0 : index
    %get3A_74 = arith.constant 980 : index
    %get3A_75 = arith.constant 0 : index
    %get3A_76 = vector.load %arg1[%get3A_73, %get3A_74, %get3A_75] : memref<1x1792x256xi32, #tpu.memory_space<vmem>>, vector<1x196x256xi32>
    %get3A_77 = vector.shape_cast %get3A_76 : vector<1x196x256xi32> to vector<196x256xi32>
    %transpose3A_78 = tpu.transpose %get3A_77, [1, 0] : vector<196x256xi32> -> vector<256x196xi32>
    %bitcast3A_79 = tpu.bitcast %transpose3A_78 : vector<256x196xi32> -> vector<512x196xbf16>
    %slice3A_80 = vector.extract_strided_slice %bitcast3A_79 {offsets = [0, 0], sizes = [384, 196], strides = [1, 1]} : vector<512x196xbf16> to vector<384x196xbf16>
    %get3A_81 = arith.constant 5 : index
    %get3A_82 = arith.constant 0 : index
    %get3A_83 = arith.constant 0 : index
    %get3A_84 = vector.load %arg2[%get3A_81, %get3A_82, %get3A_83] : memref<9x384x384xbf16, #tpu.memory_space<vmem>>, vector<1x384x384xbf16>
    %get3A_85 = vector.shape_cast %get3A_84 : vector<1x384x384xbf16> to vector<384x384xbf16>
    %dot_general3A_86 = arith.constant dense<0.000000e+00> : vector<384x196xf32>
    %dot_general3A_87 = tpu.matmul %get3A_85, %slice3A_80, %dot_general3A_86 {dimension_numbers = #tpu.dot_dimension_numbers<[1], [0], [0], [1], [0, 0, 1, 1], [], []>, transpose_lhs_hint = false} : vector<384x384xbf16>, vector<384x196xbf16>, vector<384x196xf32> -> vector<384x196xf32>
    %add3A_88 = arith.addf %add3A_72, %dot_general3A_87 : vector<384x196xf32>
    %get3A_89 = arith.constant 0 : index
    %get3A_90 = arith.constant 1176 : index
    %get3A_91 = arith.constant 0 : index
    %get3A_92 = vector.load %arg1[%get3A_89, %get3A_90, %get3A_91] : memref<1x1792x256xi32, #tpu.memory_space<vmem>>, vector<1x196x256xi32>
    %get3A_93 = vector.shape_cast %get3A_92 : vector<1x196x256xi32> to vector<196x256xi32>
    %transpose3A_94 = tpu.transpose %get3A_93, [1, 0] : vector<196x256xi32> -> vector<256x196xi32>
    %bitcast3A_95 = tpu.bitcast %transpose3A_94 : vector<256x196xi32> -> vector<512x196xbf16>
    %slice3A_96 = vector.extract_strided_slice %bitcast3A_95 {offsets = [0, 0], sizes = [384, 196], strides = [1, 1]} : vector<512x196xbf16> to vector<384x196xbf16>
    %get3A_97 = arith.constant 6 : index
    %get3A_98 = arith.constant 0 : index
    %get3A_99 = arith.constant 0 : index
    %get3A_100 = vector.load %arg2[%get3A_97, %get3A_98, %get3A_99] : memref<9x384x384xbf16, #tpu.memory_space<vmem>>, vector<1x384x384xbf16>
    %get3A_101 = vector.shape_cast %get3A_100 : vector<1x384x384xbf16> to vector<384x384xbf16>
    %dot_general3A_102 = arith.constant dense<0.000000e+00> : vector<384x196xf32>
    %dot_general3A_103 = tpu.matmul %get3A_101, %slice3A_96, %dot_general3A_102 {dimension_numbers = #tpu.dot_dimension_numbers<[1], [0], [0], [1], [0, 0, 1, 1], [], []>, transpose_lhs_hint = false} : vector<384x384xbf16>, vector<384x196xbf16>, vector<384x196xf32> -> vector<384x196xf32>
    %add3A_104 = arith.addf %add3A_88, %dot_general3A_103 : vector<384x196xf32>
    %get3A_105 = arith.constant 0 : index
    %get3A_106 = arith.constant 1372 : index
    %get3A_107 = arith.constant 0 : index
    %get3A_108 = vector.load %arg1[%get3A_105, %get3A_106, %get3A_107] : memref<1x1792x256xi32, #tpu.memory_space<vmem>>, vector<1x196x256xi32>
    %get3A_109 = vector.shape_cast %get3A_108 : vector<1x196x256xi32> to vector<196x256xi32>
    %transpose3A_110 = tpu.transpose %get3A_109, [1, 0] : vector<196x256xi32> -> vector<256x196xi32>
    %bitcast3A_111 = tpu.bitcast %transpose3A_110 : vector<256x196xi32> -> vector<512x196xbf16>
    %slice3A_112 = vector.extract_strided_slice %bitcast3A_111 {offsets = [0, 0], sizes = [384, 196], strides = [1, 1]} : vector<512x196xbf16> to vector<384x196xbf16>
    %get3A_113 = arith.constant 7 : index
    %get3A_114 = arith.constant 0 : index
    %get3A_115 = arith.constant 0 : index
    %get3A_116 = vector.load %arg2[%get3A_113, %get3A_114, %get3A_115] : memref<9x384x384xbf16, #tpu.memory_space<vmem>>, vector<1x384x384xbf16>
    %get3A_117 = vector.shape_cast %get3A_116 : vector<1x384x384xbf16> to vector<384x384xbf16>
    %dot_general3A_118 = arith.constant dense<0.000000e+00> : vector<384x196xf32>
    %dot_general3A_119 = tpu.matmul %get3A_117, %slice3A_112, %dot_general3A_118 {dimension_numbers = #tpu.dot_dimension_numbers<[1], [0], [0], [1], [0, 0, 1, 1], [], []>, transpose_lhs_hint = false} : vector<384x384xbf16>, vector<384x196xbf16>, vector<384x196xf32> -> vector<384x196xf32>
    %add3A_120 = arith.addf %add3A_104, %dot_general3A_119 : vector<384x196xf32>
    %get3A_121 = arith.constant 0 : index
    %get3A_122 = arith.constant 1568 : index
    %get3A_123 = arith.constant 0 : index
    %get3A_124 = vector.load %arg1[%get3A_121, %get3A_122, %get3A_123] : memref<1x1792x256xi32, #tpu.memory_space<vmem>>, vector<1x196x256xi32>
    %get3A_125 = vector.shape_cast %get3A_124 : vector<1x196x256xi32> to vector<196x256xi32>
    %transpose3A_126 = tpu.transpose %get3A_125, [1, 0] : vector<196x256xi32> -> vector<256x196xi32>
    %bitcast3A_127 = tpu.bitcast %transpose3A_126 : vector<256x196xi32> -> vector<512x196xbf16>
    %slice3A_128 = vector.extract_strided_slice %bitcast3A_127 {offsets = [0, 0], sizes = [384, 196], strides = [1, 1]} : vector<512x196xbf16> to vector<384x196xbf16>
    %get3A_129 = arith.constant 8 : index
    %get3A_130 = arith.constant 0 : index
    %get3A_131 = arith.constant 0 : index
    %get3A_132 = vector.load %arg2[%get3A_129, %get3A_130, %get3A_131] : memref<9x384x384xbf16, #tpu.memory_space<vmem>>, vector<1x384x384xbf16>
    %get3A_133 = vector.shape_cast %get3A_132 : vector<1x384x384xbf16> to vector<384x384xbf16>
    %dot_general3A_134 = arith.constant dense<0.000000e+00> : vector<384x196xf32>
    %dot_general3A_135 = tpu.matmul %get3A_133, %slice3A_128, %dot_general3A_134 {dimension_numbers = #tpu.dot_dimension_numbers<[1], [0], [0], [1], [0, 0, 1, 1], [], []>, transpose_lhs_hint = false} : vector<384x384xbf16>, vector<384x196xbf16>, vector<384x196xf32> -> vector<384x196xf32>
    %add3A_136 = arith.addf %add3A_120, %dot_general3A_135 : vector<384x196xf32>
    %swap3A = arith.constant 0 : index
    %swap3A_137 = arith.constant 0 : index
    %swap3A_138 = arith.constant 0 : index
    %swap3A_139 = vector.load %arg3[%swap3A, %swap3A_137, %swap3A_138] : memref<1x384x196xf32, #tpu.memory_space<vmem>>, vector<1x384x196xf32>
    %swap3A_140 = vector.shape_cast %swap3A_139 : vector<1x384x196xf32> to vector<384x196xf32>
    %swap3A_141 = vector.shape_cast %add3A_136 : vector<384x196xf32> to vector<1x384x196xf32>
    tpu.vector_store %arg3[%swap3A, %swap3A_137, %swap3A_138], %swap3A_141 {strides = array<i32>} : memref<1x384x196xf32, #tpu.memory_space<vmem>>, vector<1x384x196xf32>,
    return
  }
  func.func @transform_0(%arg0: i32) -> (i32, i32, i32) {
    %c0_i32 = arith.constant 0 : i32
    %c0_i32_0 = arith.constant 0 : i32
    %c0_i32_1 = arith.constant 0 : i32
    return %arg0, %c0_i32, %c0_i32_0 : i32, i32, i32
  }
  func.func @transform_1(%arg0: i32) -> (i32, i32, i32) {
    %c0_i32 = arith.constant 0 : i32
    %c0_i32_0 = arith.constant 0 : i32
    %c0_i32_1 = arith.constant 0 : i32
    %c0_i32_2 = arith.constant 0 : i32
    return %c0_i32, %c0_i32_0, %c0_i32_1 : i32, i32, i32
  }
  func.func @transform_2(%arg0: i32) -> (i32, i32, i32) {
    %c0_i32 = arith.constant 0 : i32
    %c0_i32_0 = arith.constant 0 : i32
    %c0_i32_1 = arith.constant 0 : i32
    return %arg0, %c0_i32, %c0_i32_0 : i32, i32, i32
  }
}

</mosaic_0001>

<sc_bundles>
// kernel: kernel.5.cloned.1.call-start
scs
__scs_entry_jumppad:
0x0: {  	(pc) =	sbr.rel $0x88, $3  }
0x1: {  	(tag) =	ssettag $0x0;
	lr =	simm.s32 $0x1  }
0x2: {  	[smem:$0x3F9F] =	sst lr;
	_ =	strace $0xD0000000  }
0x3: {  	_ = 	snop  }
0x4: {  	_ = 	snop  }
0x5: {  	_ = 	snop  }
0x6: {  	_ = 	snop  }
0x7: {  	_ = 	snop  }
__scs_overlays_trampoline_lowered:
0x8: {  	[smem:$0x3FAE] =	sst s0  }
0x9: {  	[smem:$0x3FAF] =	sst s1  }
0xa: {  	[smem:$0x3FB0] =	sst s2  }
0xb: {  	[smem:$0x3FB1] =	sst s3  }
0xc: {  	[smem:$0x3FB2] =	sst s4  }
0xd: {  	[smem:$0x3FB3] =	sst s5  }
0xe: {  	[smem:$0x3FB4] =	sst s6  }
0xf: {  	[smem:$0x3FB5] =	sst s7  }
0x10: {  	[smem:$0x3FB6] =	sst s8  }
0x11: {  	[smem:$0x3FB7] =	sst s9;
	s0 =	simm.s32 @!p0 $0x0  }
0x12: {  	s1 =	sld [smem:$0x3F9D];
	s0 =	simm.s32 @p0 $0x1  }
0x13: {  	[smem:$0x3FB8] =	sst s0;
	s0 =	simm.s32 @!p1 $0x0  }
0x14: {  	s2 =	sld [smem:$0x3F9C];
	s0 =	simm.s32 @p1 $0x1  }
0x15: {  	[smem:$0x3FB9] =	sst s0;
	s0 =	simm.s32 @!p2 $0x0  }
0x16: {  	s3 =	sld [smem:$0x3FDB];
	s0 =	simm.s32 @p2 $0x1  }
0x17: {  	s4 =	simm.s32 $0x1BF5;
	[smem:$0x3FBB] =	sst s0  }
0x18: {  	s0 =	sld [smem:$0x3F9E];
	_ =	swait.ge [sflag:s4], $0x0  }
0x19: {  	s7 =	sld [smem:$0x3F9F]  }
0x1a: {  	s8 =	sadd.s32 $0xFFFFE003, lr  }
0x1b: {  	s9 =	sadd.s32 $0xFFFFFEF7, lr;
	s5 =	simm.s32 $0xFFFFFFFF;
	p2 =	slt.u32 s8, $0xFFFFF086  }
0x1c: {  	p1 =	slt.u32 s9, $0xF7A;
	s5 =	simm.s32 @!p2 $0x0  }
0x1d: {  	s5 =	simm.s32 @p1 $0x1;
	p0 =	seq.s32 s7, s2  }
0x1e: {  	s7 =	smul.u32 @!p0 $0xF7A, s2;
	p2 =	seq.s32 @!p0 s5, $0x0  }
0x1f: {  	s9 =	smul.u32 $0xF7A, s1;
	s8 =	simm.s32 @!p0 $0x1BF5;
	p2 =	por !p2, p0  }
0x20: {  	[sflag:s8] =	ssyncset.s32 @!p0 $0xFFFFF086;
	s6 =	sadd.s32 @!p0 s3, s7;
	s7 =	simm.s32 @!p0 $0x108  }
0x21: {  	s3 =	sadd.s32 s3, s9;
	s6 =	sadd.s32 @!p0 $0x88, s6;
	s7 =	simm.s32 @p2 $0x1082  }
0x22: {  	[simem:s7], [sflag:s8] =	dma.local @!p0 [hbm:s6], $0xF7A  }
0x23: {  	s9 =	sor.u32 $0xD0000000, s2;
	s6 =	simm.s32 $0x108;
	_ =	swait.ge @!p0 [sflag:s8], $0x0  }
0x24: {  	s3 =	sadd.s32 $0x88, s3;
	s6 =	simm.s32 @!p1 $0x1082;
	[sflag:s4] =	ssyncset.s32 $0xFFFFF086  }
0x25: {  	[simem:s6], [sflag:s4] =	dma.local [hbm:s3], $0xF7A  }
0x26: {  	[smem:$0x3F9F] =	sst s1;
	(tag) =	ssettag s2;
	_ =	strace s9  }
0x27: {  	s1 =	sld [smem:$0x3FAF]  }
0x28: {  	s2 =	sld [smem:$0x3FB0]  }
0x29: {  	s4 =	sld [smem:$0x3FB2]  }
0x2a: {  	p0 =	seq.s32 s5, $0x0;
	s5 =	sld [smem:$0x3FB3]  }
0x2b: {  	s6 =	sld [smem:$0x3FB4]  }
0x2c: {  	s7 =	sld [smem:$0x3FB5]  }
0x2d: {  	s3 =	simm.s32 $0x108;
	s8 =	sld [smem:$0x3FB6]  }
0x2e: {  	s3 =	simm.s32 @!p0 $0x1082;
	s9 =	sld [smem:$0x3FB7]  }
0x2f: {  	lr =	sadd.s32 s0, s3;
	s0 =	sld [smem:$0x3FAE]  }
0x30: {  	s3 =	sld [smem:$0x3FB1]  }
0x31: {  	[smem:$0x3FBA] =	sst s10  }
0x32: {  	s10 =	sld [smem:$0x3FB8];
	_ =	sdelay $0x3  }
0x33: {  	p0 =	seq.s32 s10, $0x1;
	s10 =	sld [smem:$0x3FBA];
	_ =	sdelay $0x3  }
0x34: {  	[smem:$0x3FBA] =	sst s10  }
0x35: {  	s10 =	sld [smem:$0x3FB9];
	_ =	sdelay $0x3  }
0x36: {  	p1 =	seq.s32 s10, $0x1;
	s10 =	sld [smem:$0x3FBA];
	_ =	sdelay $0x3  }
0x37: {  	[smem:$0x3FBA] =	sst s10  }
0x38: {  	s10 =	sld [smem:$0x3FBB]  }
0x39: {  	_ = 	snop;
	(pc) =	sbr.ind lr, $3  }
0x3a: {  	_ = 	snop  }
0x3b: {  	_ = 	snop  }
0x3c: {  	p2 =	seq.s32 s10, $0x1;
	s10 =	sld [smem:$0x3FBA]  }
0x3d: {  	_ =	shalt  }
0x3e: {  	_ =	shalt  }
0x3f: {  	_ =	shalt  }
0x40: {  	_ =	shalt  }
0x41: {  	_ =	shalt  }
0x42: {  	_ =	shalt  }
0x43: {  	_ =	shalt  }
0x44: {  	_ =	shalt  }
0x45: {  	_ =	shalt  }
0x46: {  	_ =	shalt  }
0x47: {  	_ =	shalt  }
0x48: {  	_ =	shalt  }
0x49: {  	_ =	shalt  }
0x4a: {  	_ =	shalt  }
0x4b: {  	_ =	shalt  }
0x4c: {  	_ =	shalt  }
0x4d: {  	_ =	shalt  }
0x4e: {  	_ =	shalt  }
0x4f: {  	_ =	shalt  }
0x50: {  	_ =	shalt  }
0x51: {  	_ =	shalt  }
0x52: {  	_ =	shalt  }
0x53: {  	_ =	shalt  }
0x54: {  	_ =	shalt  }
0x55: {  	_ =	shalt  }
0x56: {  	_ =	shalt  }
0x57: {  	_ =	shalt  }
0x58: {  	_ =	shalt  }
0x59: {  	_ =	shalt  }
0x5a: {  	_ =	shalt  }
0x5b: {  	_ =	shalt  }
0x5c: {  	_ =	shalt  }
0x5d: {  	_ =	shalt  }
0x5e: {  	_ =	shalt  }
0x5f: {  	_ =	shalt  }
0x60: {  	_ =	shalt  }
0x61: {  	_ =	shalt  }
0x62: {  	_ =	shalt  }
0x63: {  	_ =	shalt  }
0x64: {  	_ =	shalt  }
0x65: {  	_ =	shalt  }
0x66: {  	_ =	shalt  }
0x67: {  	_ =	shalt  }
0x68: {  	_ =	shalt  }
0x69: {  	_ =	shalt  }
0x6a: {  	_ =	shalt  }
0x6b: {  	_ =	shalt  }
0x6c: {  	_ =	shalt  }
0x6d: {  	_ =	shalt  }
0x6e: {  	_ =	shalt  }
0x6f: {  	_ =	shalt  }
0x70: {  	_ =	shalt  }
0x71: {  	_ =	shalt  }
0x72: {  	_ =	shalt  }
0x73: {  	_ =	shalt  }
0x74: {  	_ =	shalt  }
0x75: {  	_ =	shalt  }
0x76: {  	_ =	shalt  }
0x77: {  	_ =	shalt  }
0x78: {  	_ =	shalt  }
0x79: {  	_ =	shalt  }
0x7a: {  	_ =	shalt  }
0x7b: {  	_ =	shalt  }
0x7c: {  	_ =	shalt  }
0x7d: {  	_ =	shalt  }
0x7e: {  	_ =	shalt  }
0x7f: {  	_ =	shalt  }
0x80: {  	_ =	shalt  }
0x81: {  	_ =	shalt  }
0x82: {  	_ =	shalt  }
0x83: {  	_ =	shalt  }
0x84: {  	_ =	shalt  }
0x85: {  	_ =	shalt  }
0x86: {  	_ =	shalt  }
0x87: {  	_ =	shalt  }
.Lfunc_end0:
.L_simem_size_0:
called_computation_lowered:
.L_overlay_start_0:
0x88: {  	s2 =	sld [smem:$0x3FD9]  }
0x89: {  	s3 =	sld [smem:$0x3FFE];
	_ =	sdelay $0x1  }
0x8a: {  	s1 =	srdreg.scid  }
0x8b: {  	s0 =	sand.u32 $0x1, s1  }
0x8c: {  	s17 =	sshll.u32 s0, $0xA;
	s2 =	sadd.s32 s3, s2  }
0x8d: {  	s2 =	sadd.s32 s2, s17  }
0x8e: {  	[smem:$0x3FC6] =	sst s2  }
0x8f: {  	_ = 	snop  }
0x90: {  	s2 =	sld [smem:$0x3FD0];
	(tm) =	ssettm $0x1  }
0x91: {  	s18 =	sld [smem:$0x3FFB];
	_ =	sdelay $0x3  }
0x92: {  	_ =	strace s18  }
0x93: {  	s3 =	sld [smem:$0x3FFC];
	_ =	sdelay $0x3  }
0x94: {  	_ =	strace s3  }
0x95: {  	s3 =	sld [smem:$0x3FFD];
	_ =	sdelay $0x3  }
0x96: {  	_ =	strace s3  }
0x97: {  	_ =	strace $0x8FFFFFFF  }
0x98: {  	s19 =	sld [smem:$0x3FDB];
	_ =	sdelay $0x1  }
0x99: {  	s4 =	simm.s32 $_scs_section_size  }
0x9a: {  	s5 =	simm.s32 $_size__tile_overlayer_lowered;
	s6 =	simm.s32 $_tile_overlayer_lowered  }
0x9b: {  	s22 =	simm.s32 $0x1BFF;
	s21 =	sshll.u32 s6, $0x1;
	s3 =	sadd.s32 s4, s19  }
0x9c: {  	s7 =	simm.s32 $0x0;
	s20 =	sshll.u32 s5, $0x1;
	s5 =	sadd.s32 s21, s3  }
0x9d: {  	[timem:s7], [sflag:s22] =	dma.local [hbm:s5], s20  }
0x9e: {  	_ =	swait.ge [sflag:s22], s20  }
0x9f: {  	s4 =	ssub.s32 $0x0, s20;
	[sflag:s22] =	ssyncset.done $0x0  }
0xa0: {  	[sflag:s22] =	ssyncadd.s32 s4;
	_ =	sdelay $0x1  }
0xa1: {  	s23 =	simm.s32 $0x1B8B  }
0xa2: {  	_ =	swait.ge [sflag:s23], $0x1  }
0xa3: {  	[sflag:s23] =	ssyncset.done $0x0  }
0xa4: {  	s25 =	simm.s32 $0x1B8E;
	s24 =	sld [smem:$0x3FFE];
	[sflag:s23] =	ssyncadd.s32 $0xFFFFFFFF  }
0xa5: {  	s26 =	simm.s32 $execute0_lowered;
	[smem:$0x3FD2] =	sst s25  }
0xa6: {  	s5 =	sshll.u32 s26, $0x1;
	_ =	strace $0x80000046;
	[dreg:$0x1] =	wrdreg $0xFFFFFFFF  }
0xa7: {  	s28 =	simm.s32 $_size_execute0_lowered;
	s3 =	sadd.s32 s3, s5;
	[dreg:$0x0] =	wrdreg $0x0  }
0xa8: {  	s5 =	sshll.u32 s28, $0x1;
	[dreg:$0x2] =	wrdreg s3  }
0xa9: {  	[dreg:$0x3] =	wrdreg s5  }
0xaa: {  	[dreg:$0x4] =	wrdreg $0xC0  }
0xab: {  	_ =	task [dreg:s7], $0x5FFFF  }
0xac: {  	[dreg:$0x1] =	wrdreg $0xFFFFFFFF  }
0xad: {  	[dreg:$0x0] =	wrdreg $0x60  }
0xae: {  	[dreg:$0x2] =	wrdreg s2  }
0xaf: {  	[dreg:$0x3] =	wrdreg s24  }
0xb0: {  	[dreg:$0x4] =	wrdreg $0x9  }
0xb1: {  	_ =	task.clear_ibuf [dreg:s7], $0x5FFFF;
	_ =	strace $0x90000046  }
0xb2: {  	s29 =	simm.s32 $0x9;
	_ =	strace $0x80000048  }
0xb3: {  	_ =	swait.ge [sflag:s29], $0x1  }
0xb4: {  	[sflag:s29] =	ssyncadd.s32 $0xFFFFFFFF  }
0xb5: {  	_ =	strace $0x90000048  }
0xb6: {  	_ =	sfence  }
0xb7: {  	s30 =	sld [smem:$0x0];
	_ =	sdelay $0x2  }
0xb8: {  	s31 =	sshll.u32 s1, $0xD;
	s1 =	sshrl.u32 s1, $0x2  }
0xb9: {  	s3 =	sand.u32 $0x4000, s31;
	s1 =	sadd.s32 s1, s30  }
0xba: {  	s0 =	sor.u32 s3, s0;
	s1 =	sshll.u32 s1, $0x11  }
0xbb: {  	s0 =	sor.u32 s1, s0  }
0xbc: {  	s0 =	sadd.s32 $0x8F2B, s0  }
0xbd: {  	[sflag:s0] =	ssyncadd.remote.s32 $0x1  }
0xbe: {  	_ =	sfence.sel $0xFFFF  }
0xbf: {  	[dreg:$0x0] =	wrdreg $0xFFFFFFFF;
	(pc) =	sbr.abs _section_cstart, $3  }
0xc0: {  	[dreg:$0x1] =	wrdreg $0xFFFFFFFF  }
0xc1: {  	_ =	task.clear_ibuf [dreg:s7], $0x2FFFF;
	_ =	strace $0x9FFFFFFF  }
0xc2: {  	(tm) =	ssettm $0x7FFFFFFF  }
0xc3: {  	_ =	shalt  }
tec
execute0_lowered:
.L_overlay_start_1:
0x0: {  	(tag) =	ssettag $0x1  }
0x1: {  	s2 =	rddreg [dreg:$0x0];
	s1 =	srdreg.scid  }
0x2: {  	s0 =	stileid.u32;
	s4 =	rddreg [dreg:$0x1]  }
0x3: {  	s22 =	simm.s32 $0xA00;
	s24 =	simm.s32 $0x1200;
	s25 =	simm.s32 $0x1A00  }
0x4: {  	s26 =	simm.s32 $0x2200;
	s30 =	simm.s32 $0x2A00;
	s8 =	simm.s32 $0x3200  }
0x5: {  	s9 =	simm.s32 $0x4200;
	s31 =	simm.s32 $0x4A00;
	s10 =	simm.s32 $0x5A00  }
0x6: {  	s11 =	simm.s32 $0x6200;
	s12 =	simm.s32 $0x6A00;
	s13 =	simm.s32 $0x7200  }
0x7: {  	s14 =	simm.s32 $0x7A00;
	s5 =	sand.u32 $0x1, s1;
	s3 =	sshll.u32 s0, $0x1  }
0x8: {  	s1 =	rddreg [dreg:$0x2];
	s6 =	sor.u32 s5, s3;
	s3 =	simm.s32 $0x0  }
0x9: {  	s15 =	simm.s32 $0x8200;
	s16 =	simm.s32 $0x8A00;
	[smem:$0x7FF] =	sst s3  }
0xa: {  	s17 =	simm.s32 $0x9200;
	_ =	strace $0x80000047;
	[dreg:$0x4] =	wrdreg s22  }
0xb: {  	s18 =	simm.s32 $0x9A00;
	s19 =	simm.s32 $0xA200;
	[dreg:$0x5] =	wrdreg s24  }
0xc: {  	s20 =	simm.s32 $0xAA00;
	s28 =	simm.s32 $0x1;
	[dreg:$0x6] =	wrdreg s25  }
0xd: {  	s29 =	simm.s32 $0x2;
	s5 =	ssub.s32 $0x2, s5;
	[dreg:$0x7] =	wrdreg s26  }
0xe: {  	s7 =	sshll.u32 s6, $0x6;
	s6 =	smul.u32 $0x1C00, s6;
	[dreg:$0x8] =	wrdreg s30  }
0xf: {  	s23 =	sshrl.u32 s5, $0x1;
	s7 =	sadd.s32 s7, s4;
	[dreg:$0x9] =	wrdreg s8  }
0x10: {  	s5 =	ssub.s32 s5, s23;
	s8 =	simm.s32 $0x3A00;
	[dreg:$0xa] =	wrdreg s9  }
0x11: {  	[dreg:$0xb] =	wrdreg s31;
	s9 =	simm.s32 $0x5200;
	s22 =	simm.s32 $0xBA00  }
0x12: {  	s23 =	simm.s32 $0xC200;
	s24 =	simm.s32 $0xCA00;
	s25 =	simm.s32 $0xD200  }
0x13: {  	v2 =	vlaneseq.u32;
	s26 =	simm.s32 $0xDA00;
	s4 =	sadd.s32 s6, s4;
	s21 =	sadd.s32 $0x1000, s7  }
0x14: {  	vm0 =	vmmov $0xffff;
	v1 =	vshrl.u32 v2, $0x3;
	s5 =	smax.u32 s5, $0x1;
	s6 =	simm.s32 $0x3;
	s7 =	simm.s32 $0x200  }
0x15: {  	v0 =	vand.u32 $0x7, v2;
	v2 =	vor.u32 $0x8, v2;
	v1 =	vmul.u32 $0x8, v1;
	[dreg:$0x3] =	wrdreg s21;
	s4 =	sadd.s32 $0x1800, s4;
	s21 =	simm.s32 $0xB200  }
.LBB2_1:
0x16: {  	s30 =	rddreg [dreg:$0x3]  }
0x17: {  	[tilespmem:s3], [sflag:$0x3] =	stream.linear.gather [hbm4b:s30+s3], $0x200, $0x38;
	[tilespmem:$0xE200] =	vst v63  }
0x18: {  	_ =	swait.ge [sflag:s6], $0x200  }
0x19: {  	[sflag:s6] =	ssyncset.done $0x0  }
0x1a: {  	[sflag:s6] =	ssyncadd.s32 $0xFFFFFE00  }
0x1b: {  	v3 =	vld [tilespmem:$0x0];
	_ =	sdelay $0x4  }
0x1c: {  	v4 =	vshll.u32 v3, $0x1  }
0x1d: {  	v3 =	vand.u32 $0x7, v3;
	v4 =	vand.u32 $0xFFFFFFF0, v4  }
0x1e: {  	v3 =	vor.u32 v3, v4  }
0x1f: {  	v4 =	vperm.xlane v3, v0;
	_ =	sdelay $0x1  }
0x20: {  	v3 =	vperm.xlane v3, v2;
	v4 =	vadd.s32 v1, v4;
	_ =	sdelay $0x1  }
0x21: {  	v3 =	vadd.s32 v1, v3;
	_ =	sdelay $0x2  }
0x22: {  	[tilespmem:s7], [sflag:$0x1] =	stream.indirect_vreg.gather [hbm4b:s2+s3], $0x80, v4, vm0, $0xb8;
	[tilespmem:$0xE200] =	vst v63  }
0x23: {  	s31 =	rddreg [dreg:$0x4]  }
0x24: {  	[tilespmem:s31], [sflag:$0x1] =	stream.indirect_vreg.gather [hbm4b:s2+s3], $0x80, v3, vm0, $0xb8;
	[tilespmem:$0xE200] =	vst v63  }
0x25: {  	v3 =	vld [tilespmem:$0x10];
	_ =	sdelay $0x4  }
0x26: {  	v49 =	vshll.u32 v3, $0x1  }
0x27: {  	v3 =	vand.u32 $0x7, v3;
	v4 =	vand.u32 $0xFFFFFFF0, v49  }
0x28: {  	v3 =	vor.u32 v3, v4  }
0x29: {  	v4 =	vperm.xlane v3, v0;
	_ =	sdelay $0x1  }
0x2a: {  	v3 =	vperm.xlane v3, v2;
	v4 =	vadd.s32 v1, v4;
	_ =	sdelay $0x1  }
0x2b: {  	v3 =	vadd.s32 v1, v3;
	_ =	sdelay $0x1  }
0x2c: {  	s30 =	rddreg [dreg:$0x5]  }
0x2d: {  	[tilespmem:s30], [sflag:$0x1] =	stream.indirect_vreg.gather [hbm4b:s2+s3], $0x80, v4, vm0, $0xb8;
	[tilespmem:$0xE200] =	vst v63  }
0x2e: {  	s31 =	rddreg [dreg:$0x6]  }
0x2f: {  	[tilespmem:s31], [sflag:$0x1] =	stream.indirect_vreg.gather [hbm4b:s2+s3], $0x80, v3, vm0, $0xb8;
	[tilespmem:$0xE200] =	vst v63  }
0x30: {  	v3 =	vld [tilespmem:$0x20];
	_ =	sdelay $0x4  }
0x31: {  	v50 =	vshll.u32 v3, $0x1  }
0x32: {  	v3 =	vand.u32 $0x7, v3;
	v4 =	vand.u32 $0xFFFFFFF0, v50  }
0x33: {  	v3 =	vor.u32 v3, v4  }
0x34: {  	v4 =	vperm.xlane v3, v0;
	_ =	sdelay $0x1  }
0x35: {  	v3 =	vperm.xlane v3, v2;
	v4 =	vadd.s32 v1, v4;
	_ =	sdelay $0x1  }
0x36: {  	v3 =	vadd.s32 v1, v3;
	_ =	sdelay $0x1  }
0x37: {  	s30 =	rddreg [dreg:$0x7]  }
0x38: {  	[tilespmem:s30], [sflag:$0x1] =	stream.indirect_vreg.gather [hbm4b:s2+s3], $0x80, v4, vm0, $0xb8;
	[tilespmem:$0xE200] =	vst v63  }
0x39: {  	s31 =	rddreg [dreg:$0x8]  }
0x3a: {  	[tilespmem:s31], [sflag:$0x1] =	stream.indirect_vreg.gather [hbm4b:s2+s3], $0x80, v3, vm0, $0xb8;
	[tilespmem:$0xE200] =	vst v63  }
0x3b: {  	v3 =	vld.msk [tilespmem:$0x30], $0xff;
	_ =	sdelay $0x4  }
0x3c: {  	v51 =	vshll.u32 v3, $0x1  }
0x3d: {  	v3 =	vand.u32 $0x7, v3;
	v4 =	vand.u32 $0xFFFFFFF0, v51  }
0x3e: {  	v3 =	vor.u32 v3, v4  }
0x3f: {  	v3 =	vperm.xlane v3, v0;
	_ =	sdelay $0x1  }
0x40: {  	v3 =	vadd.s32 v1, v3;
	_ =	sdelay $0x3  }
0x41: {  	s31 =	rddreg [dreg:$0x9]  }
0x42: {  	[tilespmem:s31], [sflag:$0x1] =	stream.indirect_vreg.gather [hbm4b:s2+s3], $0x80, v3, vm0, $0xb8;
	[tilespmem:$0xE200] =	vst v63  }
0x43: {  	v3 =	vld [tilespmem:$0x80];
	_ =	sdelay $0x4  }
0x44: {  	v52 =	vshll.u32 v3, $0x1  }
0x45: {  	v3 =	vand.u32 $0x7, v3;
	v4 =	vand.u32 $0xFFFFFFF0, v52  }
0x46: {  	v3 =	vor.u32 v3, v4  }
0x47: {  	v4 =	vperm.xlane v3, v0;
	_ =	sdelay $0x1  }
0x48: {  	v3 =	vperm.xlane v3, v2;
	v4 =	vadd.s32 v1, v4;
	_ =	sdelay $0x1  }
0x49: {  	v3 =	vadd.s32 v1, v3;
	_ =	sdelay $0x2  }
0x4a: {  	[tilespmem:s8], [sflag:$0x1] =	stream.indirect_vreg.gather [hbm4b:s2+s3], $0x80, v4, vm0, $0xb8;
	[tilespmem:$0xE200] =	vst v63  }
0x4b: {  	s31 =	rddreg [dreg:$0xa]  }
0x4c: {  	[tilespmem:s31], [sflag:$0x1] =	stream.indirect_vreg.gather [hbm4b:s2+s3], $0x80, v3, vm0, $0xb8;
	[tilespmem:$0xE200] =	vst v63  }
0x4d: {  	v3 =	vld [tilespmem:$0x90];
	_ =	sdelay $0x4  }
0x4e: {  	v53 =	vshll.u32 v3, $0x1  }
0x4f: {  	v3 =	vand.u32 $0x7, v3;
	v4 =	vand.u32 $0xFFFFFFF0, v53  }
0x50: {  	v3 =	vor.u32 v3, v4  }
0x51: {  	v4 =	vperm.xlane v3, v0;
	_ =	sdelay $0x1  }
0x52: {  	v3 =	vperm.xlane v3, v2;
	v4 =	vadd.s32 v1, v4;
	_ =	sdelay $0x1  }
0x53: {  	v3 =	vadd.s32 v1, v3;
	_ =	sdelay $0x1  }
0x54: {  	s31 =	rddreg [dreg:$0xb]  }
0x55: {  	[tilespmem:s31], [sflag:$0x1] =	stream.indirect_vreg.gather [hbm4b:s2+s3], $0x80, v4, vm0, $0xb8;
	[tilespmem:$0xE200] =	vst v63  }
0x56: {  	_ = 	snop  }
0x57: {  	[tilespmem:s9], [sflag:$0x1] =	stream.indirect_vreg.gather [hbm4b:s2+s3], $0x80, v3, vm0, $0xb8;
	[tilespmem:$0xE200] =	vst v63  }
0x58: {  	v3 =	vld [tilespmem:$0xA0];
	_ =	sdelay $0x4  }
0x59: {  	v54 =	vshll.u32 v3, $0x1  }
0x5a: {  	v3 =	vand.u32 $0x7, v3;
	v4 =	vand.u32 $0xFFFFFFF0, v54  }
0x5b: {  	v3 =	vor.u32 v3, v4  }
0x5c: {  	v4 =	vperm.xlane v3, v0;
	_ =	sdelay $0x1  }
0x5d: {  	v3 =	vperm.xlane v3, v2;
	v4 =	vadd.s32 v1, v4;
	_ =	sdelay $0x1  }
0x5e: {  	v3 =	vadd.s32 v1, v3;
	_ =	sdelay $0x2  }
0x5f: {  	[tilespmem:s10], [sflag:$0x1] =	stream.indirect_vreg.gather [hbm4b:s2+s3], $0x80, v4, vm0, $0xb8;
	[tilespmem:$0xE200] =	vst v63  }
0x60: {  	_ = 	snop  }
0x61: {  	[tilespmem:s11], [sflag:$0x1] =	stream.indirect_vreg.gather [hbm4b:s2+s3], $0x80, v3, vm0, $0xb8;
	[tilespmem:$0xE200] =	vst v63  }
0x62: {  	v3 =	vld.msk [tilespmem:$0xB0], $0xff;
	_ =	sdelay $0x4  }
0x63: {  	v55 =	vshll.u32 v3, $0x1  }
0x64: {  	v3 =	vand.u32 $0x7, v3;
	v4 =	vand.u32 $0xFFFFFFF0, v55  }
0x65: {  	v3 =	vor.u32 v3, v4  }
0x66: {  	v3 =	vperm.xlane v3, v0;
	_ =	sdelay $0x1  }
0x67: {  	v3 =	vadd.s32 v1, v3;
	_ =	sdelay $0x4  }
0x68: {  	[tilespmem:s12], [sflag:$0x1] =	stream.indirect_vreg.gather [hbm4b:s2+s3], $0x80, v3, vm0, $0xb8;
	[tilespmem:$0xE200] =	vst v63  }
0x69: {  	v3 =	vld [tilespmem:$0x100];
	_ =	sdelay $0x4  }
0x6a: {  	v56 =	vshll.u32 v3, $0x1  }
0x6b: {  	v3 =	vand.u32 $0x7, v3;
	v4 =	vand.u32 $0xFFFFFFF0, v56  }
0x6c: {  	v3 =	vor.u32 v3, v4  }
0x6d: {  	v4 =	vperm.xlane v3, v0;
	_ =	sdelay $0x1  }
0x6e: {  	v3 =	vperm.xlane v3, v2;
	v4 =	vadd.s32 v1, v4;
	_ =	sdelay $0x1  }
0x6f: {  	v3 =	vadd.s32 v1, v3;
	_ =	sdelay $0x2  }
0x70: {  	[tilespmem:s13], [sflag:$0x1] =	stream.indirect_vreg.gather [hbm4b:s2+s3], $0x80, v4, vm0, $0xb8;
	[tilespmem:$0xE200] =	vst v63  }
0x71: {  	_ = 	snop  }
0x72: {  	[tilespmem:s14], [sflag:$0x1] =	stream.indirect_vreg.gather [hbm4b:s2+s3], $0x80, v3, vm0, $0xb8;
	[tilespmem:$0xE200] =	vst v63  }
0x73: {  	v3 =	vld [tilespmem:$0x110];
	_ =	sdelay $0x4  }
0x74: {  	v57 =	vshll.u32 v3, $0x1  }
0x75: {  	v3 =	vand.u32 $0x7, v3;
	v4 =	vand.u32 $0xFFFFFFF0, v57  }
0x76: {  	v3 =	vor.u32 v3, v4  }
0x77: {  	v4 =	vperm.xlane v3, v0;
	_ =	sdelay $0x1  }
0x78: {  	v3 =	vperm.xlane v3, v2;
	v4 =	vadd.s32 v1, v4;
	_ =	sdelay $0x1  }
0x79: {  	v3 =	vadd.s32 v1, v3;
	_ =	sdelay $0x2  }
0x7a: {  	[tilespmem:s15], [sflag:$0x1] =	stream.indirect_vreg.gather [hbm4b:s2+s3], $0x80, v4, vm0, $0xb8;
	[tilespmem:$0xE200] =	vst v63  }
0x7b: {  	_ = 	snop  }
0x7c: {  	[tilespmem:s16], [sflag:$0x1] =	stream.indirect_vreg.gather [hbm4b:s2+s3], $0x80, v3, vm0, $0xb8;
	[tilespmem:$0xE200] =	vst v63  }
0x7d: {  	v3 =	vld [tilespmem:$0x120];
	_ =	sdelay $0x4  }
0x7e: {  	v58 =	vshll.u32 v3, $0x1  }
0x7f: {  	v3 =	vand.u32 $0x7, v3;
	v4 =	vand.u32 $0xFFFFFFF0, v58  }
0x80: {  	v3 =	vor.u32 v3, v4  }
0x81: {  	v4 =	vperm.xlane v3, v0;
	_ =	sdelay $0x1  }
0x82: {  	v3 =	vperm.xlane v3, v2;
	v4 =	vadd.s32 v1, v4;
	_ =	sdelay $0x1  }
0x83: {  	v3 =	vadd.s32 v1, v3;
	_ =	sdelay $0x2  }
0x84: {  	[tilespmem:s17], [sflag:$0x1] =	stream.indirect_vreg.gather [hbm4b:s2+s3], $0x80, v4, vm0, $0xb8;
	[tilespmem:$0xE200] =	vst v63  }
0x85: {  	_ = 	snop  }
0x86: {  	[tilespmem:s18], [sflag:$0x1] =	stream.indirect_vreg.gather [hbm4b:s2+s3], $0x80, v3, vm0, $0xb8;
	[tilespmem:$0xE200] =	vst v63  }
0x87: {  	v3 =	vld.msk [tilespmem:$0x130], $0xff;
	_ =	sdelay $0x4  }
0x88: {  	v59 =	vshll.u32 v3, $0x1  }
0x89: {  	v3 =	vand.u32 $0x7, v3;
	v4 =	vand.u32 $0xFFFFFFF0, v59  }
0x8a: {  	v3 =	vor.u32 v3, v4  }
0x8b: {  	v3 =	vperm.xlane v3, v0;
	_ =	sdelay $0x1  }
0x8c: {  	v3 =	vadd.s32 v1, v3;
	_ =	sdelay $0x4  }
0x8d: {  	[tilespmem:s19], [sflag:$0x1] =	stream.indirect_vreg.gather [hbm4b:s2+s3], $0x80, v3, vm0, $0xb8;
	[tilespmem:$0xE200] =	vst v63  }
0x8e: {  	v3 =	vld [tilespmem:$0x180];
	_ =	sdelay $0x4  }
0x8f: {  	v60 =	vshll.u32 v3, $0x1  }
0x90: {  	v3 =	vand.u32 $0x7, v3;
	v4 =	vand.u32 $0xFFFFFFF0, v60  }
0x91: {  	v3 =	vor.u32 v3, v4  }
0x92: {  	v4 =	vperm.xlane v3, v0;
	_ =	sdelay $0x1  }
0x93: {  	v3 =	vperm.xlane v3, v2;
	v4 =	vadd.s32 v1, v4;
	_ =	sdelay $0x1  }
0x94: {  	v3 =	vadd.s32 v1, v3;
	_ =	sdelay $0x2  }
0x95: {  	[tilespmem:s20], [sflag:$0x1] =	stream.indirect_vreg.gather [hbm4b:s2+s3], $0x80, v4, vm0, $0xb8;
	[tilespmem:$0xE200] =	vst v63  }
0x96: {  	_ = 	snop  }
0x97: {  	[tilespmem:s21], [sflag:$0x1] =	stream.indirect_vreg.gather [hbm4b:s2+s3], $0x80, v3, vm0, $0xb8;
	[tilespmem:$0xE200] =	vst v63  }
0x98: {  	v3 =	vld [tilespmem:$0x190];
	_ =	sdelay $0x4  }
0x99: {  	v61 =	vshll.u32 v3, $0x1  }
0x9a: {  	v3 =	vand.u32 $0x7, v3;
	v4 =	vand.u32 $0xFFFFFFF0, v61  }
0x9b: {  	v3 =	vor.u32 v3, v4  }
0x9c: {  	v4 =	vperm.xlane v3, v0;
	_ =	sdelay $0x1  }
0x9d: {  	v3 =	vperm.xlane v3, v2;
	v4 =	vadd.s32 v1, v4;
	_ =	sdelay $0x1  }
0x9e: {  	v3 =	vadd.s32 v1, v3;
	_ =	sdelay $0x2  }
0x9f: {  	[tilespmem:s22], [sflag:$0x1] =	stream.indirect_vreg.gather [hbm4b:s2+s3], $0x80, v4, vm0, $0xb8;
	[tilespmem:$0xE200] =	vst v63  }
0xa0: {  	_ = 	snop  }
0xa1: {  	[tilespmem:s23], [sflag:$0x1] =	stream.indirect_vreg.gather [hbm4b:s2+s3], $0x80, v3, vm0, $0xb8;
	[tilespmem:$0xE200] =	vst v63  }
0xa2: {  	v3 =	vld [tilespmem:$0x1A0];
	_ =	sdelay $0x4  }
0xa3: {  	v62 =	vshll.u32 v3, $0x1  }
0xa4: {  	v3 =	vand.u32 $0x7, v3;
	v4 =	vand.u32 $0xFFFFFFF0, v62  }
0xa5: {  	v3 =	vor.u32 v3, v4  }
0xa6: {  	v4 =	vperm.xlane v3, v0;
	_ =	sdelay $0x1  }
0xa7: {  	v3 =	vperm.xlane v3, v2;
	v4 =	vadd.s32 v1, v4;
	_ =	sdelay $0x1  }
0xa8: {  	v3 =	vadd.s32 v1, v3;
	_ =	sdelay $0x2  }
0xa9: {  	[tilespmem:s24], [sflag:$0x1] =	stream.indirect_vreg.gather [hbm4b:s2+s3], $0x80, v4, vm0, $0xb8;
	[tilespmem:$0xE200] =	vst v63  }
0xaa: {  	_ = 	snop  }
0xab: {  	[tilespmem:s25], [sflag:$0x1] =	stream.indirect_vreg.gather [hbm4b:s2+s3], $0x80, v3, vm0, $0xb8;
	[tilespmem:$0xE200] =	vst v63  }
0xac: {  	v3 =	vld.msk [tilespmem:$0x1B0], $0xff;
	_ =	sdelay $0x4  }
0xad: {  	v63 =	vshll.u32 v3, $0x1  }
0xae: {  	v3 =	vand.u32 $0x7, v3;
	v4 =	vand.u32 $0xFFFFFFF0, v63  }
0xaf: {  	v3 =	vor.u32 v3, v4  }
0xb0: {  	v3 =	vperm.xlane v3, v0;
	_ =	sdelay $0x1  }
0xb1: {  	v3 =	vadd.s32 v1, v3;
	_ =	sdelay $0x4  }
0xb2: {  	[tilespmem:s26], [sflag:$0x1] =	stream.indirect_vreg.gather [hbm4b:s2+s3], $0x80, v3, vm0, $0xb8;
	[tilespmem:$0xE200] =	vst v63  }
0xb3: {  	_ =	swait.ge [sflag:s28], $0x3800  }
0xb4: {  	[sflag:s28] =	ssyncset.done $0x0  }
0xb5: {  	[sflag:s28] =	ssyncadd.s32 $0xFFFFC800  }
0xb6: {  	[hbm4b:s4+s3] =	stream.linear.scatter [tilespmem:s7], [sflag:$0x2], $0x3800, $0x38;
	[tilespmem:$0xE200] =	vst v63  }
0xb7: {  	_ =	swait.ge [sflag:s28], $0x3800  }
0xb8: {  	[sflag:s28] =	ssyncset.done $0x0  }
0xb9: {  	s31 =	sadd.s32 $0x700, s4;
	[sflag:s28] =	ssyncadd.s32 $0xFFFFC800  }
0xba: {  	[hbm4b:s31+s3] =	stream.linear.scatter [tilespmem:s8], [sflag:$0x2], $0x3800, $0x38;
	[tilespmem:$0xE200] =	vst v63  }
0xbb: {  	_ =	swait.ge [sflag:s28], $0x3800  }
0xbc: {  	[sflag:s28] =	ssyncset.done $0x0  }
0xbd: {  	s31 =	sadd.s32 $0xE00, s4;
	[sflag:s28] =	ssyncadd.s32 $0xFFFFC800  }
0xbe: {  	[hbm4b:s31+s3] =	stream.linear.scatter [tilespmem:s13], [sflag:$0x2], $0x3800, $0x38;
	[tilespmem:$0xE200] =	vst v63  }
0xbf: {  	_ =	swait.ge [sflag:s28], $0x3800  }
0xc0: {  	[sflag:s28] =	ssyncset.done $0x0  }
0xc1: {  	s31 =	sadd.s32 $0x1500, s4;
	[sflag:s28] =	ssyncadd.s32 $0xFFFFC800  }
0xc2: {  	[hbm4b:s31+s3] =	stream.linear.scatter [tilespmem:s20], [sflag:$0x2], $0x3800, $0x38;
	[tilespmem:$0xE200] =	vst v63  }
0xc3: {  	_ =	swait.ge [sflag:s29], $0x3800  }
0xc4: {  	[sflag:s29] =	ssyncset.done $0x0  }
0xc5: {  	[sflag:s29] =	ssyncadd.s32 $0xFFFFC800  }
0xc6: {  	_ =	swait.ge [sflag:s29], $0x3800  }
0xc7: {  	[sflag:s29] =	ssyncset.done $0x0  }
0xc8: {  	[sflag:s29] =	ssyncadd.s32 $0xFFFFC800  }
0xc9: {  	p0 =	sne.s32 s5, $0x1;
	_ =	swait.ge [sflag:s29], $0x3800  }
.Ltmp0:
0xca: {  	[sflag:s29] =	ssyncset.done $0x0;
	(pc) =	sbr.rel @p0 .LBB2_1-.Ltmp0, $4  }
0xcb: {  	[sflag:s29] =	ssyncadd.s32 $0xFFFFC800  }
0xcc: {  	_ =	swait.ge [sflag:s29], $0x3800  }
0xcd: {  	[sflag:s29] =	ssyncset.done $0x0  }
0xce: {  	s5 =	sadd.s32 $0xFFFFFFFF, s5;
	[sflag:s29] =	ssyncadd.s32 $0xFFFFC800  }
0xcf: {  	_ =	sfence.sel $0x180000  }
0xd0: {  	[bflag:$0x0] =	sbarrier.arrive $0xFFFF  }
0xd1: {  	p0 =	sne.s32 s0, $0x0;
	_ =	strace $0x90000047  }
0xd2: {  	s0 =	sadd.s32 @!p0 $0x100000, s1;
	[bflag:$0x2] =	sbarrier.arrive $0xFFFF  }
0xd3: {  	[sflag:s0] =	ssyncadd.tile.s32 @!p0 $0x1;
	_ =	shalt  }
.Lfunc_end2:
_tile_overlayer_lowered:
.L_overlay_start_2:
0xd4: {  	(tag) =	ssettag $0x2  }
0xd5: {  	s0 =	rddreg [dreg:$0x0];
	s2 =	stileid.u32  }
0xd6: {  	s1 =	rddreg [dreg:$0x1];
	p0 =	sne.s32 s2, $0x0  }
0xd7: {  	s3 =	rddreg [dreg:$0x2];
	[bflag:$0x3] =	sbarrier.arrive $0xFFFF;
	s2 =	simm.s32 @!p0 $0x1C03  }
0xd8: {  	[timem:s3], [sflag:s2] =	dma.local @!p0 [hbm:s0], s1  }
0xd9: {  	s0 =	simm.s32 @!p0 $0x3  }
0xda: {  	_ =	swait.ge @!p0 [sflag:s0], s1  }
0xdb: {  	s1 =	ssub.s32 @!p0 $0x0, s1;
	[sflag:s0] =	ssyncset.done @!p0 $0x0  }
0xdc: {  	[sflag:s0] =	ssyncadd.s32 @!p0 s1  }
0xdd: {  	[bflag:$0x3] =	sbarrier.arrive $0xFFFF  }
0xde: {  	_ =	shalt  }

</sc_bundles>
